<compile_context>
chip_gen: v7x
topology: tpu7x:2x2x1
jax: 0.10.2.dev20260603
libtpu: 0.0.44.dev20260713+nightly
codegen_flags: <defaults>
</compile_context>

<pallas_src>
import jax
import jax.numpy as jnp
from jax import lax
from jax.experimental import pallas as pl
from jax.experimental.pallas import tpu as pltpu
from jax.experimental.pallas import tpu_sc as plsc

N = 10000
D = 128
BETA = 0.5
NC = 2
NS = 16
NW = NC * NS
ROW = 128
ICH = 8
NP = 10240
ZCH = NP // NS
BLK = 1000
GRID = N // BLK
DBLK = 1024



def _sc_agg_body(with_deg, m_hbm, src_hbm, dst_hbm, zacc_hbm, *rest):
    if with_deg:
        (zdeg_hbm, agg_out, deg_out, acc_sh, deg_sh, srcb, dstb,
         srcb2, dstb2, rows0, rows1, ones_v,
         gsem0, gsem1, isem0, isem1, dsem) = rest
    else:
        zdeg_hbm = deg_out = deg_sh = ones_v = dsem = None
        (agg_out, acc_sh, srcb, dstb, srcb2, dstb2, rows0, rows1,
         gsem0, gsem1, isem0, isem1) = rest

    c = lax.axis_index("c")
    s = lax.axis_index("s")
    w = c * NS + s
    nrows = src_hbm.shape[0] // NW
    base = w * nrows

    pltpu.sync_copy(zacc_hbm.at[pl.ds(s * ZCH, ZCH)],
                    acc_sh.at[pl.ds(s * ZCH, ZCH)])
    if with_deg:
        pltpu.sync_copy(zdeg_hbm.at[pl.ds(s * ZCH, ZCH)],
                        deg_sh.at[pl.ds(s * ZCH, ZCH)])
        for k in range(ROW // 16):
            ones_v[pl.ds(k * 16, 16)] = jnp.ones((16,), jnp.float32)
    plsc.subcore_barrier()

    nchunks = nrows // ICH

    def idx_load(ci, sb, db, isem):
        rb = base + ci * ICH
        pltpu.async_copy(src_hbm.at[pl.ds(rb, ICH)], sb, isem)
        pltpu.async_copy(dst_hbm.at[pl.ds(rb, ICH)], db, isem)

    def idx_wait(ci, sb, db, isem):
        rb = base + ci * ICH
        pltpu.make_async_copy(src_hbm.at[pl.ds(rb, ICH)], sb, isem).wait()
        pltpu.make_async_copy(dst_hbm.at[pl.ds(rb, ICH)], db, isem).wait()

    def chunk_steps(sb, db, nb, next_cond):
        def istep(jj, carry):
            for b in range(2):
                j = 2 * jj + b
                buf, sem = (rows0, gsem0) if b == 0 else (rows1, gsem1)
                pltpu.make_async_copy(m_hbm.at[sb.at[j]], buf, sem).wait()
                pltpu.sync_copy(buf, acc_sh.at[db.at[j]], add=True)
                if with_deg:
                    pltpu.async_copy(ones_v, deg_sh.at[db.at[j]], dsem,
                                     add=True)
                pltpu.async_copy(m_hbm.at[sb.at[j + 2]], buf, sem)
            return carry

        lax.fori_loop(0, ICH // 2 - 1, istep, 0)
        for j in (ICH - 2, ICH - 1):
            buf, sem = (rows0, gsem0) if j % 2 == 0 else (rows1, gsem1)
            pltpu.make_async_copy(m_hbm.at[sb.at[j]], buf, sem).wait()
            pltpu.sync_copy(buf, acc_sh.at[db.at[j]], add=True)
            if with_deg:
                pltpu.async_copy(ones_v, deg_sh.at[db.at[j]], dsem,
                                 add=True)

            @pl.when(next_cond)
            def _():
                pltpu.async_copy(m_hbm.at[nb.at[j - (ICH - 2)]], buf, sem)

        if with_deg:
            for j in range(ICH):
                pltpu.make_async_copy(ones_v, deg_sh.at[db.at[j]],
                                      dsem).wait()

    idx_load(0, srcb, dstb, isem0)
    idx_load(1, srcb2, dstb2, isem1)
    idx_wait(0, srcb, dstb, isem0)
    pltpu.async_copy(m_hbm.at[srcb.at[0]], rows0, gsem0)
    pltpu.async_copy(m_hbm.at[srcb.at[1]], rows1, gsem1)

    def pair_body(i, carry):
        c0 = 2 * i
        idx_wait(c0 + 1, srcb2, dstb2, isem1)
        chunk_steps(srcb, dstb, srcb2, True)
        more = c0 + 2 < nchunks

        @pl.when(more)
        def _():
            idx_load(c0 + 2, srcb, dstb, isem0)
            idx_wait(c0 + 2, srcb, dstb, isem0)

        chunk_steps(srcb2, dstb2, srcb, more)

        @pl.when(c0 + 3 < nchunks)
        def _():
            idx_load(c0 + 3, srcb2, dstb2, isem1)

        return carry

    lax.fori_loop(0, nchunks // 2, pair_body, 0)
    plsc.subcore_barrier()

    pltpu.sync_copy(acc_sh.at[pl.ds(s * ZCH, ZCH)],
                    agg_out.at[c, pl.ds(s * ZCH, ZCH)])
    if with_deg:
        pltpu.sync_copy(deg_sh.at[pl.ds(s * ZCH, ZCH)],
                        deg_out.at[pl.ds(c * NP + s * ZCH, ZCH)])


def _make_sc_agg(with_deg):
    mesh = plsc.VectorSubcoreMesh(core_axis_name="c", subcore_axis_name="s",
                                  num_cores=NC, num_subcores=NS)
    out_type = [jax.ShapeDtypeStruct((NC, NP, D), jnp.float32)]
    scratch_types = [
        pltpu.VMEM_SHARED((NP, D), jnp.float32),
        pltpu.VMEM((ICH, ROW), jnp.int32),
        pltpu.VMEM((ICH, ROW), jnp.int32),
        pltpu.VMEM((ICH, ROW), jnp.int32),
        pltpu.VMEM((ICH, ROW), jnp.int32),
        pltpu.VMEM((ROW, D), jnp.float32),
        pltpu.VMEM((ROW, D), jnp.float32),
        pltpu.SemaphoreType.DMA,
        pltpu.SemaphoreType.DMA,
        pltpu.SemaphoreType.DMA,
        pltpu.SemaphoreType.DMA,
    ]
    if with_deg:
        out_type.append(jax.ShapeDtypeStruct((NC * NP,), jnp.float32))
        scratch_types = ([scratch_types[0],
                          pltpu.VMEM_SHARED((NP,), jnp.float32)]
                         + scratch_types[1:7]
                         + [pltpu.VMEM((ROW,), jnp.float32)]
                         + scratch_types[7:]
                         + [pltpu.SemaphoreType.DMA])

        def body(m, src, dst, zacc, zdeg, agg_out, deg_out,
                 acc_sh, deg_sh, srcb, dstb, srcb2, dstb2, rows0, rows1,
                 ones_v, gsem0, gsem1, isem0, isem1, dsem):
            _sc_agg_body(True, m, src, dst, zacc, zdeg, agg_out, deg_out,
                         acc_sh, deg_sh, srcb, dstb, srcb2, dstb2,
                         rows0, rows1, ones_v, gsem0, gsem1, isem0, isem1,
                         dsem)
    else:
        def body(m, src, dst, zacc, agg_out,
                 acc_sh, srcb, dstb, srcb2, dstb2, rows0, rows1,
                 gsem0, gsem1, isem0, isem1):
            _sc_agg_body(False, m, src, dst, zacc, agg_out,
                         acc_sh, srcb, dstb, srcb2, dstb2, rows0, rows1,
                         gsem0, gsem1, isem0, isem1)

    return pl.kernel(body, out_type=out_type, mesh=mesh,
                     scratch_types=scratch_types)



def _tc_in(x_ref, g_ref, b_ref, wi_ref, bi_ref, w1_ref, b1_ref,
           v1_ref, m1_ref):
    x = x_ref[...]
    mu = jnp.mean(x, axis=1, keepdims=True)
    xc = x - mu
    var = jnp.mean(xc * xc, axis=1, keepdims=True)
    xn = xc * lax.rsqrt(var + 1e-5) * g_ref[...] + b_ref[...]
    v1 = jnp.maximum(
        jnp.dot(xn, wi_ref[...], preferred_element_type=jnp.float32)
        + bi_ref[...], 0.0)
    v1_ref[...] = v1
    m1_ref[...] = (jnp.dot(v1, w1_ref[...], preferred_element_type=jnp.float32)
                   + b1_ref[...])


def _tc_deg(deg_ref, dinv_ref):
    d = deg_ref[0] + deg_ref[1] + 1.0
    dinv_ref[...] = (1.0 / d).reshape(DBLK, 1)


def _tc_edges(ei_ref, s_ref, d_ref):
    nfull = ei_ref.shape[1]
    npad = s_ref.shape[0] - nfull
    row = lax.broadcasted_iota(jnp.int32, (npad, ROW), 0)
    lane = lax.broadcasted_iota(jnp.int32, (npad, ROW), 1)
    flat = row * ROW + lane
    spad = flat % N
    dpad = N + flat % (NP - N)
    s_ref[...] = jnp.concatenate([ei_ref[0], spad], axis=0)
    d_ref[...] = jnp.concatenate([ei_ref[1], dpad], axis=0)


def _tc_mid(v1_ref, m1_ref, agg_ref, dinv_ref, w2_ref, b2_ref,
            v2_ref, m2_ref):
    a = agg_ref[0] + agg_ref[1]
    m1 = m1_ref[...]
    dinv = dinv_ref[...]
    out = jnp.maximum((a + m1) * dinv, 0.0)
    v2 = BETA * v1_ref[...] + (1.0 - BETA) * out
    v2_ref[...] = v2
    m2_ref[...] = (jnp.dot(v2, w2_ref[...], preferred_element_type=jnp.float32)
                   + b2_ref[...])


def _tc_out(v2_ref, m2_ref, agg_ref, dinv_ref, o_ref):
    a = agg_ref[0] + agg_ref[1] + m2_ref[...]
    out = jnp.maximum(a * dinv_ref[...], 0.0)
    t2 = BETA * v2_ref[...] + (1.0 - BETA) * out
    nsq = jnp.sum(t2 * t2, axis=1, keepdims=True)
    n = jnp.maximum(jnp.sqrt(nsq), 1e-7)
    en = jnp.exp(n)
    einv = 1.0 / en
    o_ref[...] = jnp.concatenate(
        [0.5 * (en + einv), (0.5 * (en - einv) / n) * t2], axis=1)


def _row_spec(b, d):
    return pl.BlockSpec((b, d), lambda i: (i, 0))


def _full_spec(shape):
    nd = len(shape)
    return pl.BlockSpec(shape, lambda i: (0,) * nd)


def _agg_spec(dw):
    return pl.BlockSpec((NC, BLK, dw), lambda i: (0, i, 0))



def kernel(x, edge_index, ln_g, ln_b, W_in, b_in, W1, b1, W2, b2):
    e = edge_index.shape[1]
    align = NW * ROW * ICH * 2
    ep = ((e + align - 1) // align) * align
    ei2 = edge_index.astype(jnp.int32).reshape(2, e // ROW, ROW)
    src2d, dst2d = pl.pallas_call(
        _tc_edges,
        grid=(1,),
        in_specs=[_full_spec((2, e // ROW, ROW))],
        out_specs=[_full_spec((ep // ROW, ROW)), _full_spec((ep // ROW, ROW))],
        out_shape=[jax.ShapeDtypeStruct((ep // ROW, ROW), jnp.int32),
                   jax.ShapeDtypeStruct((ep // ROW, ROW), jnp.int32)],
    )(ei2)
    zacc = jnp.zeros((NP, D), jnp.float32)
    zdeg = jnp.zeros((NP,), jnp.float32)

    g2 = ln_g.reshape(1, D)
    bn2 = ln_b.reshape(1, D)
    bi2 = b_in.reshape(1, D)
    b12 = b1.reshape(1, D)
    b22 = b2.reshape(1, D)

    v1, m1a = pl.pallas_call(
        _tc_in,
        grid=(GRID,),
        in_specs=[_row_spec(BLK, D), _full_spec((1, D)), _full_spec((1, D)),
                  _full_spec((D, D)), _full_spec((1, D)),
                  _full_spec((D, D)), _full_spec((1, D))],
        out_specs=[_row_spec(BLK, D), _row_spec(BLK, D)],
        out_shape=[jax.ShapeDtypeStruct((N, D), jnp.float32),
                   jax.ShapeDtypeStruct((N, D), jnp.float32)],
    )(x, g2, bn2, W_in, bi2, W1, b12)

    agg1, degp = _make_sc_agg(True)(m1a, src2d, dst2d, zacc, zdeg)

    dinv = pl.pallas_call(
        _tc_deg,
        grid=(NP // DBLK,),
        in_specs=[pl.BlockSpec((NC, DBLK), lambda i: (0, i))],
        out_specs=_row_spec(DBLK, 1),
        out_shape=jax.ShapeDtypeStruct((N, 1), jnp.float32),
    )(degp.reshape(NC, NP))

    v2, m2 = pl.pallas_call(
        _tc_mid,
        grid=(GRID,),
        in_specs=[_row_spec(BLK, D), _row_spec(BLK, D),
                  _agg_spec(D), _row_spec(BLK, 1),
                  _full_spec((D, D)), _full_spec((1, D))],
        out_specs=[_row_spec(BLK, D), _row_spec(BLK, D)],
        out_shape=[jax.ShapeDtypeStruct((N, D), jnp.float32),
                   jax.ShapeDtypeStruct((N, D), jnp.float32)],
    )(v1, m1a, agg1, dinv, W2, b22)

    (agg2,) = _make_sc_agg(False)(m2, src2d, dst2d, zacc)

    return pl.pallas_call(
        _tc_out,
        grid=(GRID,),
        in_specs=[_row_spec(BLK, D), _row_spec(BLK, D),
                  _agg_spec(D), _row_spec(BLK, 1)],
        out_specs=_row_spec(BLK, D + 1),
        out_shape=jax.ShapeDtypeStruct((N, D + 1), jnp.float32),
    )(v2, m2, agg2, dinv)

# --- scband reference (transcript-rebuilt; emitter-appended) ---
"""Pipeline reference for scband-hgcn-10574209483388 (READ-ONLY COPY).

The authoritative reference and input builder live on the scoring server;
editing this copy changes nothing except your own understanding.
"""

import jax, jax.numpy as jnp
import numpy as np

N = 10000
E = 320000
D = 128
C = 1.0
BETA = 0.5


def _layernorm(x, g, b):
    m = jnp.mean(x, axis=-1, keepdims=True)
    v = jnp.var(x, axis=-1, keepdims=True)
    return (x - m) / jnp.sqrt(v + 1e-5) * g + b


def _expmap0(v, c):
    # Lorentz exponential map at the origin; returns (N, d+1) points on hyperboloid
    sqrtK = 1.0 / jnp.sqrt(c)
    n = jnp.clip(jnp.linalg.norm(v, axis=-1, keepdims=True), 1e-7, None)
    t = sqrtK * jnp.cosh(n / sqrtK)
    s = sqrtK * jnp.sinh(n / sqrtK) * (v / n)
    return jnp.concatenate([t, s], axis=-1)


def _logmap0(x, c):
    # Lorentz log map at origin; returns tangent vectors (N, d)
    sqrtK = 1.0 / jnp.sqrt(c)
    t = x[..., :1]
    s = x[..., 1:]
    sn = jnp.clip(jnp.linalg.norm(s, axis=-1, keepdims=True), 1e-7, None)
    d = sqrtK * jnp.arccosh(jnp.clip(t / sqrtK, 1.0 + 1e-7, None))
    return d * (s / sn)


def setup_inputs(seed: int = 0) -> dict:
    key = jax.random.key(seed)
    ks = jax.random.split(key, 10)
    x = jax.random.normal(ks[0], (N, D), dtype=jnp.float32)
    edge_index = jax.random.randint(ks[1], (2, E), 0, N, dtype=jnp.int64)
    ln_g = jnp.ones((D,), dtype=jnp.float32)
    ln_b = jnp.zeros((D,), dtype=jnp.float32)
    W_in = jax.random.normal(ks[2], (D, D), dtype=jnp.float32) * 0.05
    b_in = jnp.zeros((D,), dtype=jnp.float32)
    W1 = jax.random.normal(ks[3], (D, D), dtype=jnp.float32) * 0.05
    b1 = jnp.zeros((D,), dtype=jnp.float32)
    W2 = jax.random.normal(ks[4], (D, D), dtype=jnp.float32) * 0.05
    b2 = jnp.zeros((D,), dtype=jnp.float32)
    return {"x": x, "edge_index": edge_index, "ln_g": ln_g, "ln_b": ln_b,
            "W_in": W_in, "b_in": b_in, "W1": W1, "b1": b1, "W2": W2, "b2": b2}


def _hgcn_layer(h, edge_index, W, b, c):
    # log map to tangent space at origin
    v = _logmap0(h, c)
    m = v @ W + b
    src = edge_index[0]
    dst = edge_index[1]
    msg = jnp.take(m, src, axis=0)                      # gather (E, D)
    agg = jnp.zeros((N, m.shape[-1]), dtype=m.dtype).at[dst].add(msg)  # scatter-add
    deg = jnp.zeros((N, 1), dtype=m.dtype).at[dst].add(jnp.ones((E, 1), dtype=m.dtype))
    # mean aggregation with self loop
    agg = (agg + m) / (deg + 1.0)
    out = jax.nn.relu(agg)
    # residual blend in tangent space (dims match)
    out = BETA * v + (1.0 - BETA) * out
    return _expmap0(out, c)


def reference(x, edge_index, ln_g, ln_b, W_in, b_in, W1, b1, W2, b2):
    # feature normalization
    xn = _layernorm(x, ln_g, ln_b)
    # hyperbolic input layer: linear + activation, then exp map to Lorentz manifold
    h0 = jax.nn.relu(xn @ W_in + b_in)
    h = _expmap0(h0, C)
    # two HGCN message-passing layers (hidden_dims=[128,128,128] -> 2 conv layers)
    h = _hgcn_layer(h, edge_index, W1, b1, C)
    h = _hgcn_layer(h, edge_index, W2, b2, C)
    return h  # (N, D+1) node embeddings on the hyperboloid

if __name__ == "__main__":
    import jax
    _d = setup_inputs()
    print(jax.jit(kernel)(*tuple(_d.values())))

</pallas_src>

<mosaic_0001>
#map = affine_map<(d0, d1) -> (0, 0)>
#map1 = affine_map<(d0, d1) -> (0)>
#map2 = affine_map<(d0, d1) -> (0, 0, 0)>
module attributes {stable_mosaic.version = 14 : i64} {
  func.func @body(%arg0: i32, %arg1: i32, %arg2: memref<10000x128xf32, #tpu.memory_space<hbm>>, %arg3: memref<2560x128xi32, #tpu.memory_space<hbm>>, %arg4: memref<2560x128xi32, #tpu.memory_space<hbm>>, %arg5: memref<10240x128xf32, #tpu.memory_space<hbm>>, %arg6: memref<10240xf32, #tpu.memory_space<hbm>>, %arg7: memref<2x10240x128xf32, #tpu.memory_space<hbm>>, %arg8: memref<20480xf32, #tpu.memory_space<hbm>>, %arg9: memref<10240x128xf32, #tpu.memory_space<vmem_shared>>, %arg10: memref<10240xf32, #tpu.memory_space<vmem_shared>>, %arg11: memref<8x128xi32, #tpu.memory_space<vmem>>, %arg12: memref<8x128xi32, #tpu.memory_space<vmem>>, %arg13: memref<8x128xi32, #tpu.memory_space<vmem>>, %arg14: memref<8x128xi32, #tpu.memory_space<vmem>>, %arg15: memref<128x128xf32, #tpu.memory_space<vmem>>, %arg16: memref<128x128xf32, #tpu.memory_space<vmem>>, %arg17: memref<128xf32, #tpu.memory_space<vmem>>, %arg18: memref<!tpu.dma_semaphore, #tpu.memory_space<semaphore_mem>>, %arg19: memref<!tpu.dma_semaphore, #tpu.memory_space<semaphore_mem>>, %arg20: memref<!tpu.dma_semaphore, #tpu.memory_space<semaphore_mem>>, %arg21: memref<!tpu.dma_semaphore, #tpu.memory_space<semaphore_mem>>, %arg22: memref<!tpu.dma_semaphore, #tpu.memory_space<semaphore_mem>>) attributes {dimension_semantics = [#tpu.dimension_semantics<core_parallel>, #tpu.dimension_semantics<subcore_parallel>], iteration_bounds = array<i64: 2, 16>, scalar_prefetch = 0 : i64, scratch_operands = 14 : i64, tpu.core_type = #tpu.core_type<sc_vector_subcore>, window_params = [{transform_indices = #map}, {transform_indices = #map}, {transform_indices = #map}, {transform_indices = #map}, {transform_indices = #map1}, {transform_indices = #map2}, {transform_indices = #map1}]} {
    %mul3A = arith.constant 16 : i32
    %mul3A_0 = arith.muli %arg0, %mul3A : i32
    %add3A = arith.addi %mul3A_0, %arg1 : i32
    %mul3A_1 = arith.constant 80 : i32
    %mul3A_2 = arith.muli %add3A, %mul3A_1 : i32
    %mul3A_3 = arith.constant 640 : i32
    %mul3A_4 = arith.muli %arg1, %mul3A_3 : i32
    %mul3A_5 = arith.constant 640 : i32
    %mul3A_6 = arith.muli %arg1, %mul3A_5 : i32
    "tpu.region"() ({
      %run_scoped3A = tpu.sem_alloc : memref<!tpu.dma_semaphore, #tpu.memory_space<semaphore_mem>>
      %dma_start3A_116 = arith.constant 0 : i32
      %dma_start3A_117 = tpu.memref_slice %arg9[%mul3A_6, %dma_start3A_116] : memref<10240x128xf32, #tpu.memory_space<vmem_shared>> -> memref<640x128xf32, #tpu.memory_space<vmem_shared>>
      %dma_start3A_118 = arith.constant 0 : i32
      %dma_start3A_119 = tpu.memref_slice %arg5[%mul3A_4, %dma_start3A_118] : memref<10240x128xf32, #tpu.memory_space<hbm>> -> memref<640x128xf32, #tpu.memory_space<hbm>>
      tpu.enqueue_dma source(%dma_start3A_119 : memref<640x128xf32, #tpu.memory_space<hbm>>) target(%dma_start3A_117 : memref<640x128xf32, #tpu.memory_space<vmem_shared>>) target_semaphore(%run_scoped3A : memref<!tpu.dma_semaphore, #tpu.memory_space<semaphore_mem>>)
      %dma_wait3A_120 = arith.constant 0 : i32
      %dma_wait3A_121 = tpu.memref_slice %arg9[%mul3A_6, %dma_wait3A_120] : memref<10240x128xf32, #tpu.memory_space<vmem_shared>> -> memref<640x128xf32, #tpu.memory_space<vmem_shared>>
      %dma_wait3A_122 = arith.constant 0 : i32
      %dma_wait3A_123 = tpu.memref_slice %arg5[%mul3A_4, %dma_wait3A_122] : memref<10240x128xf32, #tpu.memory_space<hbm>> -> memref<640x128xf32, #tpu.memory_space<hbm>>
      tpu.wait_dma2 semaphore(%run_scoped3A : memref<!tpu.dma_semaphore, #tpu.memory_space<semaphore_mem>>) src(%dma_wait3A_123 : memref<640x128xf32, #tpu.memory_space<hbm>>) dst(%dma_wait3A_121 : memref<640x128xf32, #tpu.memory_space<vmem_shared>>)
      tpu.yield
    }) : () -> ()
    %mul3A_7 = arith.constant 640 : i32
    %mul3A_8 = arith.muli %arg1, %mul3A_7 : i32
    %mul3A_9 = arith.constant 640 : i32
    %mul3A_10 = arith.muli %arg1, %mul3A_9 : i32
    "tpu.region"() ({
      %run_scoped3A = tpu.sem_alloc : memref<!tpu.dma_semaphore, #tpu.memory_space<semaphore_mem>>
      %dma_start3A_116 = tpu.memref_slice %arg10[%mul3A_10] : memref<10240xf32, #tpu.memory_space<vmem_shared>> -> memref<640xf32, #tpu.memory_space<vmem_shared>>
      %dma_start3A_117 = tpu.memref_slice %arg6[%mul3A_8] : memref<10240xf32, #tpu.memory_space<hbm>> -> memref<640xf32, #tpu.memory_space<hbm>>
      tpu.enqueue_dma source(%dma_start3A_117 : memref<640xf32, #tpu.memory_space<hbm>>) target(%dma_start3A_116 : memref<640xf32, #tpu.memory_space<vmem_shared>>) target_semaphore(%run_scoped3A : memref<!tpu.dma_semaphore, #tpu.memory_space<semaphore_mem>>)
      %dma_wait3A_118 = tpu.memref_slice %arg10[%mul3A_10] : memref<10240xf32, #tpu.memory_space<vmem_shared>> -> memref<640xf32, #tpu.memory_space<vmem_shared>>
      %dma_wait3A_119 = tpu.memref_slice %arg6[%mul3A_8] : memref<10240xf32, #tpu.memory_space<hbm>> -> memref<640xf32, #tpu.memory_space<hbm>>
      tpu.wait_dma2 semaphore(%run_scoped3A : memref<!tpu.dma_semaphore, #tpu.memory_space<semaphore_mem>>) src(%dma_wait3A_119 : memref<640xf32, #tpu.memory_space<hbm>>) dst(%dma_wait3A_118 : memref<640xf32, #tpu.memory_space<vmem_shared>>)
      tpu.yield
    }) : () -> ()
    %broadcast_in_dim3A = arith.constant 1.000000e+00 : f32
    %broadcast_in_dim3A_11 = vector.broadcast %broadcast_in_dim3A : f32 to vector<16xf32>
    %swap3A = arith.constant 0 : index
    %swap3A_12 = tpu.vector_load %arg17[%swap3A] {strides = array<i32>} : memref<128xf32, #tpu.memory_space<vmem>>, vector<16xf32>,
    %swap3A_13 = vector.shape_cast %swap3A_12 : vector<16xf32> to vector<16xf32>
    %swap3A_14 = vector.shape_cast %broadcast_in_dim3A_11 : vector<16xf32> to vector<16xf32>
    tpu.vector_store %arg17[%swap3A], %swap3A_14 {strides = array<i32>} : memref<128xf32, #tpu.memory_space<vmem>>, vector<16xf32>,
    %broadcast_in_dim3A_15 = arith.constant 1.000000e+00 : f32
    %broadcast_in_dim3A_16 = vector.broadcast %broadcast_in_dim3A_15 : f32 to vector<16xf32>
    %swap3A_17 = arith.constant 16 : index
    %swap3A_18 = tpu.vector_load %arg17[%swap3A_17] {strides = array<i32>} : memref<128xf32, #tpu.memory_space<vmem>>, vector<16xf32>,
    %swap3A_19 = vector.shape_cast %swap3A_18 : vector<16xf32> to vector<16xf32>
    %swap3A_20 = vector.shape_cast %broadcast_in_dim3A_16 : vector<16xf32> to vector<16xf32>
    tpu.vector_store %arg17[%swap3A_17], %swap3A_20 {strides = array<i32>} : memref<128xf32, #tpu.memory_space<vmem>>, vector<16xf32>,
    %broadcast_in_dim3A_21 = arith.constant 1.000000e+00 : f32
    %broadcast_in_dim3A_22 = vector.broadcast %broadcast_in_dim3A_21 : f32 to vector<16xf32>
    %swap3A_23 = arith.constant 32 : index
    %swap3A_24 = tpu.vector_load %arg17[%swap3A_23] {strides = array<i32>} : memref<128xf32, #tpu.memory_space<vmem>>, vector<16xf32>,
    %swap3A_25 = vector.shape_cast %swap3A_24 : vector<16xf32> to vector<16xf32>
    %swap3A_26 = vector.shape_cast %broadcast_in_dim3A_22 : vector<16xf32> to vector<16xf32>
    tpu.vector_store %arg17[%swap3A_23], %swap3A_26 {strides = array<i32>} : memref<128xf32, #tpu.memory_space<vmem>>, vector<16xf32>,
    %broadcast_in_dim3A_27 = arith.constant 1.000000e+00 : f32
    %broadcast_in_dim3A_28 = vector.broadcast %broadcast_in_dim3A_27 : f32 to vector<16xf32>
    %swap3A_29 = arith.constant 48 : index
    %swap3A_30 = tpu.vector_load %arg17[%swap3A_29] {strides = array<i32>} : memref<128xf32, #tpu.memory_space<vmem>>, vector<16xf32>,
    %swap3A_31 = vector.shape_cast %swap3A_30 : vector<16xf32> to vector<16xf32>
    %swap3A_32 = vector.shape_cast %broadcast_in_dim3A_28 : vector<16xf32> to vector<16xf32>
    tpu.vector_store %arg17[%swap3A_29], %swap3A_32 {strides = array<i32>} : memref<128xf32, #tpu.memory_space<vmem>>, vector<16xf32>,
    %broadcast_in_dim3A_33 = arith.constant 1.000000e+00 : f32
    %broadcast_in_dim3A_34 = vector.broadcast %broadcast_in_dim3A_33 : f32 to vector<16xf32>
    %swap3A_35 = arith.constant 64 : index
    %swap3A_36 = tpu.vector_load %arg17[%swap3A_35] {strides = array<i32>} : memref<128xf32, #tpu.memory_space<vmem>>, vector<16xf32>,
    %swap3A_37 = vector.shape_cast %swap3A_36 : vector<16xf32> to vector<16xf32>
    %swap3A_38 = vector.shape_cast %broadcast_in_dim3A_34 : vector<16xf32> to vector<16xf32>
    tpu.vector_store %arg17[%swap3A_35], %swap3A_38 {strides = array<i32>} : memref<128xf32, #tpu.memory_space<vmem>>, vector<16xf32>,
    %broadcast_in_dim3A_39 = arith.constant 1.000000e+00 : f32
    %broadcast_in_dim3A_40 = vector.broadcast %broadcast_in_dim3A_39 : f32 to vector<16xf32>
    %swap3A_41 = arith.constant 80 : index
    %swap3A_42 = tpu.vector_load %arg17[%swap3A_41] {strides = array<i32>} : memref<128xf32, #tpu.memory_space<vmem>>, vector<16xf32>,
    %swap3A_43 = vector.shape_cast %swap3A_42 : vector<16xf32> to vector<16xf32>
    %swap3A_44 = vector.shape_cast %broadcast_in_dim3A_40 : vector<16xf32> to vector<16xf32>
    tpu.vector_store %arg17[%swap3A_41], %swap3A_44 {strides = array<i32>} : memref<128xf32, #tpu.memory_space<vmem>>, vector<16xf32>,
    %broadcast_in_dim3A_45 = arith.constant 1.000000e+00 : f32
    %broadcast_in_dim3A_46 = vector.broadcast %broadcast_in_dim3A_45 : f32 to vector<16xf32>
    %swap3A_47 = arith.constant 96 : index
    %swap3A_48 = tpu.vector_load %arg17[%swap3A_47] {strides = array<i32>} : memref<128xf32, #tpu.memory_space<vmem>>, vector<16xf32>,
    %swap3A_49 = vector.shape_cast %swap3A_48 : vector<16xf32> to vector<16xf32>
    %swap3A_50 = vector.shape_cast %broadcast_in_dim3A_46 : vector<16xf32> to vector<16xf32>
    tpu.vector_store %arg17[%swap3A_47], %swap3A_50 {strides = array<i32>} : memref<128xf32, #tpu.memory_space<vmem>>, vector<16xf32>,
    %broadcast_in_dim3A_51 = arith.constant 1.000000e+00 : f32
    %broadcast_in_dim3A_52 = vector.broadcast %broadcast_in_dim3A_51 : f32 to vector<16xf32>
    %swap3A_53 = arith.constant 112 : index
    %swap3A_54 = tpu.vector_load %arg17[%swap3A_53] {strides = array<i32>} : memref<128xf32, #tpu.memory_space<vmem>>, vector<16xf32>,
    %swap3A_55 = vector.shape_cast %swap3A_54 : vector<16xf32> to vector<16xf32>
    %swap3A_56 = vector.shape_cast %broadcast_in_dim3A_52 : vector<16xf32> to vector<16xf32>
    tpu.vector_store %arg17[%swap3A_53], %swap3A_56 {strides = array<i32>} : memref<128xf32, #tpu.memory_space<vmem>>, vector<16xf32>,
    %barrier3A = arith.constant 0 : index
    tpu.barrier barrier_id(%barrier3A)
    %add3A_57 = arith.constant 0 : i32
    %add3A_58 = arith.addi %mul3A_2, %add3A_57 : i32
    %dma_start3A = arith.constant 0 : i32
    %dma_start3A_59 = tpu.memref_slice %arg3[%add3A_58, %dma_start3A] : memref<2560x128xi32, #tpu.memory_space<hbm>> -> memref<8x128xi32, #tpu.memory_space<hbm>>
    %dma_start3A_60 = arith.constant 0 : i32
    %dma_start3A_61 = tpu.memref_slice %arg3[%add3A_58, %dma_start3A_60] : memref<2560x128xi32, #tpu.memory_space<hbm>> -> memref<8x128xi32, #tpu.memory_space<hbm>>
    tpu.enqueue_dma source(%dma_start3A_61 : memref<8x128xi32, #tpu.memory_space<hbm>>) target(%arg11 : memref<8x128xi32, #tpu.memory_space<vmem>>) target_semaphore(%arg20 : memref<!tpu.dma_semaphore, #tpu.memory_space<semaphore_mem>>)
    %dma_start3A_62 = arith.constant 0 : i32
    %dma_start3A_63 = tpu.memref_slice %arg4[%add3A_58, %dma_start3A_62] : memref<2560x128xi32, #tpu.memory_space<hbm>> -> memref<8x128xi32, #tpu.memory_space<hbm>>
    %dma_start3A_64 = arith.constant 0 : i32
    %dma_start3A_65 = tpu.memref_slice %arg4[%add3A_58, %dma_start3A_64] : memref<2560x128xi32, #tpu.memory_space<hbm>> -> memref<8x128xi32, #tpu.memory_space<hbm>>
    tpu.enqueue_dma source(%dma_start3A_65 : memref<8x128xi32, #tpu.memory_space<hbm>>) target(%arg12 : memref<8x128xi32, #tpu.memory_space<vmem>>) target_semaphore(%arg20 : memref<!tpu.dma_semaphore, #tpu.memory_space<semaphore_mem>>)
    %add3A_66 = arith.constant 8 : i32
    %add3A_67 = arith.addi %mul3A_2, %add3A_66 : i32
    %dma_start3A_68 = arith.constant 0 : i32
    %dma_start3A_69 = tpu.memref_slice %arg3[%add3A_67, %dma_start3A_68] : memref<2560x128xi32, #tpu.memory_space<hbm>> -> memref<8x128xi32, #tpu.memory_space<hbm>>
    %dma_start3A_70 = arith.constant 0 : i32
    %dma_start3A_71 = tpu.memref_slice %arg3[%add3A_67, %dma_start3A_70] : memref<2560x128xi32, #tpu.memory_space<hbm>> -> memref<8x128xi32, #tpu.memory_space<hbm>>
    tpu.enqueue_dma source(%dma_start3A_71 : memref<8x128xi32, #tpu.memory_space<hbm>>) target(%arg13 : memref<8x128xi32, #tpu.memory_space<vmem>>) target_semaphore(%arg21 : memref<!tpu.dma_semaphore, #tpu.memory_space<semaphore_mem>>)
    %dma_start3A_72 = arith.constant 0 : i32
    %dma_start3A_73 = tpu.memref_slice %arg4[%add3A_67, %dma_start3A_72] : memref<2560x128xi32, #tpu.memory_space<hbm>> -> memref<8x128xi32, #tpu.memory_space<hbm>>
    %dma_start3A_74 = arith.constant 0 : i32
    %dma_start3A_75 = tpu.memref_slice %arg4[%add3A_67, %dma_start3A_74] : memref<2560x128xi32, #tpu.memory_space<hbm>> -> memref<8x128xi32, #tpu.memory_space<hbm>>
    tpu.enqueue_dma source(%dma_start3A_75 : memref<8x128xi32, #tpu.memory_space<hbm>>) target(%arg14 : memref<8x128xi32, #tpu.memory_space<vmem>>) target_semaphore(%arg21 : memref<!tpu.dma_semaphore, #tpu.memory_space<semaphore_mem>>)
    %add3A_76 = arith.constant 0 : i32
    %add3A_77 = arith.addi %mul3A_2, %add3A_76 : i32
    %dma_wait3A = arith.constant 0 : i32
    %dma_wait3A_78 = tpu.memref_slice %arg3[%add3A_77, %dma_wait3A] : memref<2560x128xi32, #tpu.memory_space<hbm>> -> memref<8x128xi32, #tpu.memory_space<hbm>>
    %dma_wait3A_79 = arith.constant 0 : i32
    %dma_wait3A_80 = tpu.memref_slice %arg3[%add3A_77, %dma_wait3A_79] : memref<2560x128xi32, #tpu.memory_space<hbm>> -> memref<8x128xi32, #tpu.memory_space<hbm>>
    tpu.wait_dma2 semaphore(%arg20 : memref<!tpu.dma_semaphore, #tpu.memory_space<semaphore_mem>>) src(%dma_wait3A_80 : memref<8x128xi32, #tpu.memory_space<hbm>>) dst(%arg11 : memref<8x128xi32, #tpu.memory_space<vmem>>)
    %dma_wait3A_81 = arith.constant 0 : i32
    %dma_wait3A_82 = tpu.memref_slice %arg4[%add3A_77, %dma_wait3A_81] : memref<2560x128xi32, #tpu.memory_space<hbm>> -> memref<8x128xi32, #tpu.memory_space<hbm>>
    %dma_wait3A_83 = arith.constant 0 : i32
    %dma_wait3A_84 = tpu.memref_slice %arg4[%add3A_77, %dma_wait3A_83] : memref<2560x128xi32, #tpu.memory_space<hbm>> -> memref<8x128xi32, #tpu.memory_space<hbm>>
    tpu.wait_dma2 semaphore(%arg20 : memref<!tpu.dma_semaphore, #tpu.memory_space<semaphore_mem>>) src(%dma_wait3A_84 : memref<8x128xi32, #tpu.memory_space<hbm>>) dst(%arg12 : memref<8x128xi32, #tpu.memory_space<vmem>>)
    %dma_start3A_85 = arith.constant 0 : i32
    %dma_start3A_86 = arith.constant 0 : i32
    %dma_start3A_87 = tpu.memref_slice %arg11[%dma_start3A_85, %dma_start3A_86] : memref<8x128xi32, #tpu.memory_space<vmem>> -> memref<1x128xi32, #tpu.memory_space<vmem>>
    %dma_start3A_88 = tpu.memref_squeeze %dma_start3A_87 : memref<1x128xi32, #tpu.memory_space<vmem>> -> memref<128xi32, #tpu.memory_space<vmem>>
    %dma_start3A_89 = arith.constant 0 : i32
    %dma_start3A_90 = arith.constant 0 : i32
    %dma_start3A_91 = tpu.memref_slice %arg2[%dma_start3A_89, %dma_start3A_90] : memref<10000x128xf32, #tpu.memory_space<hbm>> -> memref<10000x128xf32, #tpu.memory_space<hbm>>
    tpu.enqueue_indirect_dma source(%dma_start3A_91 : memref<10000x128xf32, #tpu.memory_space<hbm>>) target(%arg15 : memref<128x128xf32, #tpu.memory_space<vmem>>) offsets(%dma_start3A_88 : memref<128xi32, #tpu.memory_space<vmem>>) semaphore(%arg18 : memref<!tpu.dma_semaphore, #tpu.memory_space<semaphore_mem>>)
    %dma_start3A_92 = arith.constant 1 : i32
    %dma_start3A_93 = arith.constant 0 : i32
    %dma_start3A_94 = tpu.memref_slice %arg11[%dma_start3A_92, %dma_start3A_93] : memref<8x128xi32, #tpu.memory_space<vmem>> -> memref<1x128xi32, #tpu.memory_space<vmem>>
    %dma_start3A_95 = tpu.memref_squeeze %dma_start3A_94 : memref<1x128xi32, #tpu.memory_space<vmem>> -> memref<128xi32, #tpu.memory_space<vmem>>
    %dma_start3A_96 = arith.constant 0 : i32
    %dma_start3A_97 = arith.constant 0 : i32
    %dma_start3A_98 = tpu.memref_slice %arg2[%dma_start3A_96, %dma_start3A_97] : memref<10000x128xf32, #tpu.memory_space<hbm>> -> memref<10000x128xf32, #tpu.memory_space<hbm>>
    tpu.enqueue_indirect_dma source(%dma_start3A_98 : memref<10000x128xf32, #tpu.memory_space<hbm>>) target(%arg16 : memref<128x128xf32, #tpu.memory_space<vmem>>) offsets(%dma_start3A_95 : memref<128xi32, #tpu.memory_space<vmem>>) semaphore(%arg19 : memref<!tpu.dma_semaphore, #tpu.memory_space<semaphore_mem>>)
    %scan3A = arith.constant 0 : i32
    %scan3A_99 = arith.constant 0 : i32
    %scan3A_100 = arith.constant 5 : i32
    %scan3A_101 = arith.addi %scan3A_99, %scan3A_100 : i32
    %scan3A_102 = arith.constant 1 : i32
    scf.for %scan3A_116 = %scan3A_99 to %scan3A_101 step %scan3A_102  : i32 {
      %mul3A_117 = arith.constant 2 : i32
      %mul3A_118 = arith.muli %mul3A_117, %scan3A_116 : i32
      %add3A_119 = arith.constant 1 : i32
      %add3A_120 = arith.addi %mul3A_118, %add3A_119 : i32
      %mul3A_121 = arith.constant 8 : i32
      %mul3A_122 = arith.muli %add3A_120, %mul3A_121 : i32
      %add3A_123 = arith.addi %mul3A_2, %mul3A_122 : i32
      %dma_wait3A_124 = arith.constant 0 : i32
      %dma_wait3A_125 = tpu.memref_slice %arg3[%add3A_123, %dma_wait3A_124] : memref<2560x128xi32, #tpu.memory_space<hbm>> -> memref<8x128xi32, #tpu.memory_space<hbm>>
      %dma_wait3A_126 = arith.constant 0 : i32
      %dma_wait3A_127 = tpu.memref_slice %arg3[%add3A_123, %dma_wait3A_126] : memref<2560x128xi32, #tpu.memory_space<hbm>> -> memref<8x128xi32, #tpu.memory_space<hbm>>
      tpu.wait_dma2 semaphore(%arg21 : memref<!tpu.dma_semaphore, #tpu.memory_space<semaphore_mem>>) src(%dma_wait3A_127 : memref<8x128xi32, #tpu.memory_space<hbm>>) dst(%arg13 : memref<8x128xi32, #tpu.memory_space<vmem>>)
      %dma_wait3A_128 = arith.constant 0 : i32
      %dma_wait3A_129 = tpu.memref_slice %arg4[%add3A_123, %dma_wait3A_128] : memref<2560x128xi32, #tpu.memory_space<hbm>> -> memref<8x128xi32, #tpu.memory_space<hbm>>
      %dma_wait3A_130 = arith.constant 0 : i32
      %dma_wait3A_131 = tpu.memref_slice %arg4[%add3A_123, %dma_wait3A_130] : memref<2560x128xi32, #tpu.memory_space<hbm>> -> memref<8x128xi32, #tpu.memory_space<hbm>>
      tpu.wait_dma2 semaphore(%arg21 : memref<!tpu.dma_semaphore, #tpu.memory_space<semaphore_mem>>) src(%dma_wait3A_131 : memref<8x128xi32, #tpu.memory_space<hbm>>) dst(%arg14 : memref<8x128xi32, #tpu.memory_space<vmem>>)
      %scan3A_132 = arith.constant 0 : i32
      %scan3A_133 = arith.constant 0 : i32
      %scan3A_134 = arith.constant 3 : i32
      %scan3A_135 = arith.addi %scan3A_133, %scan3A_134 : i32
      %scan3A_136 = arith.constant 1 : i32
      scf.for %scan3A_326 = %scan3A_133 to %scan3A_135 step %scan3A_136  : i32 {
        %mul3A_327 = arith.constant 2 : i32
        %mul3A_328 = arith.muli %mul3A_327, %scan3A_326 : i32
        %add3A_329 = arith.constant 0 : i32
        %add3A_330 = arith.addi %mul3A_328, %add3A_329 : i32
        %dma_wait3A_331 = arith.constant 0 : i32
        %dma_wait3A_332 = tpu.memref_slice %arg11[%add3A_330, %dma_wait3A_331] : memref<8x128xi32, #tpu.memory_space<vmem>> -> memref<1x128xi32, #tpu.memory_space<vmem>>
        %dma_wait3A_333 = tpu.memref_squeeze %dma_wait3A_332 : memref<1x128xi32, #tpu.memory_space<vmem>> -> memref<128xi32, #tpu.memory_space<vmem>>
        %dma_wait3A_334 = arith.constant 0 : i32
        %dma_wait3A_335 = arith.constant 0 : i32
        %dma_wait3A_336 = tpu.memref_slice %arg2[%dma_wait3A_334, %dma_wait3A_335] : memref<10000x128xf32, #tpu.memory_space<hbm>> -> memref<10000x128xf32, #tpu.memory_space<hbm>>
        tpu.wait_indirect_dma semaphore(%arg18 : memref<!tpu.dma_semaphore, #tpu.memory_space<semaphore_mem>>) src(%dma_wait3A_336 : memref<10000x128xf32, #tpu.memory_space<hbm>>) dst(%arg15 : memref<128x128xf32, #tpu.memory_space<vmem>>)
        "tpu.region"() ({
          %run_scoped3A_373 = tpu.sem_alloc : memref<!tpu.dma_semaphore, #tpu.memory_space<semaphore_mem>>
          %dma_start3A_374 = arith.constant 0 : i32
          %dma_start3A_375 = tpu.memref_slice %arg12[%add3A_330, %dma_start3A_374] : memref<8x128xi32, #tpu.memory_space<vmem>> -> memref<1x128xi32, #tpu.memory_space<vmem>>
          %dma_start3A_376 = tpu.memref_squeeze %dma_start3A_375 : memref<1x128xi32, #tpu.memory_space<vmem>> -> memref<128xi32, #tpu.memory_space<vmem>>
          %dma_start3A_377 = arith.constant 0 : i32
          %dma_start3A_378 = arith.constant 0 : i32
          %dma_start3A_379 = tpu.memref_slice %arg9[%dma_start3A_377, %dma_start3A_378] : memref<10240x128xf32, #tpu.memory_space<vmem_shared>> -> memref<10240x128xf32, #tpu.memory_space<vmem_shared>>
          tpu.enqueue_indirect_dma source(%arg15 : memref<128x128xf32, #tpu.memory_space<vmem>>) target(%dma_start3A_379 : memref<10240x128xf32, #tpu.memory_space<vmem_shared>>) offsets(%dma_start3A_376 : memref<128xi32, #tpu.memory_space<vmem>>) semaphore(%run_scoped3A_373 : memref<!tpu.dma_semaphore, #tpu.memory_space<semaphore_mem>>) {add = true}
          %dma_wait3A_380 = arith.constant 0 : i32
          %dma_wait3A_381 = tpu.memref_slice %arg12[%add3A_330, %dma_wait3A_380] : memref<8x128xi32, #tpu.memory_space<vmem>> -> memref<1x128xi32, #tpu.memory_space<vmem>>
          %dma_wait3A_382 = tpu.memref_squeeze %dma_wait3A_381 : memref<1x128xi32, #tpu.memory_space<vmem>> -> memref<128xi32, #tpu.memory_space<vmem>>
          %dma_wait3A_383 = arith.constant 0 : i32
          %dma_wait3A_384 = arith.constant 0 : i32
          %dma_wait3A_385 = tpu.memref_slice %arg9[%dma_wait3A_383, %dma_wait3A_384] : memref<10240x128xf32, #tpu.memory_space<vmem_shared>> -> memref<10240x128xf32, #tpu.memory_space<vmem_shared>>
          tpu.wait_indirect_dma semaphore(%run_scoped3A_373 : memref<!tpu.dma_semaphore, #tpu.memory_space<semaphore_mem>>) src(%arg15 : memref<128x128xf32, #tpu.memory_space<vmem>>) dst(%dma_wait3A_385 : memref<10240x128xf32, #tpu.memory_space<vmem_shared>>)
          tpu.yield
        }) : () -> ()
        %dma_start3A_337 = arith.constant 0 : i32
        %dma_start3A_338 = tpu.memref_slice %arg12[%add3A_330, %dma_start3A_337] : memref<8x128xi32, #tpu.memory_space<vmem>> -> memref<1x128xi32, #tpu.memory_space<vmem>>
        %dma_start3A_339 = tpu.memref_squeeze %dma_start3A_338 : memref<1x128xi32, #tpu.memory_space<vmem>> -> memref<128xi32, #tpu.memory_space<vmem>>
        %dma_start3A_340 = arith.constant 0 : i32
        %dma_start3A_341 = tpu.memref_slice %arg10[%dma_start3A_340] : memref<10240xf32, #tpu.memory_space<vmem_shared>> -> memref<10240xf32, #tpu.memory_space<vmem_shared>>
        tpu.enqueue_indirect_dma source(%arg17 : memref<128xf32, #tpu.memory_space<vmem>>) target(%dma_start3A_341 : memref<10240xf32, #tpu.memory_space<vmem_shared>>) offsets(%dma_start3A_339 : memref<128xi32, #tpu.memory_space<vmem>>) semaphore(%arg22 : memref<!tpu.dma_semaphore, #tpu.memory_space<semaphore_mem>>) {add = true}
        %add3A_342 = arith.constant 2 : i32
        %add3A_343 = arith.addi %add3A_330, %add3A_342 : i32
        %dma_start3A_344 = arith.constant 0 : i32
        %dma_start3A_345 = tpu.memref_slice %arg11[%add3A_343, %dma_start3A_344] : memref<8x128xi32, #tpu.memory_space<vmem>> -> memref<1x128xi32, #tpu.memory_space<vmem>>
        %dma_start3A_346 = tpu.memref_squeeze %dma_start3A_345 : memref<1x128xi32, #tpu.memory_space<vmem>> -> memref<128xi32, #tpu.memory_space<vmem>>
        %dma_start3A_347 = arith.constant 0 : i32
        %dma_start3A_348 = arith.constant 0 : i32
        %dma_start3A_349 = tpu.memref_slice %arg2[%dma_start3A_347, %dma_start3A_348] : memref<10000x128xf32, #tpu.memory_space<hbm>> -> memref<10000x128xf32, #tpu.memory_space<hbm>>
        tpu.enqueue_indirect_dma source(%dma_start3A_349 : memref<10000x128xf32, #tpu.memory_space<hbm>>) target(%arg15 : memref<128x128xf32, #tpu.memory_space<vmem>>) offsets(%dma_start3A_346 : memref<128xi32, #tpu.memory_space<vmem>>) semaphore(%arg18 : memref<!tpu.dma_semaphore, #tpu.memory_space<semaphore_mem>>)
        %mul3A_350 = arith.constant 2 : i32
        %mul3A_351 = arith.muli %mul3A_350, %scan3A_326 : i32
        %add3A_352 = arith.constant 1 : i32
        %add3A_353 = arith.addi %mul3A_351, %add3A_352 : i32
        %dma_wait3A_354 = arith.constant 0 : i32
        %dma_wait3A_355 = tpu.memref_slice %arg11[%add3A_353, %dma_wait3A_354] : memref<8x128xi32, #tpu.memory_space<vmem>> -> memref<1x128xi32, #tpu.memory_space<vmem>>
        %dma_wait3A_356 = tpu.memref_squeeze %dma_wait3A_355 : memref<1x128xi32, #tpu.memory_space<vmem>> -> memref<128xi32, #tpu.memory_space<vmem>>
        %dma_wait3A_357 = arith.constant 0 : i32
        %dma_wait3A_358 = arith.constant 0 : i32
        %dma_wait3A_359 = tpu.memref_slice %arg2[%dma_wait3A_357, %dma_wait3A_358] : memref<10000x128xf32, #tpu.memory_space<hbm>> -> memref<10000x128xf32, #tpu.memory_space<hbm>>
        tpu.wait_indirect_dma semaphore(%arg19 : memref<!tpu.dma_semaphore, #tpu.memory_space<semaphore_mem>>) src(%dma_wait3A_359 : memref<10000x128xf32, #tpu.memory_space<hbm>>) dst(%arg16 : memref<128x128xf32, #tpu.memory_space<vmem>>)
        "tpu.region"() ({
          %run_scoped3A_373 = tpu.sem_alloc : memref<!tpu.dma_semaphore, #tpu.memory_space<semaphore_mem>>
          %dma_start3A_374 = arith.constant 0 : i32
          %dma_start3A_375 = tpu.memref_slice %arg12[%add3A_353, %dma_start3A_374] : memref<8x128xi32, #tpu.memory_space<vmem>> -> memref<1x128xi32, #tpu.memory_space<vmem>>
          %dma_start3A_376 = tpu.memref_squeeze %dma_start3A_375 : memref<1x128xi32, #tpu.memory_space<vmem>> -> memref<128xi32, #tpu.memory_space<vmem>>
          %dma_start3A_377 = arith.constant 0 : i32
          %dma_start3A_378 = arith.constant 0 : i32
          %dma_start3A_379 = tpu.memref_slice %arg9[%dma_start3A_377, %dma_start3A_378] : memref<10240x128xf32, #tpu.memory_space<vmem_shared>> -> memref<10240x128xf32, #tpu.memory_space<vmem_shared>>
          tpu.enqueue_indirect_dma source(%arg16 : memref<128x128xf32, #tpu.memory_space<vmem>>) target(%dma_start3A_379 : memref<10240x128xf32, #tpu.memory_space<vmem_shared>>) offsets(%dma_start3A_376 : memref<128xi32, #tpu.memory_space<vmem>>) semaphore(%run_scoped3A_373 : memref<!tpu.dma_semaphore, #tpu.memory_space<semaphore_mem>>) {add = true}
          %dma_wait3A_380 = arith.constant 0 : i32
          %dma_wait3A_381 = tpu.memref_slice %arg12[%add3A_353, %dma_wait3A_380] : memref<8x128xi32, #tpu.memory_space<vmem>> -> memref<1x128xi32, #tpu.memory_space<vmem>>
          %dma_wait3A_382 = tpu.memref_squeeze %dma_wait3A_381 : memref<1x128xi32, #tpu.memory_space<vmem>> -> memref<128xi32, #tpu.memory_space<vmem>>
          %dma_wait3A_383 = arith.constant 0 : i32
          %dma_wait3A_384 = arith.constant 0 : i32
          %dma_wait3A_385 = tpu.memref_slice %arg9[%dma_wait3A_383, %dma_wait3A_384] : memref<10240x128xf32, #tpu.memory_space<vmem_shared>> -> memref<10240x128xf32, #tpu.memory_space<vmem_shared>>
          tpu.wait_indirect_dma semaphore(%run_scoped3A_373 : memref<!tpu.dma_semaphore, #tpu.memory_space<semaphore_mem>>) src(%arg16 : memref<128x128xf32, #tpu.memory_space<vmem>>) dst(%dma_wait3A_385 : memref<10240x128xf32, #tpu.memory_space<vmem_shared>>)
          tpu.yield
        }) : () -> ()
        %dma_start3A_360 = arith.constant 0 : i32
        %dma_start3A_361 = tpu.memref_slice %arg12[%add3A_353, %dma_start3A_360] : memref<8x128xi32, #tpu.memory_space<vmem>> -> memref<1x128xi32, #tpu.memory_space<vmem>>
        %dma_start3A_362 = tpu.memref_squeeze %dma_start3A_361 : memref<1x128xi32, #tpu.memory_space<vmem>> -> memref<128xi32, #tpu.memory_space<vmem>>
        %dma_start3A_363 = arith.constant 0 : i32
        %dma_start3A_364 = tpu.memref_slice %arg10[%dma_start3A_363] : memref<10240xf32, #tpu.memory_space<vmem_shared>> -> memref<10240xf32, #tpu.memory_space<vmem_shared>>
        tpu.enqueue_indirect_dma source(%arg17 : memref<128xf32, #tpu.memory_space<vmem>>) target(%dma_start3A_364 : memref<10240xf32, #tpu.memory_space<vmem_shared>>) offsets(%dma_start3A_362 : memref<128xi32, #tpu.memory_space<vmem>>) semaphore(%arg22 : memref<!tpu.dma_semaphore, #tpu.memory_space<semaphore_mem>>) {add = true}
        %add3A_365 = arith.constant 2 : i32
        %add3A_366 = arith.addi %add3A_353, %add3A_365 : i32
        %dma_start3A_367 = arith.constant 0 : i32
        %dma_start3A_368 = tpu.memref_slice %arg11[%add3A_366, %dma_start3A_367] : memref<8x128xi32, #tpu.memory_space<vmem>> -> memref<1x128xi32, #tpu.memory_space<vmem>>
        %dma_start3A_369 = tpu.memref_squeeze %dma_start3A_368 : memref<1x128xi32, #tpu.memory_space<vmem>> -> memref<128xi32, #tpu.memory_space<vmem>>
        %dma_start3A_370 = arith.constant 0 : i32
        %dma_start3A_371 = arith.constant 0 : i32
        %dma_start3A_372 = tpu.memref_slice %arg2[%dma_start3A_370, %dma_start3A_371] : memref<10000x128xf32, #tpu.memory_space<hbm>> -> memref<10000x128xf32, #tpu.memory_space<hbm>>
        tpu.enqueue_indirect_dma source(%dma_start3A_372 : memref<10000x128xf32, #tpu.memory_space<hbm>>) target(%arg16 : memref<128x128xf32, #tpu.memory_space<vmem>>) offsets(%dma_start3A_369 : memref<128xi32, #tpu.memory_space<vmem>>) semaphore(%arg19 : memref<!tpu.dma_semaphore, #tpu.memory_space<semaphore_mem>>)
      }
      %scan3A_137 = arith.constant 3 : i32
      %dma_wait3A_138 = arith.constant 6 : i32
      %dma_wait3A_139 = arith.constant 0 : i32
      %dma_wait3A_140 = tpu.memref_slice %arg11[%dma_wait3A_138, %dma_wait3A_139] : memref<8x128xi32, #tpu.memory_space<vmem>> -> memref<1x128xi32, #tpu.memory_space<vmem>>
      %dma_wait3A_141 = tpu.memref_squeeze %dma_wait3A_140 : memref<1x128xi32, #tpu.memory_space<vmem>> -> memref<128xi32, #tpu.memory_space<vmem>>
      %dma_wait3A_142 = arith.constant 0 : i32
      %dma_wait3A_143 = arith.constant 0 : i32
      %dma_wait3A_144 = tpu.memref_slice %arg2[%dma_wait3A_142, %dma_wait3A_143] : memref<10000x128xf32, #tpu.memory_space<hbm>> -> memref<10000x128xf32, #tpu.memory_space<hbm>>
      tpu.wait_indirect_dma semaphore(%arg18 : memref<!tpu.dma_semaphore, #tpu.memory_space<semaphore_mem>>) src(%dma_wait3A_144 : memref<10000x128xf32, #tpu.memory_space<hbm>>) dst(%arg15 : memref<128x128xf32, #tpu.memory_space<vmem>>)
      %run_scoped3A = arith.constant 6 : i32
      "tpu.region"() ({
        %run_scoped3A_326 = tpu.sem_alloc : memref<!tpu.dma_semaphore, #tpu.memory_space<semaphore_mem>>
        %dma_start3A_327 = arith.constant 0 : i32
        %dma_start3A_328 = tpu.memref_slice %arg12[%run_scoped3A, %dma_start3A_327] : memref<8x128xi32, #tpu.memory_space<vmem>> -> memref<1x128xi32, #tpu.memory_space<vmem>>
        %dma_start3A_329 = tpu.memref_squeeze %dma_start3A_328 : memref<1x128xi32, #tpu.memory_space<vmem>> -> memref<128xi32, #tpu.memory_space<vmem>>
        %dma_start3A_330 = arith.constant 0 : i32
        %dma_start3A_331 = arith.constant 0 : i32
        %dma_start3A_332 = tpu.memref_slice %arg9[%dma_start3A_330, %dma_start3A_331] : memref<10240x128xf32, #tpu.memory_space<vmem_shared>> -> memref<10240x128xf32, #tpu.memory_space<vmem_shared>>
        tpu.enqueue_indirect_dma source(%arg15 : memref<128x128xf32, #tpu.memory_space<vmem>>) target(%dma_start3A_332 : memref<10240x128xf32, #tpu.memory_space<vmem_shared>>) offsets(%dma_start3A_329 : memref<128xi32, #tpu.memory_space<vmem>>) semaphore(%run_scoped3A_326 : memref<!tpu.dma_semaphore, #tpu.memory_space<semaphore_mem>>) {add = true}
        %dma_wait3A_333 = arith.constant 0 : i32
        %dma_wait3A_334 = tpu.memref_slice %arg12[%run_scoped3A, %dma_wait3A_333] : memref<8x128xi32, #tpu.memory_space<vmem>> -> memref<1x128xi32, #tpu.memory_space<vmem>>
        %dma_wait3A_335 = tpu.memref_squeeze %dma_wait3A_334 : memref<1x128xi32, #tpu.memory_space<vmem>> -> memref<128xi32, #tpu.memory_space<vmem>>
        %dma_wait3A_336 = arith.constant 0 : i32
        %dma_wait3A_337 = arith.constant 0 : i32
        %dma_wait3A_338 = tpu.memref_slice %arg9[%dma_wait3A_336, %dma_wait3A_337] : memref<10240x128xf32, #tpu.memory_space<vmem_shared>> -> memref<10240x128xf32, #tpu.memory_space<vmem_shared>>
        tpu.wait_indirect_dma semaphore(%run_scoped3A_326 : memref<!tpu.dma_semaphore, #tpu.memory_space<semaphore_mem>>) src(%arg15 : memref<128x128xf32, #tpu.memory_space<vmem>>) dst(%dma_wait3A_338 : memref<10240x128xf32, #tpu.memory_space<vmem_shared>>)
        tpu.yield
      }) : () -> ()
      %dma_start3A_145 = arith.constant 6 : i32
      %dma_start3A_146 = arith.constant 0 : i32
      %dma_start3A_147 = tpu.memref_slice %arg12[%dma_start3A_145, %dma_start3A_146] : memref<8x128xi32, #tpu.memory_space<vmem>> -> memref<1x128xi32, #tpu.memory_space<vmem>>
      %dma_start3A_148 = tpu.memref_squeeze %dma_start3A_147 : memref<1x128xi32, #tpu.memory_space<vmem>> -> memref<128xi32, #tpu.memory_space<vmem>>
      %dma_start3A_149 = arith.constant 0 : i32
      %dma_start3A_150 = tpu.memref_slice %arg10[%dma_start3A_149] : memref<10240xf32, #tpu.memory_space<vmem_shared>> -> memref<10240xf32, #tpu.memory_space<vmem_shared>>
      tpu.enqueue_indirect_dma source(%arg17 : memref<128xf32, #tpu.memory_space<vmem>>) target(%dma_start3A_150 : memref<10240xf32, #tpu.memory_space<vmem_shared>>) offsets(%dma_start3A_148 : memref<128xi32, #tpu.memory_space<vmem>>) semaphore(%arg22 : memref<!tpu.dma_semaphore, #tpu.memory_space<semaphore_mem>>) {add = true}
      %dma_start3A_151 = arith.constant 0 : i32
      %dma_start3A_152 = arith.constant 0 : i32
      %dma_start3A_153 = tpu.memref_slice %arg13[%dma_start3A_151, %dma_start3A_152] : memref<8x128xi32, #tpu.memory_space<vmem>> -> memref<1x128xi32, #tpu.memory_space<vmem>>
      %dma_start3A_154 = tpu.memref_squeeze %dma_start3A_153 : memref<1x128xi32, #tpu.memory_space<vmem>> -> memref<128xi32, #tpu.memory_space<vmem>>
      %dma_start3A_155 = arith.constant 0 : i32
      %dma_start3A_156 = arith.constant 0 : i32
      %dma_start3A_157 = tpu.memref_slice %arg2[%dma_start3A_155, %dma_start3A_156] : memref<10000x128xf32, #tpu.memory_space<hbm>> -> memref<10000x128xf32, #tpu.memory_space<hbm>>
      tpu.enqueue_indirect_dma source(%dma_start3A_157 : memref<10000x128xf32, #tpu.memory_space<hbm>>) target(%arg15 : memref<128x128xf32, #tpu.memory_space<vmem>>) offsets(%dma_start3A_154 : memref<128xi32, #tpu.memory_space<vmem>>) semaphore(%arg18 : memref<!tpu.dma_semaphore, #tpu.memory_space<semaphore_mem>>)
      %dma_wait3A_158 = arith.constant 7 : i32
      %dma_wait3A_159 = arith.constant 0 : i32
      %dma_wait3A_160 = tpu.memref_slice %arg11[%dma_wait3A_158, %dma_wait3A_159] : memref<8x128xi32, #tpu.memory_space<vmem>> -> memref<1x128xi32, #tpu.memory_space<vmem>>
      %dma_wait3A_161 = tpu.memref_squeeze %dma_wait3A_160 : memref<1x128xi32, #tpu.memory_space<vmem>> -> memref<128xi32, #tpu.memory_space<vmem>>
      %dma_wait3A_162 = arith.constant 0 : i32
      %dma_wait3A_163 = arith.constant 0 : i32
      %dma_wait3A_164 = tpu.memref_slice %arg2[%dma_wait3A_162, %dma_wait3A_163] : memref<10000x128xf32, #tpu.memory_space<hbm>> -> memref<10000x128xf32, #tpu.memory_space<hbm>>
      tpu.wait_indirect_dma semaphore(%arg19 : memref<!tpu.dma_semaphore, #tpu.memory_space<semaphore_mem>>) src(%dma_wait3A_164 : memref<10000x128xf32, #tpu.memory_space<hbm>>) dst(%arg16 : memref<128x128xf32, #tpu.memory_space<vmem>>)
      %run_scoped3A_165 = arith.constant 7 : i32
      "tpu.region"() ({
        %run_scoped3A_326 = tpu.sem_alloc : memref<!tpu.dma_semaphore, #tpu.memory_space<semaphore_mem>>
        %dma_start3A_327 = arith.constant 0 : i32
        %dma_start3A_328 = tpu.memref_slice %arg12[%run_scoped3A_165, %dma_start3A_327] : memref<8x128xi32, #tpu.memory_space<vmem>> -> memref<1x128xi32, #tpu.memory_space<vmem>>
        %dma_start3A_329 = tpu.memref_squeeze %dma_start3A_328 : memref<1x128xi32, #tpu.memory_space<vmem>> -> memref<128xi32, #tpu.memory_space<vmem>>
        %dma_start3A_330 = arith.constant 0 : i32
        %dma_start3A_331 = arith.constant 0 : i32
        %dma_start3A_332 = tpu.memref_slice %arg9[%dma_start3A_330, %dma_start3A_331] : memref<10240x128xf32, #tpu.memory_space<vmem_shared>> -> memref<10240x128xf32, #tpu.memory_space<vmem_shared>>
        tpu.enqueue_indirect_dma source(%arg16 : memref<128x128xf32, #tpu.memory_space<vmem>>) target(%dma_start3A_332 : memref<10240x128xf32, #tpu.memory_space<vmem_shared>>) offsets(%dma_start3A_329 : memref<128xi32, #tpu.memory_space<vmem>>) semaphore(%run_scoped3A_326 : memref<!tpu.dma_semaphore, #tpu.memory_space<semaphore_mem>>) {add = true}
        %dma_wait3A_333 = arith.constant 0 : i32
        %dma_wait3A_334 = tpu.memref_slice %arg12[%run_scoped3A_165, %dma_wait3A_333] : memref<8x128xi32, #tpu.memory_space<vmem>> -> memref<1x128xi32, #tpu.memory_space<vmem>>
        %dma_wait3A_335 = tpu.memref_squeeze %dma_wait3A_334 : memref<1x128xi32, #tpu.memory_space<vmem>> -> memref<128xi32, #tpu.memory_space<vmem>>
        %dma_wait3A_336 = arith.constant 0 : i32
        %dma_wait3A_337 = arith.constant 0 : i32
        %dma_wait3A_338 = tpu.memref_slice %arg9[%dma_wait3A_336, %dma_wait3A_337] : memref<10240x128xf32, #tpu.memory_space<vmem_shared>> -> memref<10240x128xf32, #tpu.memory_space<vmem_shared>>
        tpu.wait_indirect_dma semaphore(%run_scoped3A_326 : memref<!tpu.dma_semaphore, #tpu.memory_space<semaphore_mem>>) src(%arg16 : memref<128x128xf32, #tpu.memory_space<vmem>>) dst(%dma_wait3A_338 : memref<10240x128xf32, #tpu.memory_space<vmem_shared>>)
        tpu.yield
      }) : () -> ()
      %dma_start3A_166 = arith.constant 7 : i32
      %dma_start3A_167 = arith.constant 0 : i32
      %dma_start3A_168 = tpu.memref_slice %arg12[%dma_start3A_166, %dma_start3A_167] : memref<8x128xi32, #tpu.memory_space<vmem>> -> memref<1x128xi32, #tpu.memory_space<vmem>>
      %dma_start3A_169 = tpu.memref_squeeze %dma_start3A_168 : memref<1x128xi32, #tpu.memory_space<vmem>> -> memref<128xi32, #tpu.memory_space<vmem>>
      %dma_start3A_170 = arith.constant 0 : i32
      %dma_start3A_171 = tpu.memref_slice %arg10[%dma_start3A_170] : memref<10240xf32, #tpu.memory_space<vmem_shared>> -> memref<10240xf32, #tpu.memory_space<vmem_shared>>
      tpu.enqueue_indirect_dma source(%arg17 : memref<128xf32, #tpu.memory_space<vmem>>) target(%dma_start3A_171 : memref<10240xf32, #tpu.memory_space<vmem_shared>>) offsets(%dma_start3A_169 : memref<128xi32, #tpu.memory_space<vmem>>) semaphore(%arg22 : memref<!tpu.dma_semaphore, #tpu.memory_space<semaphore_mem>>) {add = true}
      %dma_start3A_172 = arith.constant 1 : i32
      %dma_start3A_173 = arith.constant 0 : i32
      %dma_start3A_174 = tpu.memref_slice %arg13[%dma_start3A_172, %dma_start3A_173] : memref<8x128xi32, #tpu.memory_space<vmem>> -> memref<1x128xi32, #tpu.memory_space<vmem>>
      %dma_start3A_175 = tpu.memref_squeeze %dma_start3A_174 : memref<1x128xi32, #tpu.memory_space<vmem>> -> memref<128xi32, #tpu.memory_space<vmem>>
      %dma_start3A_176 = arith.constant 0 : i32
      %dma_start3A_177 = arith.constant 0 : i32
      %dma_start3A_178 = tpu.memref_slice %arg2[%dma_start3A_176, %dma_start3A_177] : memref<10000x128xf32, #tpu.memory_space<hbm>> -> memref<10000x128xf32, #tpu.memory_space<hbm>>
      tpu.enqueue_indirect_dma source(%dma_start3A_178 : memref<10000x128xf32, #tpu.memory_space<hbm>>) target(%arg16 : memref<128x128xf32, #tpu.memory_space<vmem>>) offsets(%dma_start3A_175 : memref<128xi32, #tpu.memory_space<vmem>>) semaphore(%arg19 : memref<!tpu.dma_semaphore, #tpu.memory_space<semaphore_mem>>)
      %dma_wait3A_179 = arith.constant 0 : i32
      %dma_wait3A_180 = arith.constant 0 : i32
      %dma_wait3A_181 = tpu.memref_slice %arg12[%dma_wait3A_179, %dma_wait3A_180] : memref<8x128xi32, #tpu.memory_space<vmem>> -> memref<1x128xi32, #tpu.memory_space<vmem>>
      %dma_wait3A_182 = tpu.memref_squeeze %dma_wait3A_181 : memref<1x128xi32, #tpu.memory_space<vmem>> -> memref<128xi32, #tpu.memory_space<vmem>>
      %dma_wait3A_183 = arith.constant 0 : i32
      %dma_wait3A_184 = tpu.memref_slice %arg10[%dma_wait3A_183] : memref<10240xf32, #tpu.memory_space<vmem_shared>> -> memref<10240xf32, #tpu.memory_space<vmem_shared>>
      tpu.wait_indirect_dma semaphore(%arg22 : memref<!tpu.dma_semaphore, #tpu.memory_space<semaphore_mem>>) src(%arg17 : memref<128xf32, #tpu.memory_space<vmem>>) dst(%dma_wait3A_184 : memref<10240xf32, #tpu.memory_space<vmem_shared>>)
      %dma_wait3A_185 = arith.constant 1 : i32
      %dma_wait3A_186 = arith.constant 0 : i32
      %dma_wait3A_187 = tpu.memref_slice %arg12[%dma_wait3A_185, %dma_wait3A_186] : memref<8x128xi32, #tpu.memory_space<vmem>> -> memref<1x128xi32, #tpu.memory_space<vmem>>
      %dma_wait3A_188 = tpu.memref_squeeze %dma_wait3A_187 : memref<1x128xi32, #tpu.memory_space<vmem>> -> memref<128xi32, #tpu.memory_space<vmem>>
      %dma_wait3A_189 = arith.constant 0 : i32
      %dma_wait3A_190 = tpu.memref_slice %arg10[%dma_wait3A_189] : memref<10240xf32, #tpu.memory_space<vmem_shared>> -> memref<10240xf32, #tpu.memory_space<vmem_shared>>
      tpu.wait_indirect_dma semaphore(%arg22 : memref<!tpu.dma_semaphore, #tpu.memory_space<semaphore_mem>>) src(%arg17 : memref<128xf32, #tpu.memory_space<vmem>>) dst(%dma_wait3A_190 : memref<10240xf32, #tpu.memory_space<vmem_shared>>)
      %dma_wait3A_191 = arith.constant 2 : i32
      %dma_wait3A_192 = arith.constant 0 : i32
      %dma_wait3A_193 = tpu.memref_slice %arg12[%dma_wait3A_191, %dma_wait3A_192] : memref<8x128xi32, #tpu.memory_space<vmem>> -> memref<1x128xi32, #tpu.memory_space<vmem>>
      %dma_wait3A_194 = tpu.memref_squeeze %dma_wait3A_193 : memref<1x128xi32, #tpu.memory_space<vmem>> -> memref<128xi32, #tpu.memory_space<vmem>>
      %dma_wait3A_195 = arith.constant 0 : i32
      %dma_wait3A_196 = tpu.memref_slice %arg10[%dma_wait3A_195] : memref<10240xf32, #tpu.memory_space<vmem_shared>> -> memref<10240xf32, #tpu.memory_space<vmem_shared>>
      tpu.wait_indirect_dma semaphore(%arg22 : memref<!tpu.dma_semaphore, #tpu.memory_space<semaphore_mem>>) src(%arg17 : memref<128xf32, #tpu.memory_space<vmem>>) dst(%dma_wait3A_196 : memref<10240xf32, #tpu.memory_space<vmem_shared>>)
      %dma_wait3A_197 = arith.constant 3 : i32
      %dma_wait3A_198 = arith.constant 0 : i32
      %dma_wait3A_199 = tpu.memref_slice %arg12[%dma_wait3A_197, %dma_wait3A_198] : memref<8x128xi32, #tpu.memory_space<vmem>> -> memref<1x128xi32, #tpu.memory_space<vmem>>
      %dma_wait3A_200 = tpu.memref_squeeze %dma_wait3A_199 : memref<1x128xi32, #tpu.memory_space<vmem>> -> memref<128xi32, #tpu.memory_space<vmem>>
      %dma_wait3A_201 = arith.constant 0 : i32
      %dma_wait3A_202 = tpu.memref_slice %arg10[%dma_wait3A_201] : memref<10240xf32, #tpu.memory_space<vmem_shared>> -> memref<10240xf32, #tpu.memory_space<vmem_shared>>
      tpu.wait_indirect_dma semaphore(%arg22 : memref<!tpu.dma_semaphore, #tpu.memory_space<semaphore_mem>>) src(%arg17 : memref<128xf32, #tpu.memory_space<vmem>>) dst(%dma_wait3A_202 : memref<10240xf32, #tpu.memory_space<vmem_shared>>)
      %dma_wait3A_203 = arith.constant 4 : i32
      %dma_wait3A_204 = arith.constant 0 : i32
      %dma_wait3A_205 = tpu.memref_slice %arg12[%dma_wait3A_203, %dma_wait3A_204] : memref<8x128xi32, #tpu.memory_space<vmem>> -> memref<1x128xi32, #tpu.memory_space<vmem>>
      %dma_wait3A_206 = tpu.memref_squeeze %dma_wait3A_205 : memref<1x128xi32, #tpu.memory_space<vmem>> -> memref<128xi32, #tpu.memory_space<vmem>>
      %dma_wait3A_207 = arith.constant 0 : i32
      %dma_wait3A_208 = tpu.memref_slice %arg10[%dma_wait3A_207] : memref<10240xf32, #tpu.memory_space<vmem_shared>> -> memref<10240xf32, #tpu.memory_space<vmem_shared>>
      tpu.wait_indirect_dma semaphore(%arg22 : memref<!tpu.dma_semaphore, #tpu.memory_space<semaphore_mem>>) src(%arg17 : memref<128xf32, #tpu.memory_space<vmem>>) dst(%dma_wait3A_208 : memref<10240xf32, #tpu.memory_space<vmem_shared>>)
      %dma_wait3A_209 = arith.constant 5 : i32
      %dma_wait3A_210 = arith.constant 0 : i32
      %dma_wait3A_211 = tpu.memref_slice %arg12[%dma_wait3A_209, %dma_wait3A_210] : memref<8x128xi32, #tpu.memory_space<vmem>> -> memref<1x128xi32, #tpu.memory_space<vmem>>
      %dma_wait3A_212 = tpu.memref_squeeze %dma_wait3A_211 : memref<1x128xi32, #tpu.memory_space<vmem>> -> memref<128xi32, #tpu.memory_space<vmem>>
      %dma_wait3A_213 = arith.constant 0 : i32
      %dma_wait3A_214 = tpu.memref_slice %arg10[%dma_wait3A_213] : memref<10240xf32, #tpu.memory_space<vmem_shared>> -> memref<10240xf32, #tpu.memory_space<vmem_shared>>
      tpu.wait_indirect_dma semaphore(%arg22 : memref<!tpu.dma_semaphore, #tpu.memory_space<semaphore_mem>>) src(%arg17 : memref<128xf32, #tpu.memory_space<vmem>>) dst(%dma_wait3A_214 : memref<10240xf32, #tpu.memory_space<vmem_shared>>)
      %dma_wait3A_215 = arith.constant 6 : i32
      %dma_wait3A_216 = arith.constant 0 : i32
      %dma_wait3A_217 = tpu.memref_slice %arg12[%dma_wait3A_215, %dma_wait3A_216] : memref<8x128xi32, #tpu.memory_space<vmem>> -> memref<1x128xi32, #tpu.memory_space<vmem>>
      %dma_wait3A_218 = tpu.memref_squeeze %dma_wait3A_217 : memref<1x128xi32, #tpu.memory_space<vmem>> -> memref<128xi32, #tpu.memory_space<vmem>>
      %dma_wait3A_219 = arith.constant 0 : i32
      %dma_wait3A_220 = tpu.memref_slice %arg10[%dma_wait3A_219] : memref<10240xf32, #tpu.memory_space<vmem_shared>> -> memref<10240xf32, #tpu.memory_space<vmem_shared>>
      tpu.wait_indirect_dma semaphore(%arg22 : memref<!tpu.dma_semaphore, #tpu.memory_space<semaphore_mem>>) src(%arg17 : memref<128xf32, #tpu.memory_space<vmem>>) dst(%dma_wait3A_220 : memref<10240xf32, #tpu.memory_space<vmem_shared>>)
      %dma_wait3A_221 = arith.constant 7 : i32
      %dma_wait3A_222 = arith.constant 0 : i32
      %dma_wait3A_223 = tpu.memref_slice %arg12[%dma_wait3A_221, %dma_wait3A_222] : memref<8x128xi32, #tpu.memory_space<vmem>> -> memref<1x128xi32, #tpu.memory_space<vmem>>
      %dma_wait3A_224 = tpu.memref_squeeze %dma_wait3A_223 : memref<1x128xi32, #tpu.memory_space<vmem>> -> memref<128xi32, #tpu.memory_space<vmem>>
      %dma_wait3A_225 = arith.constant 0 : i32
      %dma_wait3A_226 = tpu.memref_slice %arg10[%dma_wait3A_225] : memref<10240xf32, #tpu.memory_space<vmem_shared>> -> memref<10240xf32, #tpu.memory_space<vmem_shared>>
      tpu.wait_indirect_dma semaphore(%arg22 : memref<!tpu.dma_semaphore, #tpu.memory_space<semaphore_mem>>) src(%arg17 : memref<128xf32, #tpu.memory_space<vmem>>) dst(%dma_wait3A_226 : memref<10240xf32, #tpu.memory_space<vmem_shared>>)
      %add3A_227 = arith.constant 2 : i32
      %add3A_228 = arith.addi %mul3A_118, %add3A_227 : i32
      %lt3A = arith.constant 10 : i32
      %lt3A_229 = arith.cmpi slt, %add3A_228, %lt3A : i32
      %convert_element_type3A = arith.extui %lt3A_229 : i1 to i32
      %cond3A = arith.constant 0 : i32
      %cond3A_230 = arith.cmpi ne, %convert_element_type3A, %cond3A : i32
      scf.if %cond3A_230 {
        %add3A_326 = arith.constant 2 : i32
        %add3A_327 = arith.addi %mul3A_118, %add3A_326 : i32
        %mul3A_328 = arith.constant 8 : i32
        %mul3A_329 = arith.muli %add3A_327, %mul3A_328 : i32
        %add3A_330 = arith.addi %mul3A_2, %mul3A_329 : i32
        %dma_start3A_331 = arith.constant 0 : i32
        %dma_start3A_332 = tpu.memref_slice %arg3[%add3A_330, %dma_start3A_331] : memref<2560x128xi32, #tpu.memory_space<hbm>> -> memref<8x128xi32, #tpu.memory_space<hbm>>
        %dma_start3A_333 = arith.constant 0 : i32
        %dma_start3A_334 = tpu.memref_slice %arg3[%add3A_330, %dma_start3A_333] : memref<2560x128xi32, #tpu.memory_space<hbm>> -> memref<8x128xi32, #tpu.memory_space<hbm>>
        tpu.enqueue_dma source(%dma_start3A_334 : memref<8x128xi32, #tpu.memory_space<hbm>>) target(%arg11 : memref<8x128xi32, #tpu.memory_space<vmem>>) target_semaphore(%arg20 : memref<!tpu.dma_semaphore, #tpu.memory_space<semaphore_mem>>)
        %dma_start3A_335 = arith.constant 0 : i32
        %dma_start3A_336 = tpu.memref_slice %arg4[%add3A_330, %dma_start3A_335] : memref<2560x128xi32, #tpu.memory_space<hbm>> -> memref<8x128xi32, #tpu.memory_space<hbm>>
        %dma_start3A_337 = arith.constant 0 : i32
        %dma_start3A_338 = tpu.memref_slice %arg4[%add3A_330, %dma_start3A_337] : memref<2560x128xi32, #tpu.memory_space<hbm>> -> memref<8x128xi32, #tpu.memory_space<hbm>>
        tpu.enqueue_dma source(%dma_start3A_338 : memref<8x128xi32, #tpu.memory_space<hbm>>) target(%arg12 : memref<8x128xi32, #tpu.memory_space<vmem>>) target_semaphore(%arg20 : memref<!tpu.dma_semaphore, #tpu.memory_space<semaphore_mem>>)
        %add3A_339 = arith.constant 2 : i32
        %add3A_340 = arith.addi %mul3A_118, %add3A_339 : i32
        %mul3A_341 = arith.constant 8 : i32
        %mul3A_342 = arith.muli %add3A_340, %mul3A_341 : i32
        %add3A_343 = arith.addi %mul3A_2, %mul3A_342 : i32
        %dma_wait3A_344 = arith.constant 0 : i32
        %dma_wait3A_345 = tpu.memref_slice %arg3[%add3A_343, %dma_wait3A_344] : memref<2560x128xi32, #tpu.memory_space<hbm>> -> memref<8x128xi32, #tpu.memory_space<hbm>>
        %dma_wait3A_346 = arith.constant 0 : i32
        %dma_wait3A_347 = tpu.memref_slice %arg3[%add3A_343, %dma_wait3A_346] : memref<2560x128xi32, #tpu.memory_space<hbm>> -> memref<8x128xi32, #tpu.memory_space<hbm>>
        tpu.wait_dma2 semaphore(%arg20 : memref<!tpu.dma_semaphore, #tpu.memory_space<semaphore_mem>>) src(%dma_wait3A_347 : memref<8x128xi32, #tpu.memory_space<hbm>>) dst(%arg11 : memref<8x128xi32, #tpu.memory_space<vmem>>)
        %dma_wait3A_348 = arith.constant 0 : i32
        %dma_wait3A_349 = tpu.memref_slice %arg4[%add3A_343, %dma_wait3A_348] : memref<2560x128xi32, #tpu.memory_space<hbm>> -> memref<8x128xi32, #tpu.memory_space<hbm>>
        %dma_wait3A_350 = arith.constant 0 : i32
        %dma_wait3A_351 = tpu.memref_slice %arg4[%add3A_343, %dma_wait3A_350] : memref<2560x128xi32, #tpu.memory_space<hbm>> -> memref<8x128xi32, #tpu.memory_space<hbm>>
        tpu.wait_dma2 semaphore(%arg20 : memref<!tpu.dma_semaphore, #tpu.memory_space<semaphore_mem>>) src(%dma_wait3A_351 : memref<8x128xi32, #tpu.memory_space<hbm>>) dst(%arg12 : memref<8x128xi32, #tpu.memory_space<vmem>>)
      } else {
      }
      %scan3A_231 = arith.constant 0 : i32
      %scan3A_232 = arith.constant 0 : i32
      %scan3A_233 = arith.constant 3 : i32
      %scan3A_234 = arith.addi %scan3A_232, %scan3A_233 : i32
      %scan3A_235 = arith.constant 1 : i32
      scf.for %scan3A_326 = %scan3A_232 to %scan3A_234 step %scan3A_235  : i32 {
        %mul3A_327 = arith.constant 2 : i32
        %mul3A_328 = arith.muli %mul3A_327, %scan3A_326 : i32
        %add3A_329 = arith.constant 0 : i32
        %add3A_330 = arith.addi %mul3A_328, %add3A_329 : i32
        %dma_wait3A_331 = arith.constant 0 : i32
        %dma_wait3A_332 = tpu.memref_slice %arg13[%add3A_330, %dma_wait3A_331] : memref<8x128xi32, #tpu.memory_space<vmem>> -> memref<1x128xi32, #tpu.memory_space<vmem>>
        %dma_wait3A_333 = tpu.memref_squeeze %dma_wait3A_332 : memref<1x128xi32, #tpu.memory_space<vmem>> -> memref<128xi32, #tpu.memory_space<vmem>>
        %dma_wait3A_334 = arith.constant 0 : i32
        %dma_wait3A_335 = arith.constant 0 : i32
        %dma_wait3A_336 = tpu.memref_slice %arg2[%dma_wait3A_334, %dma_wait3A_335] : memref<10000x128xf32, #tpu.memory_space<hbm>> -> memref<10000x128xf32, #tpu.memory_space<hbm>>
        tpu.wait_indirect_dma semaphore(%arg18 : memref<!tpu.dma_semaphore, #tpu.memory_space<semaphore_mem>>) src(%dma_wait3A_336 : memref<10000x128xf32, #tpu.memory_space<hbm>>) dst(%arg15 : memref<128x128xf32, #tpu.memory_space<vmem>>)
        "tpu.region"() ({
          %run_scoped3A_373 = tpu.sem_alloc : memref<!tpu.dma_semaphore, #tpu.memory_space<semaphore_mem>>
          %dma_start3A_374 = arith.constant 0 : i32
          %dma_start3A_375 = tpu.memref_slice %arg14[%add3A_330, %dma_start3A_374] : memref<8x128xi32, #tpu.memory_space<vmem>> -> memref<1x128xi32, #tpu.memory_space<vmem>>
          %dma_start3A_376 = tpu.memref_squeeze %dma_start3A_375 : memref<1x128xi32, #tpu.memory_space<vmem>> -> memref<128xi32, #tpu.memory_space<vmem>>
          %dma_start3A_377 = arith.constant 0 : i32
          %dma_start3A_378 = arith.constant 0 : i32
          %dma_start3A_379 = tpu.memref_slice %arg9[%dma_start3A_377, %dma_start3A_378] : memref<10240x128xf32, #tpu.memory_space<vmem_shared>> -> memref<10240x128xf32, #tpu.memory_space<vmem_shared>>
          tpu.enqueue_indirect_dma source(%arg15 : memref<128x128xf32, #tpu.memory_space<vmem>>) target(%dma_start3A_379 : memref<10240x128xf32, #tpu.memory_space<vmem_shared>>) offsets(%dma_start3A_376 : memref<128xi32, #tpu.memory_space<vmem>>) semaphore(%run_scoped3A_373 : memref<!tpu.dma_semaphore, #tpu.memory_space<semaphore_mem>>) {add = true}
          %dma_wait3A_380 = arith.constant 0 : i32
          %dma_wait3A_381 = tpu.memref_slice %arg14[%add3A_330, %dma_wait3A_380] : memref<8x128xi32, #tpu.memory_space<vmem>> -> memref<1x128xi32, #tpu.memory_space<vmem>>
          %dma_wait3A_382 = tpu.memref_squeeze %dma_wait3A_381 : memref<1x128xi32, #tpu.memory_space<vmem>> -> memref<128xi32, #tpu.memory_space<vmem>>
          %dma_wait3A_383 = arith.constant 0 : i32
          %dma_wait3A_384 = arith.constant 0 : i32
          %dma_wait3A_385 = tpu.memref_slice %arg9[%dma_wait3A_383, %dma_wait3A_384] : memref<10240x128xf32, #tpu.memory_space<vmem_shared>> -> memref<10240x128xf32, #tpu.memory_space<vmem_shared>>
          tpu.wait_indirect_dma semaphore(%run_scoped3A_373 : memref<!tpu.dma_semaphore, #tpu.memory_space<semaphore_mem>>) src(%arg15 : memref<128x128xf32, #tpu.memory_space<vmem>>) dst(%dma_wait3A_385 : memref<10240x128xf32, #tpu.memory_space<vmem_shared>>)
          tpu.yield
        }) : () -> ()
        %dma_start3A_337 = arith.constant 0 : i32
        %dma_start3A_338 = tpu.memref_slice %arg14[%add3A_330, %dma_start3A_337] : memref<8x128xi32, #tpu.memory_space<vmem>> -> memref<1x128xi32, #tpu.memory_space<vmem>>
        %dma_start3A_339 = tpu.memref_squeeze %dma_start3A_338 : memref<1x128xi32, #tpu.memory_space<vmem>> -> memref<128xi32, #tpu.memory_space<vmem>>
        %dma_start3A_340 = arith.constant 0 : i32
        %dma_start3A_341 = tpu.memref_slice %arg10[%dma_start3A_340] : memref<10240xf32, #tpu.memory_space<vmem_shared>> -> memref<10240xf32, #tpu.memory_space<vmem_shared>>
        tpu.enqueue_indirect_dma source(%arg17 : memref<128xf32, #tpu.memory_space<vmem>>) target(%dma_start3A_341 : memref<10240xf32, #tpu.memory_space<vmem_shared>>) offsets(%dma_start3A_339 : memref<128xi32, #tpu.memory_space<vmem>>) semaphore(%arg22 : memref<!tpu.dma_semaphore, #tpu.memory_space<semaphore_mem>>) {add = true}
        %add3A_342 = arith.constant 2 : i32
        %add3A_343 = arith.addi %add3A_330, %add3A_342 : i32
        %dma_start3A_344 = arith.constant 0 : i32
        %dma_start3A_345 = tpu.memref_slice %arg13[%add3A_343, %dma_start3A_344] : memref<8x128xi32, #tpu.memory_space<vmem>> -> memref<1x128xi32, #tpu.memory_space<vmem>>
        %dma_start3A_346 = tpu.memref_squeeze %dma_start3A_345 : memref<1x128xi32, #tpu.memory_space<vmem>> -> memref<128xi32, #tpu.memory_space<vmem>>
        %dma_start3A_347 = arith.constant 0 : i32
        %dma_start3A_348 = arith.constant 0 : i32
        %dma_start3A_349 = tpu.memref_slice %arg2[%dma_start3A_347, %dma_start3A_348] : memref<10000x128xf32, #tpu.memory_space<hbm>> -> memref<10000x128xf32, #tpu.memory_space<hbm>>
        tpu.enqueue_indirect_dma source(%dma_start3A_349 : memref<10000x128xf32, #tpu.memory_space<hbm>>) target(%arg15 : memref<128x128xf32, #tpu.memory_space<vmem>>) offsets(%dma_start3A_346 : memref<128xi32, #tpu.memory_space<vmem>>) semaphore(%arg18 : memref<!tpu.dma_semaphore, #tpu.memory_space<semaphore_mem>>)
        %mul3A_350 = arith.constant 2 : i32
        %mul3A_351 = arith.muli %mul3A_350, %scan3A_326 : i32
        %add3A_352 = arith.constant 1 : i32
        %add3A_353 = arith.addi %mul3A_351, %add3A_352 : i32
        %dma_wait3A_354 = arith.constant 0 : i32
        %dma_wait3A_355 = tpu.memref_slice %arg13[%add3A_353, %dma_wait3A_354] : memref<8x128xi32, #tpu.memory_space<vmem>> -> memref<1x128xi32, #tpu.memory_space<vmem>>
        %dma_wait3A_356 = tpu.memref_squeeze %dma_wait3A_355 : memref<1x128xi32, #tpu.memory_space<vmem>> -> memref<128xi32, #tpu.memory_space<vmem>>
        %dma_wait3A_357 = arith.constant 0 : i32
        %dma_wait3A_358 = arith.constant 0 : i32
        %dma_wait3A_359 = tpu.memref_slice %arg2[%dma_wait3A_357, %dma_wait3A_358] : memref<10000x128xf32, #tpu.memory_space<hbm>> -> memref<10000x128xf32, #tpu.memory_space<hbm>>
        tpu.wait_indirect_dma semaphore(%arg19 : memref<!tpu.dma_semaphore, #tpu.memory_space<semaphore_mem>>) src(%dma_wait3A_359 : memref<10000x128xf32, #tpu.memory_space<hbm>>) dst(%arg16 : memref<128x128xf32, #tpu.memory_space<vmem>>)
        "tpu.region"() ({
          %run_scoped3A_373 = tpu.sem_alloc : memref<!tpu.dma_semaphore, #tpu.memory_space<semaphore_mem>>
          %dma_start3A_374 = arith.constant 0 : i32
          %dma_start3A_375 = tpu.memref_slice %arg14[%add3A_353, %dma_start3A_374] : memref<8x128xi32, #tpu.memory_space<vmem>> -> memref<1x128xi32, #tpu.memory_space<vmem>>
          %dma_start3A_376 = tpu.memref_squeeze %dma_start3A_375 : memref<1x128xi32, #tpu.memory_space<vmem>> -> memref<128xi32, #tpu.memory_space<vmem>>
          %dma_start3A_377 = arith.constant 0 : i32
          %dma_start3A_378 = arith.constant 0 : i32
          %dma_start3A_379 = tpu.memref_slice %arg9[%dma_start3A_377, %dma_start3A_378] : memref<10240x128xf32, #tpu.memory_space<vmem_shared>> -> memref<10240x128xf32, #tpu.memory_space<vmem_shared>>
          tpu.enqueue_indirect_dma source(%arg16 : memref<128x128xf32, #tpu.memory_space<vmem>>) target(%dma_start3A_379 : memref<10240x128xf32, #tpu.memory_space<vmem_shared>>) offsets(%dma_start3A_376 : memref<128xi32, #tpu.memory_space<vmem>>) semaphore(%run_scoped3A_373 : memref<!tpu.dma_semaphore, #tpu.memory_space<semaphore_mem>>) {add = true}
          %dma_wait3A_380 = arith.constant 0 : i32
          %dma_wait3A_381 = tpu.memref_slice %arg14[%add3A_353, %dma_wait3A_380] : memref<8x128xi32, #tpu.memory_space<vmem>> -> memref<1x128xi32, #tpu.memory_space<vmem>>
          %dma_wait3A_382 = tpu.memref_squeeze %dma_wait3A_381 : memref<1x128xi32, #tpu.memory_space<vmem>> -> memref<128xi32, #tpu.memory_space<vmem>>
          %dma_wait3A_383 = arith.constant 0 : i32
          %dma_wait3A_384 = arith.constant 0 : i32
          %dma_wait3A_385 = tpu.memref_slice %arg9[%dma_wait3A_383, %dma_wait3A_384] : memref<10240x128xf32, #tpu.memory_space<vmem_shared>> -> memref<10240x128xf32, #tpu.memory_space<vmem_shared>>
          tpu.wait_indirect_dma semaphore(%run_scoped3A_373 : memref<!tpu.dma_semaphore, #tpu.memory_space<semaphore_mem>>) src(%arg16 : memref<128x128xf32, #tpu.memory_space<vmem>>) dst(%dma_wait3A_385 : memref<10240x128xf32, #tpu.memory_space<vmem_shared>>)
          tpu.yield
        }) : () -> ()
        %dma_start3A_360 = arith.constant 0 : i32
        %dma_start3A_361 = tpu.memref_slice %arg14[%add3A_353, %dma_start3A_360] : memref<8x128xi32, #tpu.memory_space<vmem>> -> memref<1x128xi32, #tpu.memory_space<vmem>>
        %dma_start3A_362 = tpu.memref_squeeze %dma_start3A_361 : memref<1x128xi32, #tpu.memory_space<vmem>> -> memref<128xi32, #tpu.memory_space<vmem>>
        %dma_start3A_363 = arith.constant 0 : i32
        %dma_start3A_364 = tpu.memref_slice %arg10[%dma_start3A_363] : memref<10240xf32, #tpu.memory_space<vmem_shared>> -> memref<10240xf32, #tpu.memory_space<vmem_shared>>
        tpu.enqueue_indirect_dma source(%arg17 : memref<128xf32, #tpu.memory_space<vmem>>) target(%dma_start3A_364 : memref<10240xf32, #tpu.memory_space<vmem_shared>>) offsets(%dma_start3A_362 : memref<128xi32, #tpu.memory_space<vmem>>) semaphore(%arg22 : memref<!tpu.dma_semaphore, #tpu.memory_space<semaphore_mem>>) {add = true}
        %add3A_365 = arith.constant 2 : i32
        %add3A_366 = arith.addi %add3A_353, %add3A_365 : i32
        %dma_start3A_367 = arith.constant 0 : i32
        %dma_start3A_368 = tpu.memref_slice %arg13[%add3A_366, %dma_start3A_367] : memref<8x128xi32, #tpu.memory_space<vmem>> -> memref<1x128xi32, #tpu.memory_space<vmem>>
        %dma_start3A_369 = tpu.memref_squeeze %dma_start3A_368 : memref<1x128xi32, #tpu.memory_space<vmem>> -> memref<128xi32, #tpu.memory_space<vmem>>
        %dma_start3A_370 = arith.constant 0 : i32
        %dma_start3A_371 = arith.constant 0 : i32
        %dma_start3A_372 = tpu.memref_slice %arg2[%dma_start3A_370, %dma_start3A_371] : memref<10000x128xf32, #tpu.memory_space<hbm>> -> memref<10000x128xf32, #tpu.memory_space<hbm>>
        tpu.enqueue_indirect_dma source(%dma_start3A_372 : memref<10000x128xf32, #tpu.memory_space<hbm>>) target(%arg16 : memref<128x128xf32, #tpu.memory_space<vmem>>) offsets(%dma_start3A_369 : memref<128xi32, #tpu.memory_space<vmem>>) semaphore(%arg19 : memref<!tpu.dma_semaphore, #tpu.memory_space<semaphore_mem>>)
      }
      %scan3A_236 = arith.constant 3 : i32
      %dma_wait3A_237 = arith.constant 6 : i32
      %dma_wait3A_238 = arith.constant 0 : i32
      %dma_wait3A_239 = tpu.memref_slice %arg13[%dma_wait3A_237, %dma_wait3A_238] : memref<8x128xi32, #tpu.memory_space<vmem>> -> memref<1x128xi32, #tpu.memory_space<vmem>>
      %dma_wait3A_240 = tpu.memref_squeeze %dma_wait3A_239 : memref<1x128xi32, #tpu.memory_space<vmem>> -> memref<128xi32, #tpu.memory_space<vmem>>
      %dma_wait3A_241 = arith.constant 0 : i32
      %dma_wait3A_242 = arith.constant 0 : i32
      %dma_wait3A_243 = tpu.memref_slice %arg2[%dma_wait3A_241, %dma_wait3A_242] : memref<10000x128xf32, #tpu.memory_space<hbm>> -> memref<10000x128xf32, #tpu.memory_space<hbm>>
      tpu.wait_indirect_dma semaphore(%arg18 : memref<!tpu.dma_semaphore, #tpu.memory_space<semaphore_mem>>) src(%dma_wait3A_243 : memref<10000x128xf32, #tpu.memory_space<hbm>>) dst(%arg15 : memref<128x128xf32, #tpu.memory_space<vmem>>)
      %run_scoped3A_244 = arith.constant 6 : i32
      "tpu.region"() ({
        %run_scoped3A_326 = tpu.sem_alloc : memref<!tpu.dma_semaphore, #tpu.memory_space<semaphore_mem>>
        %dma_start3A_327 = arith.constant 0 : i32
        %dma_start3A_328 = tpu.memref_slice %arg14[%run_scoped3A_244, %dma_start3A_327] : memref<8x128xi32, #tpu.memory_space<vmem>> -> memref<1x128xi32, #tpu.memory_space<vmem>>
        %dma_start3A_329 = tpu.memref_squeeze %dma_start3A_328 : memref<1x128xi32, #tpu.memory_space<vmem>> -> memref<128xi32, #tpu.memory_space<vmem>>
        %dma_start3A_330 = arith.constant 0 : i32
        %dma_start3A_331 = arith.constant 0 : i32
        %dma_start3A_332 = tpu.memref_slice %arg9[%dma_start3A_330, %dma_start3A_331] : memref<10240x128xf32, #tpu.memory_space<vmem_shared>> -> memref<10240x128xf32, #tpu.memory_space<vmem_shared>>
        tpu.enqueue_indirect_dma source(%arg15 : memref<128x128xf32, #tpu.memory_space<vmem>>) target(%dma_start3A_332 : memref<10240x128xf32, #tpu.memory_space<vmem_shared>>) offsets(%dma_start3A_329 : memref<128xi32, #tpu.memory_space<vmem>>) semaphore(%run_scoped3A_326 : memref<!tpu.dma_semaphore, #tpu.memory_space<semaphore_mem>>) {add = true}
        %dma_wait3A_333 = arith.constant 0 : i32
        %dma_wait3A_334 = tpu.memref_slice %arg14[%run_scoped3A_244, %dma_wait3A_333] : memref<8x128xi32, #tpu.memory_space<vmem>> -> memref<1x128xi32, #tpu.memory_space<vmem>>
        %dma_wait3A_335 = tpu.memref_squeeze %dma_wait3A_334 : memref<1x128xi32, #tpu.memory_space<vmem>> -> memref<128xi32, #tpu.memory_space<vmem>>
        %dma_wait3A_336 = arith.constant 0 : i32
        %dma_wait3A_337 = arith.constant 0 : i32
        %dma_wait3A_338 = tpu.memref_slice %arg9[%dma_wait3A_336, %dma_wait3A_337] : memref<10240x128xf32, #tpu.memory_space<vmem_shared>> -> memref<10240x128xf32, #tpu.memory_space<vmem_shared>>
        tpu.wait_indirect_dma semaphore(%run_scoped3A_326 : memref<!tpu.dma_semaphore, #tpu.memory_space<semaphore_mem>>) src(%arg15 : memref<128x128xf32, #tpu.memory_space<vmem>>) dst(%dma_wait3A_338 : memref<10240x128xf32, #tpu.memory_space<vmem_shared>>)
        tpu.yield
      }) : () -> ()
      %dma_start3A_245 = arith.constant 6 : i32
      %dma_start3A_246 = arith.constant 0 : i32
      %dma_start3A_247 = tpu.memref_slice %arg14[%dma_start3A_245, %dma_start3A_246] : memref<8x128xi32, #tpu.memory_space<vmem>> -> memref<1x128xi32, #tpu.memory_space<vmem>>
      %dma_start3A_248 = tpu.memref_squeeze %dma_start3A_247 : memref<1x128xi32, #tpu.memory_space<vmem>> -> memref<128xi32, #tpu.memory_space<vmem>>
      %dma_start3A_249 = arith.constant 0 : i32
      %dma_start3A_250 = tpu.memref_slice %arg10[%dma_start3A_249] : memref<10240xf32, #tpu.memory_space<vmem_shared>> -> memref<10240xf32, #tpu.memory_space<vmem_shared>>
      tpu.enqueue_indirect_dma source(%arg17 : memref<128xf32, #tpu.memory_space<vmem>>) target(%dma_start3A_250 : memref<10240xf32, #tpu.memory_space<vmem_shared>>) offsets(%dma_start3A_248 : memref<128xi32, #tpu.memory_space<vmem>>) semaphore(%arg22 : memref<!tpu.dma_semaphore, #tpu.memory_space<semaphore_mem>>) {add = true}
      %convert_element_type3A_251 = arith.extui %lt3A_229 : i1 to i32
      %cond3A_252 = arith.constant 0 : i32
      %cond3A_253 = arith.cmpi ne, %convert_element_type3A_251, %cond3A_252 : i32
      scf.if %cond3A_253 {
        %dma_start3A_326 = arith.constant 0 : i32
        %dma_start3A_327 = arith.constant 0 : i32
        %dma_start3A_328 = tpu.memref_slice %arg11[%dma_start3A_326, %dma_start3A_327] : memref<8x128xi32, #tpu.memory_space<vmem>> -> memref<1x128xi32, #tpu.memory_space<vmem>>
        %dma_start3A_329 = tpu.memref_squeeze %dma_start3A_328 : memref<1x128xi32, #tpu.memory_space<vmem>> -> memref<128xi32, #tpu.memory_space<vmem>>
        %dma_start3A_330 = arith.constant 0 : i32
        %dma_start3A_331 = arith.constant 0 : i32
        %dma_start3A_332 = tpu.memref_slice %arg2[%dma_start3A_330, %dma_start3A_331] : memref<10000x128xf32, #tpu.memory_space<hbm>> -> memref<10000x128xf32, #tpu.memory_space<hbm>>
        tpu.enqueue_indirect_dma source(%dma_start3A_332 : memref<10000x128xf32, #tpu.memory_space<hbm>>) target(%arg15 : memref<128x128xf32, #tpu.memory_space<vmem>>) offsets(%dma_start3A_329 : memref<128xi32, #tpu.memory_space<vmem>>) semaphore(%arg18 : memref<!tpu.dma_semaphore, #tpu.memory_space<semaphore_mem>>)
      } else {
      }
      %dma_wait3A_254 = arith.constant 7 : i32
      %dma_wait3A_255 = arith.constant 0 : i32
      %dma_wait3A_256 = tpu.memref_slice %arg13[%dma_wait3A_254, %dma_wait3A_255] : memref<8x128xi32, #tpu.memory_space<vmem>> -> memref<1x128xi32, #tpu.memory_space<vmem>>
      %dma_wait3A_257 = tpu.memref_squeeze %dma_wait3A_256 : memref<1x128xi32, #tpu.memory_space<vmem>> -> memref<128xi32, #tpu.memory_space<vmem>>
      %dma_wait3A_258 = arith.constant 0 : i32
      %dma_wait3A_259 = arith.constant 0 : i32
      %dma_wait3A_260 = tpu.memref_slice %arg2[%dma_wait3A_258, %dma_wait3A_259] : memref<10000x128xf32, #tpu.memory_space<hbm>> -> memref<10000x128xf32, #tpu.memory_space<hbm>>
      tpu.wait_indirect_dma semaphore(%arg19 : memref<!tpu.dma_semaphore, #tpu.memory_space<semaphore_mem>>) src(%dma_wait3A_260 : memref<10000x128xf32, #tpu.memory_space<hbm>>) dst(%arg16 : memref<128x128xf32, #tpu.memory_space<vmem>>)
      %run_scoped3A_261 = arith.constant 7 : i32
      "tpu.region"() ({
        %run_scoped3A_326 = tpu.sem_alloc : memref<!tpu.dma_semaphore, #tpu.memory_space<semaphore_mem>>
        %dma_start3A_327 = arith.constant 0 : i32
        %dma_start3A_328 = tpu.memref_slice %arg14[%run_scoped3A_261, %dma_start3A_327] : memref<8x128xi32, #tpu.memory_space<vmem>> -> memref<1x128xi32, #tpu.memory_space<vmem>>
        %dma_start3A_329 = tpu.memref_squeeze %dma_start3A_328 : memref<1x128xi32, #tpu.memory_space<vmem>> -> memref<128xi32, #tpu.memory_space<vmem>>
        %dma_start3A_330 = arith.constant 0 : i32
        %dma_start3A_331 = arith.constant 0 : i32
        %dma_start3A_332 = tpu.memref_slice %arg9[%dma_start3A_330, %dma_start3A_331] : memref<10240x128xf32, #tpu.memory_space<vmem_shared>> -> memref<10240x128xf32, #tpu.memory_space<vmem_shared>>
        tpu.enqueue_indirect_dma source(%arg16 : memref<128x128xf32, #tpu.memory_space<vmem>>) target(%dma_start3A_332 : memref<10240x128xf32, #tpu.memory_space<vmem_shared>>) offsets(%dma_start3A_329 : memref<128xi32, #tpu.memory_space<vmem>>) semaphore(%run_scoped3A_326 : memref<!tpu.dma_semaphore, #tpu.memory_space<semaphore_mem>>) {add = true}
        %dma_wait3A_333 = arith.constant 0 : i32
        %dma_wait3A_334 = tpu.memref_slice %arg14[%run_scoped3A_261, %dma_wait3A_333] : memref<8x128xi32, #tpu.memory_space<vmem>> -> memref<1x128xi32, #tpu.memory_space<vmem>>
        %dma_wait3A_335 = tpu.memref_squeeze %dma_wait3A_334 : memref<1x128xi32, #tpu.memory_space<vmem>> -> memref<128xi32, #tpu.memory_space<vmem>>
        %dma_wait3A_336 = arith.constant 0 : i32
        %dma_wait3A_337 = arith.constant 0 : i32
        %dma_wait3A_338 = tpu.memref_slice %arg9[%dma_wait3A_336, %dma_wait3A_337] : memref<10240x128xf32, #tpu.memory_space<vmem_shared>> -> memref<10240x128xf32, #tpu.memory_space<vmem_shared>>
        tpu.wait_indirect_dma semaphore(%run_scoped3A_326 : memref<!tpu.dma_semaphore, #tpu.memory_space<semaphore_mem>>) src(%arg16 : memref<128x128xf32, #tpu.memory_space<vmem>>) dst(%dma_wait3A_338 : memref<10240x128xf32, #tpu.memory_space<vmem_shared>>)
        tpu.yield
      }) : () -> ()
      %dma_start3A_262 = arith.constant 7 : i32
      %dma_start3A_263 = arith.constant 0 : i32
      %dma_start3A_264 = tpu.memref_slice %arg14[%dma_start3A_262, %dma_start3A_263] : memref<8x128xi32, #tpu.memory_space<vmem>> -> memref<1x128xi32, #tpu.memory_space<vmem>>
      %dma_start3A_265 = tpu.memref_squeeze %dma_start3A_264 : memref<1x128xi32, #tpu.memory_space<vmem>> -> memref<128xi32, #tpu.memory_space<vmem>>
      %dma_start3A_266 = arith.constant 0 : i32
      %dma_start3A_267 = tpu.memref_slice %arg10[%dma_start3A_266] : memref<10240xf32, #tpu.memory_space<vmem_shared>> -> memref<10240xf32, #tpu.memory_space<vmem_shared>>
      tpu.enqueue_indirect_dma source(%arg17 : memref<128xf32, #tpu.memory_space<vmem>>) target(%dma_start3A_267 : memref<10240xf32, #tpu.memory_space<vmem_shared>>) offsets(%dma_start3A_265 : memref<128xi32, #tpu.memory_space<vmem>>) semaphore(%arg22 : memref<!tpu.dma_semaphore, #tpu.memory_space<semaphore_mem>>) {add = true}
      %convert_element_type3A_268 = arith.extui %lt3A_229 : i1 to i32
      %cond3A_269 = arith.constant 0 : i32
      %cond3A_270 = arith.cmpi ne, %convert_element_type3A_268, %cond3A_269 : i32
      scf.if %cond3A_270 {
        %dma_start3A_326 = arith.constant 1 : i32
        %dma_start3A_327 = arith.constant 0 : i32
        %dma_start3A_328 = tpu.memref_slice %arg11[%dma_start3A_326, %dma_start3A_327] : memref<8x128xi32, #tpu.memory_space<vmem>> -> memref<1x128xi32, #tpu.memory_space<vmem>>
        %dma_start3A_329 = tpu.memref_squeeze %dma_start3A_328 : memref<1x128xi32, #tpu.memory_space<vmem>> -> memref<128xi32, #tpu.memory_space<vmem>>
        %dma_start3A_330 = arith.constant 0 : i32
        %dma_start3A_331 = arith.constant 0 : i32
        %dma_start3A_332 = tpu.memref_slice %arg2[%dma_start3A_330, %dma_start3A_331] : memref<10000x128xf32, #tpu.memory_space<hbm>> -> memref<10000x128xf32, #tpu.memory_space<hbm>>
        tpu.enqueue_indirect_dma source(%dma_start3A_332 : memref<10000x128xf32, #tpu.memory_space<hbm>>) target(%arg16 : memref<128x128xf32, #tpu.memory_space<vmem>>) offsets(%dma_start3A_329 : memref<128xi32, #tpu.memory_space<vmem>>) semaphore(%arg19 : memref<!tpu.dma_semaphore, #tpu.memory_space<semaphore_mem>>)
      } else {
      }
      %dma_wait3A_271 = arith.constant 0 : i32
      %dma_wait3A_272 = arith.constant 0 : i32
      %dma_wait3A_273 = tpu.memref_slice %arg14[%dma_wait3A_271, %dma_wait3A_272] : memref<8x128xi32, #tpu.memory_space<vmem>> -> memref<1x128xi32, #tpu.memory_space<vmem>>
      %dma_wait3A_274 = tpu.memref_squeeze %dma_wait3A_273 : memref<1x128xi32, #tpu.memory_space<vmem>> -> memref<128xi32, #tpu.memory_space<vmem>>
      %dma_wait3A_275 = arith.constant 0 : i32
      %dma_wait3A_276 = tpu.memref_slice %arg10[%dma_wait3A_275] : memref<10240xf32, #tpu.memory_space<vmem_shared>> -> memref<10240xf32, #tpu.memory_space<vmem_shared>>
      tpu.wait_indirect_dma semaphore(%arg22 : memref<!tpu.dma_semaphore, #tpu.memory_space<semaphore_mem>>) src(%arg17 : memref<128xf32, #tpu.memory_space<vmem>>) dst(%dma_wait3A_276 : memref<10240xf32, #tpu.memory_space<vmem_shared>>)
      %dma_wait3A_277 = arith.constant 1 : i32
      %dma_wait3A_278 = arith.constant 0 : i32
      %dma_wait3A_279 = tpu.memref_slice %arg14[%dma_wait3A_277, %dma_wait3A_278] : memref<8x128xi32, #tpu.memory_space<vmem>> -> memref<1x128xi32, #tpu.memory_space<vmem>>
      %dma_wait3A_280 = tpu.memref_squeeze %dma_wait3A_279 : memref<1x128xi32, #tpu.memory_space<vmem>> -> memref<128xi32, #tpu.memory_space<vmem>>
      %dma_wait3A_281 = arith.constant 0 : i32
      %dma_wait3A_282 = tpu.memref_slice %arg10[%dma_wait3A_281] : memref<10240xf32, #tpu.memory_space<vmem_shared>> -> memref<10240xf32, #tpu.memory_space<vmem_shared>>
      tpu.wait_indirect_dma semaphore(%arg22 : memref<!tpu.dma_semaphore, #tpu.memory_space<semaphore_mem>>) src(%arg17 : memref<128xf32, #tpu.memory_space<vmem>>) dst(%dma_wait3A_282 : memref<10240xf32, #tpu.memory_space<vmem_shared>>)
      %dma_wait3A_283 = arith.constant 2 : i32
      %dma_wait3A_284 = arith.constant 0 : i32
      %dma_wait3A_285 = tpu.memref_slice %arg14[%dma_wait3A_283, %dma_wait3A_284] : memref<8x128xi32, #tpu.memory_space<vmem>> -> memref<1x128xi32, #tpu.memory_space<vmem>>
      %dma_wait3A_286 = tpu.memref_squeeze %dma_wait3A_285 : memref<1x128xi32, #tpu.memory_space<vmem>> -> memref<128xi32, #tpu.memory_space<vmem>>
      %dma_wait3A_287 = arith.constant 0 : i32
      %dma_wait3A_288 = tpu.memref_slice %arg10[%dma_wait3A_287] : memref<10240xf32, #tpu.memory_space<vmem_shared>> -> memref<10240xf32, #tpu.memory_space<vmem_shared>>
      tpu.wait_indirect_dma semaphore(%arg22 : memref<!tpu.dma_semaphore, #tpu.memory_space<semaphore_mem>>) src(%arg17 : memref<128xf32, #tpu.memory_space<vmem>>) dst(%dma_wait3A_288 : memref<10240xf32, #tpu.memory_space<vmem_shared>>)
      %dma_wait3A_289 = arith.constant 3 : i32
      %dma_wait3A_290 = arith.constant 0 : i32
      %dma_wait3A_291 = tpu.memref_slice %arg14[%dma_wait3A_289, %dma_wait3A_290] : memref<8x128xi32, #tpu.memory_space<vmem>> -> memref<1x128xi32, #tpu.memory_space<vmem>>
      %dma_wait3A_292 = tpu.memref_squeeze %dma_wait3A_291 : memref<1x128xi32, #tpu.memory_space<vmem>> -> memref<128xi32, #tpu.memory_space<vmem>>
      %dma_wait3A_293 = arith.constant 0 : i32
      %dma_wait3A_294 = tpu.memref_slice %arg10[%dma_wait3A_293] : memref<10240xf32, #tpu.memory_space<vmem_shared>> -> memref<10240xf32, #tpu.memory_space<vmem_shared>>
      tpu.wait_indirect_dma semaphore(%arg22 : memref<!tpu.dma_semaphore, #tpu.memory_space<semaphore_mem>>) src(%arg17 : memref<128xf32, #tpu.memory_space<vmem>>) dst(%dma_wait3A_294 : memref<10240xf32, #tpu.memory_space<vmem_shared>>)
      %dma_wait3A_295 = arith.constant 4 : i32
      %dma_wait3A_296 = arith.constant 0 : i32
      %dma_wait3A_297 = tpu.memref_slice %arg14[%dma_wait3A_295, %dma_wait3A_296] : memref<8x128xi32, #tpu.memory_space<vmem>> -> memref<1x128xi32, #tpu.memory_space<vmem>>
      %dma_wait3A_298 = tpu.memref_squeeze %dma_wait3A_297 : memref<1x128xi32, #tpu.memory_space<vmem>> -> memref<128xi32, #tpu.memory_space<vmem>>
      %dma_wait3A_299 = arith.constant 0 : i32
      %dma_wait3A_300 = tpu.memref_slice %arg10[%dma_wait3A_299] : memref<10240xf32, #tpu.memory_space<vmem_shared>> -> memref<10240xf32, #tpu.memory_space<vmem_shared>>
      tpu.wait_indirect_dma semaphore(%arg22 : memref<!tpu.dma_semaphore, #tpu.memory_space<semaphore_mem>>) src(%arg17 : memref<128xf32, #tpu.memory_space<vmem>>) dst(%dma_wait3A_300 : memref<10240xf32, #tpu.memory_space<vmem_shared>>)
      %dma_wait3A_301 = arith.constant 5 : i32
      %dma_wait3A_302 = arith.constant 0 : i32
      %dma_wait3A_303 = tpu.memref_slice %arg14[%dma_wait3A_301, %dma_wait3A_302] : memref<8x128xi32, #tpu.memory_space<vmem>> -> memref<1x128xi32, #tpu.memory_space<vmem>>
      %dma_wait3A_304 = tpu.memref_squeeze %dma_wait3A_303 : memref<1x128xi32, #tpu.memory_space<vmem>> -> memref<128xi32, #tpu.memory_space<vmem>>
      %dma_wait3A_305 = arith.constant 0 : i32
      %dma_wait3A_306 = tpu.memref_slice %arg10[%dma_wait3A_305] : memref<10240xf32, #tpu.memory_space<vmem_shared>> -> memref<10240xf32, #tpu.memory_space<vmem_shared>>
      tpu.wait_indirect_dma semaphore(%arg22 : memref<!tpu.dma_semaphore, #tpu.memory_space<semaphore_mem>>) src(%arg17 : memref<128xf32, #tpu.memory_space<vmem>>) dst(%dma_wait3A_306 : memref<10240xf32, #tpu.memory_space<vmem_shared>>)
      %dma_wait3A_307 = arith.constant 6 : i32
      %dma_wait3A_308 = arith.constant 0 : i32
      %dma_wait3A_309 = tpu.memref_slice %arg14[%dma_wait3A_307, %dma_wait3A_308] : memref<8x128xi32, #tpu.memory_space<vmem>> -> memref<1x128xi32, #tpu.memory_space<vmem>>
      %dma_wait3A_310 = tpu.memref_squeeze %dma_wait3A_309 : memref<1x128xi32, #tpu.memory_space<vmem>> -> memref<128xi32, #tpu.memory_space<vmem>>
      %dma_wait3A_311 = arith.constant 0 : i32
      %dma_wait3A_312 = tpu.memref_slice %arg10[%dma_wait3A_311] : memref<10240xf32, #tpu.memory_space<vmem_shared>> -> memref<10240xf32, #tpu.memory_space<vmem_shared>>
      tpu.wait_indirect_dma semaphore(%arg22 : memref<!tpu.dma_semaphore, #tpu.memory_space<semaphore_mem>>) src(%arg17 : memref<128xf32, #tpu.memory_space<vmem>>) dst(%dma_wait3A_312 : memref<10240xf32, #tpu.memory_space<vmem_shared>>)
      %dma_wait3A_313 = arith.constant 7 : i32
      %dma_wait3A_314 = arith.constant 0 : i32
      %dma_wait3A_315 = tpu.memref_slice %arg14[%dma_wait3A_313, %dma_wait3A_314] : memref<8x128xi32, #tpu.memory_space<vmem>> -> memref<1x128xi32, #tpu.memory_space<vmem>>
      %dma_wait3A_316 = tpu.memref_squeeze %dma_wait3A_315 : memref<1x128xi32, #tpu.memory_space<vmem>> -> memref<128xi32, #tpu.memory_space<vmem>>
      %dma_wait3A_317 = arith.constant 0 : i32
      %dma_wait3A_318 = tpu.memref_slice %arg10[%dma_wait3A_317] : memref<10240xf32, #tpu.memory_space<vmem_shared>> -> memref<10240xf32, #tpu.memory_space<vmem_shared>>
      tpu.wait_indirect_dma semaphore(%arg22 : memref<!tpu.dma_semaphore, #tpu.memory_space<semaphore_mem>>) src(%arg17 : memref<128xf32, #tpu.memory_space<vmem>>) dst(%dma_wait3A_318 : memref<10240xf32, #tpu.memory_space<vmem_shared>>)
      %add3A_319 = arith.constant 3 : i32
      %add3A_320 = arith.addi %mul3A_118, %add3A_319 : i32
      %lt3A_321 = arith.constant 10 : i32
      %lt3A_322 = arith.cmpi slt, %add3A_320, %lt3A_321 : i32
      %convert_element_type3A_323 = arith.extui %lt3A_322 : i1 to i32
      %cond3A_324 = arith.constant 0 : i32
      %cond3A_325 = arith.cmpi ne, %convert_element_type3A_323, %cond3A_324 : i32
      scf.if %cond3A_325 {
        %add3A_326 = arith.constant 3 : i32
        %add3A_327 = arith.addi %mul3A_118, %add3A_326 : i32
        %mul3A_328 = arith.constant 8 : i32
        %mul3A_329 = arith.muli %add3A_327, %mul3A_328 : i32
        %add3A_330 = arith.addi %mul3A_2, %mul3A_329 : i32
        %dma_start3A_331 = arith.constant 0 : i32
        %dma_start3A_332 = tpu.memref_slice %arg3[%add3A_330, %dma_start3A_331] : memref<2560x128xi32, #tpu.memory_space<hbm>> -> memref<8x128xi32, #tpu.memory_space<hbm>>
        %dma_start3A_333 = arith.constant 0 : i32
        %dma_start3A_334 = tpu.memref_slice %arg3[%add3A_330, %dma_start3A_333] : memref<2560x128xi32, #tpu.memory_space<hbm>> -> memref<8x128xi32, #tpu.memory_space<hbm>>
        tpu.enqueue_dma source(%dma_start3A_334 : memref<8x128xi32, #tpu.memory_space<hbm>>) target(%arg13 : memref<8x128xi32, #tpu.memory_space<vmem>>) target_semaphore(%arg21 : memref<!tpu.dma_semaphore, #tpu.memory_space<semaphore_mem>>)
        %dma_start3A_335 = arith.constant 0 : i32
        %dma_start3A_336 = tpu.memref_slice %arg4[%add3A_330, %dma_start3A_335] : memref<2560x128xi32, #tpu.memory_space<hbm>> -> memref<8x128xi32, #tpu.memory_space<hbm>>
        %dma_start3A_337 = arith.constant 0 : i32
        %dma_start3A_338 = tpu.memref_slice %arg4[%add3A_330, %dma_start3A_337] : memref<2560x128xi32, #tpu.memory_space<hbm>> -> memref<8x128xi32, #tpu.memory_space<hbm>>
        tpu.enqueue_dma source(%dma_start3A_338 : memref<8x128xi32, #tpu.memory_space<hbm>>) target(%arg14 : memref<8x128xi32, #tpu.memory_space<vmem>>) target_semaphore(%arg21 : memref<!tpu.dma_semaphore, #tpu.memory_space<semaphore_mem>>)
      } else {
      }
    }
    %scan3A_103 = arith.constant 5 : i32
    %barrier3A_104 = arith.constant 0 : index
    tpu.barrier barrier_id(%barrier3A_104)
    %mul3A_105 = arith.constant 640 : i32
    %mul3A_106 = arith.muli %arg1, %mul3A_105 : i32
    %mul3A_107 = arith.constant 640 : i32
    %mul3A_108 = arith.muli %arg1, %mul3A_107 : i32
    "tpu.region"() ({
      %run_scoped3A = tpu.sem_alloc : memref<!tpu.dma_semaphore, #tpu.memory_space<semaphore_mem>>
      %dma_start3A_116 = arith.constant 0 : i32
      %dma_start3A_117 = tpu.memref_slice %arg7[%arg0, %mul3A_108, %dma_start3A_116] : memref<2x10240x128xf32, #tpu.memory_space<hbm>> -> memref<1x640x128xf32, #tpu.memory_space<hbm>>
      %dma_start3A_118 = tpu.memref_squeeze %dma_start3A_117 : memref<1x640x128xf32, #tpu.memory_space<hbm>> -> memref<640x128xf32, #tpu.memory_space<hbm>>
      %dma_start3A_119 = arith.constant 0 : i32
      %dma_start3A_120 = tpu.memref_slice %arg9[%mul3A_106, %dma_start3A_119] : memref<10240x128xf32, #tpu.memory_space<vmem_shared>> -> memref<640x128xf32, #tpu.memory_space<vmem_shared>>
      tpu.enqueue_dma source(%dma_start3A_120 : memref<640x128xf32, #tpu.memory_space<vmem_shared>>) target(%dma_start3A_118 : memref<640x128xf32, #tpu.memory_space<hbm>>) target_semaphore(%run_scoped3A : memref<!tpu.dma_semaphore, #tpu.memory_space<semaphore_mem>>)
      %dma_wait3A_121 = arith.constant 0 : i32
      %dma_wait3A_122 = tpu.memref_slice %arg7[%arg0, %mul3A_108, %dma_wait3A_121] : memref<2x10240x128xf32, #tpu.memory_space<hbm>> -> memref<1x640x128xf32, #tpu.memory_space<hbm>>
      %dma_wait3A_123 = tpu.memref_squeeze %dma_wait3A_122 : memref<1x640x128xf32, #tpu.memory_space<hbm>> -> memref<640x128xf32, #tpu.memory_space<hbm>>
      %dma_wait3A_124 = arith.constant 0 : i32
      %dma_wait3A_125 = tpu.memref_slice %arg9[%mul3A_106, %dma_wait3A_124] : memref<10240x128xf32, #tpu.memory_space<vmem_shared>> -> memref<640x128xf32, #tpu.memory_space<vmem_shared>>
      tpu.wait_dma2 semaphore(%run_scoped3A : memref<!tpu.dma_semaphore, #tpu.memory_space<semaphore_mem>>) src(%dma_wait3A_125 : memref<640x128xf32, #tpu.memory_space<vmem_shared>>) dst(%dma_wait3A_123 : memref<640x128xf32, #tpu.memory_space<hbm>>)
      tpu.yield
    }) : () -> ()
    %mul3A_109 = arith.constant 640 : i32
    %mul3A_110 = arith.muli %arg1, %mul3A_109 : i32
    %mul3A_111 = arith.constant 10240 : i32
    %mul3A_112 = arith.muli %arg0, %mul3A_111 : i32
    %mul3A_113 = arith.constant 640 : i32
    %mul3A_114 = arith.muli %arg1, %mul3A_113 : i32
    %add3A_115 = arith.addi %mul3A_112, %mul3A_114 : i32
    "tpu.region"() ({
      %run_scoped3A = tpu.sem_alloc : memref<!tpu.dma_semaphore, #tpu.memory_space<semaphore_mem>>
      %dma_start3A_116 = tpu.memref_slice %arg8[%add3A_115] : memref<20480xf32, #tpu.memory_space<hbm>> -> memref<640xf32, #tpu.memory_space<hbm>>
      %dma_start3A_117 = tpu.memref_slice %arg10[%mul3A_110] : memref<10240xf32, #tpu.memory_space<vmem_shared>> -> memref<640xf32, #tpu.memory_space<vmem_shared>>
      tpu.enqueue_dma source(%dma_start3A_117 : memref<640xf32, #tpu.memory_space<vmem_shared>>) target(%dma_start3A_116 : memref<640xf32, #tpu.memory_space<hbm>>) target_semaphore(%run_scoped3A : memref<!tpu.dma_semaphore, #tpu.memory_space<semaphore_mem>>)
      %dma_wait3A_118 = tpu.memref_slice %arg8[%add3A_115] : memref<20480xf32, #tpu.memory_space<hbm>> -> memref<640xf32, #tpu.memory_space<hbm>>
      %dma_wait3A_119 = tpu.memref_slice %arg10[%mul3A_110] : memref<10240xf32, #tpu.memory_space<vmem_shared>> -> memref<640xf32, #tpu.memory_space<vmem_shared>>
      tpu.wait_dma2 semaphore(%run_scoped3A : memref<!tpu.dma_semaphore, #tpu.memory_space<semaphore_mem>>) src(%dma_wait3A_119 : memref<640xf32, #tpu.memory_space<vmem_shared>>) dst(%dma_wait3A_118 : memref<640xf32, #tpu.memory_space<hbm>>)
      tpu.yield
    }) : () -> ()
    return
  }
}

#map = affine_map<(d0, d1) -> (0, 0)>
#map1 = affine_map<(d0, d1) -> (0, 0, 0)>
module attributes {stable_mosaic.version = 14 : i64} {
  func.func @body(%arg0: i32, %arg1: i32, %arg2: memref<10000x128xf32, #tpu.memory_space<hbm>>, %arg3: memref<2560x128xi32, #tpu.memory_space<hbm>>, %arg4: memref<2560x128xi32, #tpu.memory_space<hbm>>, %arg5: memref<10240x128xf32, #tpu.memory_space<hbm>>, %arg6: memref<2x10240x128xf32, #tpu.memory_space<hbm>>, %arg7: memref<10240x128xf32, #tpu.memory_space<vmem_shared>>, %arg8: memref<8x128xi32, #tpu.memory_space<vmem>>, %arg9: memref<8x128xi32, #tpu.memory_space<vmem>>, %arg10: memref<8x128xi32, #tpu.memory_space<vmem>>, %arg11: memref<8x128xi32, #tpu.memory_space<vmem>>, %arg12: memref<128x128xf32, #tpu.memory_space<vmem>>, %arg13: memref<128x128xf32, #tpu.memory_space<vmem>>, %arg14: memref<!tpu.dma_semaphore, #tpu.memory_space<semaphore_mem>>, %arg15: memref<!tpu.dma_semaphore, #tpu.memory_space<semaphore_mem>>, %arg16: memref<!tpu.dma_semaphore, #tpu.memory_space<semaphore_mem>>, %arg17: memref<!tpu.dma_semaphore, #tpu.memory_space<semaphore_mem>>) attributes {dimension_semantics = [#tpu.dimension_semantics<core_parallel>, #tpu.dimension_semantics<subcore_parallel>], iteration_bounds = array<i64: 2, 16>, scalar_prefetch = 0 : i64, scratch_operands = 11 : i64, tpu.core_type = #tpu.core_type<sc_vector_subcore>, window_params = [{transform_indices = #map}, {transform_indices = #map}, {transform_indices = #map}, {transform_indices = #map}, {transform_indices = #map1}]} {
    %mul3A = arith.constant 16 : i32
    %mul3A_0 = arith.muli %arg0, %mul3A : i32
    %add3A = arith.addi %mul3A_0, %arg1 : i32
    %mul3A_1 = arith.constant 80 : i32
    %mul3A_2 = arith.muli %add3A, %mul3A_1 : i32
    %mul3A_3 = arith.constant 640 : i32
    %mul3A_4 = arith.muli %arg1, %mul3A_3 : i32
    %mul3A_5 = arith.constant 640 : i32
    %mul3A_6 = arith.muli %arg1, %mul3A_5 : i32
    "tpu.region"() ({
      %run_scoped3A = tpu.sem_alloc : memref<!tpu.dma_semaphore, #tpu.memory_space<semaphore_mem>>
      %dma_start3A_59 = arith.constant 0 : i32
      %dma_start3A_60 = tpu.memref_slice %arg7[%mul3A_6, %dma_start3A_59] : memref<10240x128xf32, #tpu.memory_space<vmem_shared>> -> memref<640x128xf32, #tpu.memory_space<vmem_shared>>
      %dma_start3A_61 = arith.constant 0 : i32
      %dma_start3A_62 = tpu.memref_slice %arg5[%mul3A_4, %dma_start3A_61] : memref<10240x128xf32, #tpu.memory_space<hbm>> -> memref<640x128xf32, #tpu.memory_space<hbm>>
      tpu.enqueue_dma source(%dma_start3A_62 : memref<640x128xf32, #tpu.memory_space<hbm>>) target(%dma_start3A_60 : memref<640x128xf32, #tpu.memory_space<vmem_shared>>) target_semaphore(%run_scoped3A : memref<!tpu.dma_semaphore, #tpu.memory_space<semaphore_mem>>)
      %dma_wait3A_63 = arith.constant 0 : i32
      %dma_wait3A_64 = tpu.memref_slice %arg7[%mul3A_6, %dma_wait3A_63] : memref<10240x128xf32, #tpu.memory_space<vmem_shared>> -> memref<640x128xf32, #tpu.memory_space<vmem_shared>>
      %dma_wait3A_65 = arith.constant 0 : i32
      %dma_wait3A_66 = tpu.memref_slice %arg5[%mul3A_4, %dma_wait3A_65] : memref<10240x128xf32, #tpu.memory_space<hbm>> -> memref<640x128xf32, #tpu.memory_space<hbm>>
      tpu.wait_dma2 semaphore(%run_scoped3A : memref<!tpu.dma_semaphore, #tpu.memory_space<semaphore_mem>>) src(%dma_wait3A_66 : memref<640x128xf32, #tpu.memory_space<hbm>>) dst(%dma_wait3A_64 : memref<640x128xf32, #tpu.memory_space<vmem_shared>>)
      tpu.yield
    }) : () -> ()
    %barrier3A = arith.constant 0 : index
    tpu.barrier barrier_id(%barrier3A)
    %add3A_7 = arith.constant 0 : i32
    %add3A_8 = arith.addi %mul3A_2, %add3A_7 : i32
    %dma_start3A = arith.constant 0 : i32
    %dma_start3A_9 = tpu.memref_slice %arg3[%add3A_8, %dma_start3A] : memref<2560x128xi32, #tpu.memory_space<hbm>> -> memref<8x128xi32, #tpu.memory_space<hbm>>
    %dma_start3A_10 = arith.constant 0 : i32
    %dma_start3A_11 = tpu.memref_slice %arg3[%add3A_8, %dma_start3A_10] : memref<2560x128xi32, #tpu.memory_space<hbm>> -> memref<8x128xi32, #tpu.memory_space<hbm>>
    tpu.enqueue_dma source(%dma_start3A_11 : memref<8x128xi32, #tpu.memory_space<hbm>>) target(%arg8 : memref<8x128xi32, #tpu.memory_space<vmem>>) target_semaphore(%arg16 : memref<!tpu.dma_semaphore, #tpu.memory_space<semaphore_mem>>)
    %dma_start3A_12 = arith.constant 0 : i32
    %dma_start3A_13 = tpu.memref_slice %arg4[%add3A_8, %dma_start3A_12] : memref<2560x128xi32, #tpu.memory_space<hbm>> -> memref<8x128xi32, #tpu.memory_space<hbm>>
    %dma_start3A_14 = arith.constant 0 : i32
    %dma_start3A_15 = tpu.memref_slice %arg4[%add3A_8, %dma_start3A_14] : memref<2560x128xi32, #tpu.memory_space<hbm>> -> memref<8x128xi32, #tpu.memory_space<hbm>>
    tpu.enqueue_dma source(%dma_start3A_15 : memref<8x128xi32, #tpu.memory_space<hbm>>) target(%arg9 : memref<8x128xi32, #tpu.memory_space<vmem>>) target_semaphore(%arg16 : memref<!tpu.dma_semaphore, #tpu.memory_space<semaphore_mem>>)
    %add3A_16 = arith.constant 8 : i32
    %add3A_17 = arith.addi %mul3A_2, %add3A_16 : i32
    %dma_start3A_18 = arith.constant 0 : i32
    %dma_start3A_19 = tpu.memref_slice %arg3[%add3A_17, %dma_start3A_18] : memref<2560x128xi32, #tpu.memory_space<hbm>> -> memref<8x128xi32, #tpu.memory_space<hbm>>
    %dma_start3A_20 = arith.constant 0 : i32
    %dma_start3A_21 = tpu.memref_slice %arg3[%add3A_17, %dma_start3A_20] : memref<2560x128xi32, #tpu.memory_space<hbm>> -> memref<8x128xi32, #tpu.memory_space<hbm>>
    tpu.enqueue_dma source(%dma_start3A_21 : memref<8x128xi32, #tpu.memory_space<hbm>>) target(%arg10 : memref<8x128xi32, #tpu.memory_space<vmem>>) target_semaphore(%arg17 : memref<!tpu.dma_semaphore, #tpu.memory_space<semaphore_mem>>)
    %dma_start3A_22 = arith.constant 0 : i32
    %dma_start3A_23 = tpu.memref_slice %arg4[%add3A_17, %dma_start3A_22] : memref<2560x128xi32, #tpu.memory_space<hbm>> -> memref<8x128xi32, #tpu.memory_space<hbm>>
    %dma_start3A_24 = arith.constant 0 : i32
    %dma_start3A_25 = tpu.memref_slice %arg4[%add3A_17, %dma_start3A_24] : memref<2560x128xi32, #tpu.memory_space<hbm>> -> memref<8x128xi32, #tpu.memory_space<hbm>>
    tpu.enqueue_dma source(%dma_start3A_25 : memref<8x128xi32, #tpu.memory_space<hbm>>) target(%arg11 : memref<8x128xi32, #tpu.memory_space<vmem>>) target_semaphore(%arg17 : memref<!tpu.dma_semaphore, #tpu.memory_space<semaphore_mem>>)
    %add3A_26 = arith.constant 0 : i32
    %add3A_27 = arith.addi %mul3A_2, %add3A_26 : i32
    %dma_wait3A = arith.constant 0 : i32
    %dma_wait3A_28 = tpu.memref_slice %arg3[%add3A_27, %dma_wait3A] : memref<2560x128xi32, #tpu.memory_space<hbm>> -> memref<8x128xi32, #tpu.memory_space<hbm>>
    %dma_wait3A_29 = arith.constant 0 : i32
    %dma_wait3A_30 = tpu.memref_slice %arg3[%add3A_27, %dma_wait3A_29] : memref<2560x128xi32, #tpu.memory_space<hbm>> -> memref<8x128xi32, #tpu.memory_space<hbm>>
    tpu.wait_dma2 semaphore(%arg16 : memref<!tpu.dma_semaphore, #tpu.memory_space<semaphore_mem>>) src(%dma_wait3A_30 : memref<8x128xi32, #tpu.memory_space<hbm>>) dst(%arg8 : memref<8x128xi32, #tpu.memory_space<vmem>>)
    %dma_wait3A_31 = arith.constant 0 : i32
    %dma_wait3A_32 = tpu.memref_slice %arg4[%add3A_27, %dma_wait3A_31] : memref<2560x128xi32, #tpu.memory_space<hbm>> -> memref<8x128xi32, #tpu.memory_space<hbm>>
    %dma_wait3A_33 = arith.constant 0 : i32
    %dma_wait3A_34 = tpu.memref_slice %arg4[%add3A_27, %dma_wait3A_33] : memref<2560x128xi32, #tpu.memory_space<hbm>> -> memref<8x128xi32, #tpu.memory_space<hbm>>
    tpu.wait_dma2 semaphore(%arg16 : memref<!tpu.dma_semaphore, #tpu.memory_space<semaphore_mem>>) src(%dma_wait3A_34 : memref<8x128xi32, #tpu.memory_space<hbm>>) dst(%arg9 : memref<8x128xi32, #tpu.memory_space<vmem>>)
    %dma_start3A_35 = arith.constant 0 : i32
    %dma_start3A_36 = arith.constant 0 : i32
    %dma_start3A_37 = tpu.memref_slice %arg8[%dma_start3A_35, %dma_start3A_36] : memref<8x128xi32, #tpu.memory_space<vmem>> -> memref<1x128xi32, #tpu.memory_space<vmem>>
    %dma_start3A_38 = tpu.memref_squeeze %dma_start3A_37 : memref<1x128xi32, #tpu.memory_space<vmem>> -> memref<128xi32, #tpu.memory_space<vmem>>
    %dma_start3A_39 = arith.constant 0 : i32
    %dma_start3A_40 = arith.constant 0 : i32
    %dma_start3A_41 = tpu.memref_slice %arg2[%dma_start3A_39, %dma_start3A_40] : memref<10000x128xf32, #tpu.memory_space<hbm>> -> memref<10000x128xf32, #tpu.memory_space<hbm>>
    tpu.enqueue_indirect_dma source(%dma_start3A_41 : memref<10000x128xf32, #tpu.memory_space<hbm>>) target(%arg12 : memref<128x128xf32, #tpu.memory_space<vmem>>) offsets(%dma_start3A_38 : memref<128xi32, #tpu.memory_space<vmem>>) semaphore(%arg14 : memref<!tpu.dma_semaphore, #tpu.memory_space<semaphore_mem>>)
    %dma_start3A_42 = arith.constant 1 : i32
    %dma_start3A_43 = arith.constant 0 : i32
    %dma_start3A_44 = tpu.memref_slice %arg8[%dma_start3A_42, %dma_start3A_43] : memref<8x128xi32, #tpu.memory_space<vmem>> -> memref<1x128xi32, #tpu.memory_space<vmem>>
    %dma_start3A_45 = tpu.memref_squeeze %dma_start3A_44 : memref<1x128xi32, #tpu.memory_space<vmem>> -> memref<128xi32, #tpu.memory_space<vmem>>
    %dma_start3A_46 = arith.constant 0 : i32
    %dma_start3A_47 = arith.constant 0 : i32
    %dma_start3A_48 = tpu.memref_slice %arg2[%dma_start3A_46, %dma_start3A_47] : memref<10000x128xf32, #tpu.memory_space<hbm>> -> memref<10000x128xf32, #tpu.memory_space<hbm>>
    tpu.enqueue_indirect_dma source(%dma_start3A_48 : memref<10000x128xf32, #tpu.memory_space<hbm>>) target(%arg13 : memref<128x128xf32, #tpu.memory_space<vmem>>) offsets(%dma_start3A_45 : memref<128xi32, #tpu.memory_space<vmem>>) semaphore(%arg15 : memref<!tpu.dma_semaphore, #tpu.memory_space<semaphore_mem>>)
    %scan3A = arith.constant 0 : i32
    %scan3A_49 = arith.constant 0 : i32
    %scan3A_50 = arith.constant 5 : i32
    %scan3A_51 = arith.addi %scan3A_49, %scan3A_50 : i32
    %scan3A_52 = arith.constant 1 : i32
    scf.for %scan3A_59 = %scan3A_49 to %scan3A_51 step %scan3A_52  : i32 {
      %mul3A_60 = arith.constant 2 : i32
      %mul3A_61 = arith.muli %mul3A_60, %scan3A_59 : i32
      %add3A_62 = arith.constant 1 : i32
      %add3A_63 = arith.addi %mul3A_61, %add3A_62 : i32
      %mul3A_64 = arith.constant 8 : i32
      %mul3A_65 = arith.muli %add3A_63, %mul3A_64 : i32
      %add3A_66 = arith.addi %mul3A_2, %mul3A_65 : i32
      %dma_wait3A_67 = arith.constant 0 : i32
      %dma_wait3A_68 = tpu.memref_slice %arg3[%add3A_66, %dma_wait3A_67] : memref<2560x128xi32, #tpu.memory_space<hbm>> -> memref<8x128xi32, #tpu.memory_space<hbm>>
      %dma_wait3A_69 = arith.constant 0 : i32
      %dma_wait3A_70 = tpu.memref_slice %arg3[%add3A_66, %dma_wait3A_69] : memref<2560x128xi32, #tpu.memory_space<hbm>> -> memref<8x128xi32, #tpu.memory_space<hbm>>
      tpu.wait_dma2 semaphore(%arg17 : memref<!tpu.dma_semaphore, #tpu.memory_space<semaphore_mem>>) src(%dma_wait3A_70 : memref<8x128xi32, #tpu.memory_space<hbm>>) dst(%arg10 : memref<8x128xi32, #tpu.memory_space<vmem>>)
      %dma_wait3A_71 = arith.constant 0 : i32
      %dma_wait3A_72 = tpu.memref_slice %arg4[%add3A_66, %dma_wait3A_71] : memref<2560x128xi32, #tpu.memory_space<hbm>> -> memref<8x128xi32, #tpu.memory_space<hbm>>
      %dma_wait3A_73 = arith.constant 0 : i32
      %dma_wait3A_74 = tpu.memref_slice %arg4[%add3A_66, %dma_wait3A_73] : memref<2560x128xi32, #tpu.memory_space<hbm>> -> memref<8x128xi32, #tpu.memory_space<hbm>>
      tpu.wait_dma2 semaphore(%arg17 : memref<!tpu.dma_semaphore, #tpu.memory_space<semaphore_mem>>) src(%dma_wait3A_74 : memref<8x128xi32, #tpu.memory_space<hbm>>) dst(%arg11 : memref<8x128xi32, #tpu.memory_space<vmem>>)
      %scan3A_75 = arith.constant 0 : i32
      %scan3A_76 = arith.constant 0 : i32
      %scan3A_77 = arith.constant 3 : i32
      %scan3A_78 = arith.addi %scan3A_76, %scan3A_77 : i32
      %scan3A_79 = arith.constant 1 : i32
      scf.for %scan3A_149 = %scan3A_76 to %scan3A_78 step %scan3A_79  : i32 {
        %mul3A_150 = arith.constant 2 : i32
        %mul3A_151 = arith.muli %mul3A_150, %scan3A_149 : i32
        %add3A_152 = arith.constant 0 : i32
        %add3A_153 = arith.addi %mul3A_151, %add3A_152 : i32
        %dma_wait3A_154 = arith.constant 0 : i32
        %dma_wait3A_155 = tpu.memref_slice %arg8[%add3A_153, %dma_wait3A_154] : memref<8x128xi32, #tpu.memory_space<vmem>> -> memref<1x128xi32, #tpu.memory_space<vmem>>
        %dma_wait3A_156 = tpu.memref_squeeze %dma_wait3A_155 : memref<1x128xi32, #tpu.memory_space<vmem>> -> memref<128xi32, #tpu.memory_space<vmem>>
        %dma_wait3A_157 = arith.constant 0 : i32
        %dma_wait3A_158 = arith.constant 0 : i32
        %dma_wait3A_159 = tpu.memref_slice %arg2[%dma_wait3A_157, %dma_wait3A_158] : memref<10000x128xf32, #tpu.memory_space<hbm>> -> memref<10000x128xf32, #tpu.memory_space<hbm>>
        tpu.wait_indirect_dma semaphore(%arg14 : memref<!tpu.dma_semaphore, #tpu.memory_space<semaphore_mem>>) src(%dma_wait3A_159 : memref<10000x128xf32, #tpu.memory_space<hbm>>) dst(%arg12 : memref<128x128xf32, #tpu.memory_space<vmem>>)
        "tpu.region"() ({
          %run_scoped3A_186 = tpu.sem_alloc : memref<!tpu.dma_semaphore, #tpu.memory_space<semaphore_mem>>
          %dma_start3A_187 = arith.constant 0 : i32
          %dma_start3A_188 = tpu.memref_slice %arg9[%add3A_153, %dma_start3A_187] : memref<8x128xi32, #tpu.memory_space<vmem>> -> memref<1x128xi32, #tpu.memory_space<vmem>>
          %dma_start3A_189 = tpu.memref_squeeze %dma_start3A_188 : memref<1x128xi32, #tpu.memory_space<vmem>> -> memref<128xi32, #tpu.memory_space<vmem>>
          %dma_start3A_190 = arith.constant 0 : i32
          %dma_start3A_191 = arith.constant 0 : i32
          %dma_start3A_192 = tpu.memref_slice %arg7[%dma_start3A_190, %dma_start3A_191] : memref<10240x128xf32, #tpu.memory_space<vmem_shared>> -> memref<10240x128xf32, #tpu.memory_space<vmem_shared>>
          tpu.enqueue_indirect_dma source(%arg12 : memref<128x128xf32, #tpu.memory_space<vmem>>) target(%dma_start3A_192 : memref<10240x128xf32, #tpu.memory_space<vmem_shared>>) offsets(%dma_start3A_189 : memref<128xi32, #tpu.memory_space<vmem>>) semaphore(%run_scoped3A_186 : memref<!tpu.dma_semaphore, #tpu.memory_space<semaphore_mem>>) {add = true}
          %dma_wait3A_193 = arith.constant 0 : i32
          %dma_wait3A_194 = tpu.memref_slice %arg9[%add3A_153, %dma_wait3A_193] : memref<8x128xi32, #tpu.memory_space<vmem>> -> memref<1x128xi32, #tpu.memory_space<vmem>>
          %dma_wait3A_195 = tpu.memref_squeeze %dma_wait3A_194 : memref<1x128xi32, #tpu.memory_space<vmem>> -> memref<128xi32, #tpu.memory_space<vmem>>
          %dma_wait3A_196 = arith.constant 0 : i32
          %dma_wait3A_197 = arith.constant 0 : i32
          %dma_wait3A_198 = tpu.memref_slice %arg7[%dma_wait3A_196, %dma_wait3A_197] : memref<10240x128xf32, #tpu.memory_space<vmem_shared>> -> memref<10240x128xf32, #tpu.memory_space<vmem_shared>>
          tpu.wait_indirect_dma semaphore(%run_scoped3A_186 : memref<!tpu.dma_semaphore, #tpu.memory_space<semaphore_mem>>) src(%arg12 : memref<128x128xf32, #tpu.memory_space<vmem>>) dst(%dma_wait3A_198 : memref<10240x128xf32, #tpu.memory_space<vmem_shared>>)
          tpu.yield
        }) : () -> ()
        %add3A_160 = arith.constant 2 : i32
        %add3A_161 = arith.addi %add3A_153, %add3A_160 : i32
        %dma_start3A_162 = arith.constant 0 : i32
        %dma_start3A_163 = tpu.memref_slice %arg8[%add3A_161, %dma_start3A_162] : memref<8x128xi32, #tpu.memory_space<vmem>> -> memref<1x128xi32, #tpu.memory_space<vmem>>
        %dma_start3A_164 = tpu.memref_squeeze %dma_start3A_163 : memref<1x128xi32, #tpu.memory_space<vmem>> -> memref<128xi32, #tpu.memory_space<vmem>>
        %dma_start3A_165 = arith.constant 0 : i32
        %dma_start3A_166 = arith.constant 0 : i32
        %dma_start3A_167 = tpu.memref_slice %arg2[%dma_start3A_165, %dma_start3A_166] : memref<10000x128xf32, #tpu.memory_space<hbm>> -> memref<10000x128xf32, #tpu.memory_space<hbm>>
        tpu.enqueue_indirect_dma source(%dma_start3A_167 : memref<10000x128xf32, #tpu.memory_space<hbm>>) target(%arg12 : memref<128x128xf32, #tpu.memory_space<vmem>>) offsets(%dma_start3A_164 : memref<128xi32, #tpu.memory_space<vmem>>) semaphore(%arg14 : memref<!tpu.dma_semaphore, #tpu.memory_space<semaphore_mem>>)
        %mul3A_168 = arith.constant 2 : i32
        %mul3A_169 = arith.muli %mul3A_168, %scan3A_149 : i32
        %add3A_170 = arith.constant 1 : i32
        %add3A_171 = arith.addi %mul3A_169, %add3A_170 : i32
        %dma_wait3A_172 = arith.constant 0 : i32
        %dma_wait3A_173 = tpu.memref_slice %arg8[%add3A_171, %dma_wait3A_172] : memref<8x128xi32, #tpu.memory_space<vmem>> -> memref<1x128xi32, #tpu.memory_space<vmem>>
        %dma_wait3A_174 = tpu.memref_squeeze %dma_wait3A_173 : memref<1x128xi32, #tpu.memory_space<vmem>> -> memref<128xi32, #tpu.memory_space<vmem>>
        %dma_wait3A_175 = arith.constant 0 : i32
        %dma_wait3A_176 = arith.constant 0 : i32
        %dma_wait3A_177 = tpu.memref_slice %arg2[%dma_wait3A_175, %dma_wait3A_176] : memref<10000x128xf32, #tpu.memory_space<hbm>> -> memref<10000x128xf32, #tpu.memory_space<hbm>>
        tpu.wait_indirect_dma semaphore(%arg15 : memref<!tpu.dma_semaphore, #tpu.memory_space<semaphore_mem>>) src(%dma_wait3A_177 : memref<10000x128xf32, #tpu.memory_space<hbm>>) dst(%arg13 : memref<128x128xf32, #tpu.memory_space<vmem>>)
        "tpu.region"() ({
          %run_scoped3A_186 = tpu.sem_alloc : memref<!tpu.dma_semaphore, #tpu.memory_space<semaphore_mem>>
          %dma_start3A_187 = arith.constant 0 : i32
          %dma_start3A_188 = tpu.memref_slice %arg9[%add3A_171, %dma_start3A_187] : memref<8x128xi32, #tpu.memory_space<vmem>> -> memref<1x128xi32, #tpu.memory_space<vmem>>
          %dma_start3A_189 = tpu.memref_squeeze %dma_start3A_188 : memref<1x128xi32, #tpu.memory_space<vmem>> -> memref<128xi32, #tpu.memory_space<vmem>>
          %dma_start3A_190 = arith.constant 0 : i32
          %dma_start3A_191 = arith.constant 0 : i32
          %dma_start3A_192 = tpu.memref_slice %arg7[%dma_start3A_190, %dma_start3A_191] : memref<10240x128xf32, #tpu.memory_space<vmem_shared>> -> memref<10240x128xf32, #tpu.memory_space<vmem_shared>>
          tpu.enqueue_indirect_dma source(%arg13 : memref<128x128xf32, #tpu.memory_space<vmem>>) target(%dma_start3A_192 : memref<10240x128xf32, #tpu.memory_space<vmem_shared>>) offsets(%dma_start3A_189 : memref<128xi32, #tpu.memory_space<vmem>>) semaphore(%run_scoped3A_186 : memref<!tpu.dma_semaphore, #tpu.memory_space<semaphore_mem>>) {add = true}
          %dma_wait3A_193 = arith.constant 0 : i32
          %dma_wait3A_194 = tpu.memref_slice %arg9[%add3A_171, %dma_wait3A_193] : memref<8x128xi32, #tpu.memory_space<vmem>> -> memref<1x128xi32, #tpu.memory_space<vmem>>
          %dma_wait3A_195 = tpu.memref_squeeze %dma_wait3A_194 : memref<1x128xi32, #tpu.memory_space<vmem>> -> memref<128xi32, #tpu.memory_space<vmem>>
          %dma_wait3A_196 = arith.constant 0 : i32
          %dma_wait3A_197 = arith.constant 0 : i32
          %dma_wait3A_198 = tpu.memref_slice %arg7[%dma_wait3A_196, %dma_wait3A_197] : memref<10240x128xf32, #tpu.memory_space<vmem_shared>> -> memref<10240x128xf32, #tpu.memory_space<vmem_shared>>
          tpu.wait_indirect_dma semaphore(%run_scoped3A_186 : memref<!tpu.dma_semaphore, #tpu.memory_space<semaphore_mem>>) src(%arg13 : memref<128x128xf32, #tpu.memory_space<vmem>>) dst(%dma_wait3A_198 : memref<10240x128xf32, #tpu.memory_space<vmem_shared>>)
          tpu.yield
        }) : () -> ()
        %add3A_178 = arith.constant 2 : i32
        %add3A_179 = arith.addi %add3A_171, %add3A_178 : i32
        %dma_start3A_180 = arith.constant 0 : i32
        %dma_start3A_181 = tpu.memref_slice %arg8[%add3A_179, %dma_start3A_180] : memref<8x128xi32, #tpu.memory_space<vmem>> -> memref<1x128xi32, #tpu.memory_space<vmem>>
        %dma_start3A_182 = tpu.memref_squeeze %dma_start3A_181 : memref<1x128xi32, #tpu.memory_space<vmem>> -> memref<128xi32, #tpu.memory_space<vmem>>
        %dma_start3A_183 = arith.constant 0 : i32
        %dma_start3A_184 = arith.constant 0 : i32
        %dma_start3A_185 = tpu.memref_slice %arg2[%dma_start3A_183, %dma_start3A_184] : memref<10000x128xf32, #tpu.memory_space<hbm>> -> memref<10000x128xf32, #tpu.memory_space<hbm>>
        tpu.enqueue_indirect_dma source(%dma_start3A_185 : memref<10000x128xf32, #tpu.memory_space<hbm>>) target(%arg13 : memref<128x128xf32, #tpu.memory_space<vmem>>) offsets(%dma_start3A_182 : memref<128xi32, #tpu.memory_space<vmem>>) semaphore(%arg15 : memref<!tpu.dma_semaphore, #tpu.memory_space<semaphore_mem>>)
      }
      %scan3A_80 = arith.constant 3 : i32
      %dma_wait3A_81 = arith.constant 6 : i32
      %dma_wait3A_82 = arith.constant 0 : i32
      %dma_wait3A_83 = tpu.memref_slice %arg8[%dma_wait3A_81, %dma_wait3A_82] : memref<8x128xi32, #tpu.memory_space<vmem>> -> memref<1x128xi32, #tpu.memory_space<vmem>>
      %dma_wait3A_84 = tpu.memref_squeeze %dma_wait3A_83 : memref<1x128xi32, #tpu.memory_space<vmem>> -> memref<128xi32, #tpu.memory_space<vmem>>
      %dma_wait3A_85 = arith.constant 0 : i32
      %dma_wait3A_86 = arith.constant 0 : i32
      %dma_wait3A_87 = tpu.memref_slice %arg2[%dma_wait3A_85, %dma_wait3A_86] : memref<10000x128xf32, #tpu.memory_space<hbm>> -> memref<10000x128xf32, #tpu.memory_space<hbm>>
      tpu.wait_indirect_dma semaphore(%arg14 : memref<!tpu.dma_semaphore, #tpu.memory_space<semaphore_mem>>) src(%dma_wait3A_87 : memref<10000x128xf32, #tpu.memory_space<hbm>>) dst(%arg12 : memref<128x128xf32, #tpu.memory_space<vmem>>)
      %run_scoped3A = arith.constant 6 : i32
      "tpu.region"() ({
        %run_scoped3A_149 = tpu.sem_alloc : memref<!tpu.dma_semaphore, #tpu.memory_space<semaphore_mem>>
        %dma_start3A_150 = arith.constant 0 : i32
        %dma_start3A_151 = tpu.memref_slice %arg9[%run_scoped3A, %dma_start3A_150] : memref<8x128xi32, #tpu.memory_space<vmem>> -> memref<1x128xi32, #tpu.memory_space<vmem>>
        %dma_start3A_152 = tpu.memref_squeeze %dma_start3A_151 : memref<1x128xi32, #tpu.memory_space<vmem>> -> memref<128xi32, #tpu.memory_space<vmem>>
        %dma_start3A_153 = arith.constant 0 : i32
        %dma_start3A_154 = arith.constant 0 : i32
        %dma_start3A_155 = tpu.memref_slice %arg7[%dma_start3A_153, %dma_start3A_154] : memref<10240x128xf32, #tpu.memory_space<vmem_shared>> -> memref<10240x128xf32, #tpu.memory_space<vmem_shared>>
        tpu.enqueue_indirect_dma source(%arg12 : memref<128x128xf32, #tpu.memory_space<vmem>>) target(%dma_start3A_155 : memref<10240x128xf32, #tpu.memory_space<vmem_shared>>) offsets(%dma_start3A_152 : memref<128xi32, #tpu.memory_space<vmem>>) semaphore(%run_scoped3A_149 : memref<!tpu.dma_semaphore, #tpu.memory_space<semaphore_mem>>) {add = true}
        %dma_wait3A_156 = arith.constant 0 : i32
        %dma_wait3A_157 = tpu.memref_slice %arg9[%run_scoped3A, %dma_wait3A_156] : memref<8x128xi32, #tpu.memory_space<vmem>> -> memref<1x128xi32, #tpu.memory_space<vmem>>
        %dma_wait3A_158 = tpu.memref_squeeze %dma_wait3A_157 : memref<1x128xi32, #tpu.memory_space<vmem>> -> memref<128xi32, #tpu.memory_space<vmem>>
        %dma_wait3A_159 = arith.constant 0 : i32
        %dma_wait3A_160 = arith.constant 0 : i32
        %dma_wait3A_161 = tpu.memref_slice %arg7[%dma_wait3A_159, %dma_wait3A_160] : memref<10240x128xf32, #tpu.memory_space<vmem_shared>> -> memref<10240x128xf32, #tpu.memory_space<vmem_shared>>
        tpu.wait_indirect_dma semaphore(%run_scoped3A_149 : memref<!tpu.dma_semaphore, #tpu.memory_space<semaphore_mem>>) src(%arg12 : memref<128x128xf32, #tpu.memory_space<vmem>>) dst(%dma_wait3A_161 : memref<10240x128xf32, #tpu.memory_space<vmem_shared>>)
        tpu.yield
      }) : () -> ()
      %dma_start3A_88 = arith.constant 0 : i32
      %dma_start3A_89 = arith.constant 0 : i32
      %dma_start3A_90 = tpu.memref_slice %arg10[%dma_start3A_88, %dma_start3A_89] : memref<8x128xi32, #tpu.memory_space<vmem>> -> memref<1x128xi32, #tpu.memory_space<vmem>>
      %dma_start3A_91 = tpu.memref_squeeze %dma_start3A_90 : memref<1x128xi32, #tpu.memory_space<vmem>> -> memref<128xi32, #tpu.memory_space<vmem>>
      %dma_start3A_92 = arith.constant 0 : i32
      %dma_start3A_93 = arith.constant 0 : i32
      %dma_start3A_94 = tpu.memref_slice %arg2[%dma_start3A_92, %dma_start3A_93] : memref<10000x128xf32, #tpu.memory_space<hbm>> -> memref<10000x128xf32, #tpu.memory_space<hbm>>
      tpu.enqueue_indirect_dma source(%dma_start3A_94 : memref<10000x128xf32, #tpu.memory_space<hbm>>) target(%arg12 : memref<128x128xf32, #tpu.memory_space<vmem>>) offsets(%dma_start3A_91 : memref<128xi32, #tpu.memory_space<vmem>>) semaphore(%arg14 : memref<!tpu.dma_semaphore, #tpu.memory_space<semaphore_mem>>)
      %dma_wait3A_95 = arith.constant 7 : i32
      %dma_wait3A_96 = arith.constant 0 : i32
      %dma_wait3A_97 = tpu.memref_slice %arg8[%dma_wait3A_95, %dma_wait3A_96] : memref<8x128xi32, #tpu.memory_space<vmem>> -> memref<1x128xi32, #tpu.memory_space<vmem>>
      %dma_wait3A_98 = tpu.memref_squeeze %dma_wait3A_97 : memref<1x128xi32, #tpu.memory_space<vmem>> -> memref<128xi32, #tpu.memory_space<vmem>>
      %dma_wait3A_99 = arith.constant 0 : i32
      %dma_wait3A_100 = arith.constant 0 : i32
      %dma_wait3A_101 = tpu.memref_slice %arg2[%dma_wait3A_99, %dma_wait3A_100] : memref<10000x128xf32, #tpu.memory_space<hbm>> -> memref<10000x128xf32, #tpu.memory_space<hbm>>
      tpu.wait_indirect_dma semaphore(%arg15 : memref<!tpu.dma_semaphore, #tpu.memory_space<semaphore_mem>>) src(%dma_wait3A_101 : memref<10000x128xf32, #tpu.memory_space<hbm>>) dst(%arg13 : memref<128x128xf32, #tpu.memory_space<vmem>>)
      %run_scoped3A_102 = arith.constant 7 : i32
      "tpu.region"() ({
        %run_scoped3A_149 = tpu.sem_alloc : memref<!tpu.dma_semaphore, #tpu.memory_space<semaphore_mem>>
        %dma_start3A_150 = arith.constant 0 : i32
        %dma_start3A_151 = tpu.memref_slice %arg9[%run_scoped3A_102, %dma_start3A_150] : memref<8x128xi32, #tpu.memory_space<vmem>> -> memref<1x128xi32, #tpu.memory_space<vmem>>
        %dma_start3A_152 = tpu.memref_squeeze %dma_start3A_151 : memref<1x128xi32, #tpu.memory_space<vmem>> -> memref<128xi32, #tpu.memory_space<vmem>>
        %dma_start3A_153 = arith.constant 0 : i32
        %dma_start3A_154 = arith.constant 0 : i32
        %dma_start3A_155 = tpu.memref_slice %arg7[%dma_start3A_153, %dma_start3A_154] : memref<10240x128xf32, #tpu.memory_space<vmem_shared>> -> memref<10240x128xf32, #tpu.memory_space<vmem_shared>>
        tpu.enqueue_indirect_dma source(%arg13 : memref<128x128xf32, #tpu.memory_space<vmem>>) target(%dma_start3A_155 : memref<10240x128xf32, #tpu.memory_space<vmem_shared>>) offsets(%dma_start3A_152 : memref<128xi32, #tpu.memory_space<vmem>>) semaphore(%run_scoped3A_149 : memref<!tpu.dma_semaphore, #tpu.memory_space<semaphore_mem>>) {add = true}
        %dma_wait3A_156 = arith.constant 0 : i32
        %dma_wait3A_157 = tpu.memref_slice %arg9[%run_scoped3A_102, %dma_wait3A_156] : memref<8x128xi32, #tpu.memory_space<vmem>> -> memref<1x128xi32, #tpu.memory_space<vmem>>
        %dma_wait3A_158 = tpu.memref_squeeze %dma_wait3A_157 : memref<1x128xi32, #tpu.memory_space<vmem>> -> memref<128xi32, #tpu.memory_space<vmem>>
        %dma_wait3A_159 = arith.constant 0 : i32
        %dma_wait3A_160 = arith.constant 0 : i32
        %dma_wait3A_161 = tpu.memref_slice %arg7[%dma_wait3A_159, %dma_wait3A_160] : memref<10240x128xf32, #tpu.memory_space<vmem_shared>> -> memref<10240x128xf32, #tpu.memory_space<vmem_shared>>
        tpu.wait_indirect_dma semaphore(%run_scoped3A_149 : memref<!tpu.dma_semaphore, #tpu.memory_space<semaphore_mem>>) src(%arg13 : memref<128x128xf32, #tpu.memory_space<vmem>>) dst(%dma_wait3A_161 : memref<10240x128xf32, #tpu.memory_space<vmem_shared>>)
        tpu.yield
      }) : () -> ()
      %dma_start3A_103 = arith.constant 1 : i32
      %dma_start3A_104 = arith.constant 0 : i32
      %dma_start3A_105 = tpu.memref_slice %arg10[%dma_start3A_103, %dma_start3A_104] : memref<8x128xi32, #tpu.memory_space<vmem>> -> memref<1x128xi32, #tpu.memory_space<vmem>>
      %dma_start3A_106 = tpu.memref_squeeze %dma_start3A_105 : memref<1x128xi32, #tpu.memory_space<vmem>> -> memref<128xi32, #tpu.memory_space<vmem>>
      %dma_start3A_107 = arith.constant 0 : i32
      %dma_start3A_108 = arith.constant 0 : i32
      %dma_start3A_109 = tpu.memref_slice %arg2[%dma_start3A_107, %dma_start3A_108] : memref<10000x128xf32, #tpu.memory_space<hbm>> -> memref<10000x128xf32, #tpu.memory_space<hbm>>
      tpu.enqueue_indirect_dma source(%dma_start3A_109 : memref<10000x128xf32, #tpu.memory_space<hbm>>) target(%arg13 : memref<128x128xf32, #tpu.memory_space<vmem>>) offsets(%dma_start3A_106 : memref<128xi32, #tpu.memory_space<vmem>>) semaphore(%arg15 : memref<!tpu.dma_semaphore, #tpu.memory_space<semaphore_mem>>)
      %add3A_110 = arith.constant 2 : i32
      %add3A_111 = arith.addi %mul3A_61, %add3A_110 : i32
      %lt3A = arith.constant 10 : i32
      %lt3A_112 = arith.cmpi slt, %add3A_111, %lt3A : i32
      %convert_element_type3A = arith.extui %lt3A_112 : i1 to i32
      %cond3A = arith.constant 0 : i32
      %cond3A_113 = arith.cmpi ne, %convert_element_type3A, %cond3A : i32
      scf.if %cond3A_113 {
        %add3A_149 = arith.constant 2 : i32
        %add3A_150 = arith.addi %mul3A_61, %add3A_149 : i32
        %mul3A_151 = arith.constant 8 : i32
        %mul3A_152 = arith.muli %add3A_150, %mul3A_151 : i32
        %add3A_153 = arith.addi %mul3A_2, %mul3A_152 : i32
        %dma_start3A_154 = arith.constant 0 : i32
        %dma_start3A_155 = tpu.memref_slice %arg3[%add3A_153, %dma_start3A_154] : memref<2560x128xi32, #tpu.memory_space<hbm>> -> memref<8x128xi32, #tpu.memory_space<hbm>>
        %dma_start3A_156 = arith.constant 0 : i32
        %dma_start3A_157 = tpu.memref_slice %arg3[%add3A_153, %dma_start3A_156] : memref<2560x128xi32, #tpu.memory_space<hbm>> -> memref<8x128xi32, #tpu.memory_space<hbm>>
        tpu.enqueue_dma source(%dma_start3A_157 : memref<8x128xi32, #tpu.memory_space<hbm>>) target(%arg8 : memref<8x128xi32, #tpu.memory_space<vmem>>) target_semaphore(%arg16 : memref<!tpu.dma_semaphore, #tpu.memory_space<semaphore_mem>>)
        %dma_start3A_158 = arith.constant 0 : i32
        %dma_start3A_159 = tpu.memref_slice %arg4[%add3A_153, %dma_start3A_158] : memref<2560x128xi32, #tpu.memory_space<hbm>> -> memref<8x128xi32, #tpu.memory_space<hbm>>
        %dma_start3A_160 = arith.constant 0 : i32
        %dma_start3A_161 = tpu.memref_slice %arg4[%add3A_153, %dma_start3A_160] : memref<2560x128xi32, #tpu.memory_space<hbm>> -> memref<8x128xi32, #tpu.memory_space<hbm>>
        tpu.enqueue_dma source(%dma_start3A_161 : memref<8x128xi32, #tpu.memory_space<hbm>>) target(%arg9 : memref<8x128xi32, #tpu.memory_space<vmem>>) target_semaphore(%arg16 : memref<!tpu.dma_semaphore, #tpu.memory_space<semaphore_mem>>)
        %add3A_162 = arith.constant 2 : i32
        %add3A_163 = arith.addi %mul3A_61, %add3A_162 : i32
        %mul3A_164 = arith.constant 8 : i32
        %mul3A_165 = arith.muli %add3A_163, %mul3A_164 : i32
        %add3A_166 = arith.addi %mul3A_2, %mul3A_165 : i32
        %dma_wait3A_167 = arith.constant 0 : i32
        %dma_wait3A_168 = tpu.memref_slice %arg3[%add3A_166, %dma_wait3A_167] : memref<2560x128xi32, #tpu.memory_space<hbm>> -> memref<8x128xi32, #tpu.memory_space<hbm>>
        %dma_wait3A_169 = arith.constant 0 : i32
        %dma_wait3A_170 = tpu.memref_slice %arg3[%add3A_166, %dma_wait3A_169] : memref<2560x128xi32, #tpu.memory_space<hbm>> -> memref<8x128xi32, #tpu.memory_space<hbm>>
        tpu.wait_dma2 semaphore(%arg16 : memref<!tpu.dma_semaphore, #tpu.memory_space<semaphore_mem>>) src(%dma_wait3A_170 : memref<8x128xi32, #tpu.memory_space<hbm>>) dst(%arg8 : memref<8x128xi32, #tpu.memory_space<vmem>>)
        %dma_wait3A_171 = arith.constant 0 : i32
        %dma_wait3A_172 = tpu.memref_slice %arg4[%add3A_166, %dma_wait3A_171] : memref<2560x128xi32, #tpu.memory_space<hbm>> -> memref<8x128xi32, #tpu.memory_space<hbm>>
        %dma_wait3A_173 = arith.constant 0 : i32
        %dma_wait3A_174 = tpu.memref_slice %arg4[%add3A_166, %dma_wait3A_173] : memref<2560x128xi32, #tpu.memory_space<hbm>> -> memref<8x128xi32, #tpu.memory_space<hbm>>
        tpu.wait_dma2 semaphore(%arg16 : memref<!tpu.dma_semaphore, #tpu.memory_space<semaphore_mem>>) src(%dma_wait3A_174 : memref<8x128xi32, #tpu.memory_space<hbm>>) dst(%arg9 : memref<8x128xi32, #tpu.memory_space<vmem>>)
      } else {
      }
      %scan3A_114 = arith.constant 0 : i32
      %scan3A_115 = arith.constant 0 : i32
      %scan3A_116 = arith.constant 3 : i32
      %scan3A_117 = arith.addi %scan3A_115, %scan3A_116 : i32
      %scan3A_118 = arith.constant 1 : i32
      scf.for %scan3A_149 = %scan3A_115 to %scan3A_117 step %scan3A_118  : i32 {
        %mul3A_150 = arith.constant 2 : i32
        %mul3A_151 = arith.muli %mul3A_150, %scan3A_149 : i32
        %add3A_152 = arith.constant 0 : i32
        %add3A_153 = arith.addi %mul3A_151, %add3A_152 : i32
        %dma_wait3A_154 = arith.constant 0 : i32
        %dma_wait3A_155 = tpu.memref_slice %arg10[%add3A_153, %dma_wait3A_154] : memref<8x128xi32, #tpu.memory_space<vmem>> -> memref<1x128xi32, #tpu.memory_space<vmem>>
        %dma_wait3A_156 = tpu.memref_squeeze %dma_wait3A_155 : memref<1x128xi32, #tpu.memory_space<vmem>> -> memref<128xi32, #tpu.memory_space<vmem>>
        %dma_wait3A_157 = arith.constant 0 : i32
        %dma_wait3A_158 = arith.constant 0 : i32
        %dma_wait3A_159 = tpu.memref_slice %arg2[%dma_wait3A_157, %dma_wait3A_158] : memref<10000x128xf32, #tpu.memory_space<hbm>> -> memref<10000x128xf32, #tpu.memory_space<hbm>>
        tpu.wait_indirect_dma semaphore(%arg14 : memref<!tpu.dma_semaphore, #tpu.memory_space<semaphore_mem>>) src(%dma_wait3A_159 : memref<10000x128xf32, #tpu.memory_space<hbm>>) dst(%arg12 : memref<128x128xf32, #tpu.memory_space<vmem>>)
        "tpu.region"() ({
          %run_scoped3A_186 = tpu.sem_alloc : memref<!tpu.dma_semaphore, #tpu.memory_space<semaphore_mem>>
          %dma_start3A_187 = arith.constant 0 : i32
          %dma_start3A_188 = tpu.memref_slice %arg11[%add3A_153, %dma_start3A_187] : memref<8x128xi32, #tpu.memory_space<vmem>> -> memref<1x128xi32, #tpu.memory_space<vmem>>
          %dma_start3A_189 = tpu.memref_squeeze %dma_start3A_188 : memref<1x128xi32, #tpu.memory_space<vmem>> -> memref<128xi32, #tpu.memory_space<vmem>>
          %dma_start3A_190 = arith.constant 0 : i32
          %dma_start3A_191 = arith.constant 0 : i32
          %dma_start3A_192 = tpu.memref_slice %arg7[%dma_start3A_190, %dma_start3A_191] : memref<10240x128xf32, #tpu.memory_space<vmem_shared>> -> memref<10240x128xf32, #tpu.memory_space<vmem_shared>>
          tpu.enqueue_indirect_dma source(%arg12 : memref<128x128xf32, #tpu.memory_space<vmem>>) target(%dma_start3A_192 : memref<10240x128xf32, #tpu.memory_space<vmem_shared>>) offsets(%dma_start3A_189 : memref<128xi32, #tpu.memory_space<vmem>>) semaphore(%run_scoped3A_186 : memref<!tpu.dma_semaphore, #tpu.memory_space<semaphore_mem>>) {add = true}
          %dma_wait3A_193 = arith.constant 0 : i32
          %dma_wait3A_194 = tpu.memref_slice %arg11[%add3A_153, %dma_wait3A_193] : memref<8x128xi32, #tpu.memory_space<vmem>> -> memref<1x128xi32, #tpu.memory_space<vmem>>
          %dma_wait3A_195 = tpu.memref_squeeze %dma_wait3A_194 : memref<1x128xi32, #tpu.memory_space<vmem>> -> memref<128xi32, #tpu.memory_space<vmem>>
          %dma_wait3A_196 = arith.constant 0 : i32
          %dma_wait3A_197 = arith.constant 0 : i32
          %dma_wait3A_198 = tpu.memref_slice %arg7[%dma_wait3A_196, %dma_wait3A_197] : memref<10240x128xf32, #tpu.memory_space<vmem_shared>> -> memref<10240x128xf32, #tpu.memory_space<vmem_shared>>
          tpu.wait_indirect_dma semaphore(%run_scoped3A_186 : memref<!tpu.dma_semaphore, #tpu.memory_space<semaphore_mem>>) src(%arg12 : memref<128x128xf32, #tpu.memory_space<vmem>>) dst(%dma_wait3A_198 : memref<10240x128xf32, #tpu.memory_space<vmem_shared>>)
          tpu.yield
        }) : () -> ()
        %add3A_160 = arith.constant 2 : i32
        %add3A_161 = arith.addi %add3A_153, %add3A_160 : i32
        %dma_start3A_162 = arith.constant 0 : i32
        %dma_start3A_163 = tpu.memref_slice %arg10[%add3A_161, %dma_start3A_162] : memref<8x128xi32, #tpu.memory_space<vmem>> -> memref<1x128xi32, #tpu.memory_space<vmem>>
        %dma_start3A_164 = tpu.memref_squeeze %dma_start3A_163 : memref<1x128xi32, #tpu.memory_space<vmem>> -> memref<128xi32, #tpu.memory_space<vmem>>
        %dma_start3A_165 = arith.constant 0 : i32
        %dma_start3A_166 = arith.constant 0 : i32
        %dma_start3A_167 = tpu.memref_slice %arg2[%dma_start3A_165, %dma_start3A_166] : memref<10000x128xf32, #tpu.memory_space<hbm>> -> memref<10000x128xf32, #tpu.memory_space<hbm>>
        tpu.enqueue_indirect_dma source(%dma_start3A_167 : memref<10000x128xf32, #tpu.memory_space<hbm>>) target(%arg12 : memref<128x128xf32, #tpu.memory_space<vmem>>) offsets(%dma_start3A_164 : memref<128xi32, #tpu.memory_space<vmem>>) semaphore(%arg14 : memref<!tpu.dma_semaphore, #tpu.memory_space<semaphore_mem>>)
        %mul3A_168 = arith.constant 2 : i32
        %mul3A_169 = arith.muli %mul3A_168, %scan3A_149 : i32
        %add3A_170 = arith.constant 1 : i32
        %add3A_171 = arith.addi %mul3A_169, %add3A_170 : i32
        %dma_wait3A_172 = arith.constant 0 : i32
        %dma_wait3A_173 = tpu.memref_slice %arg10[%add3A_171, %dma_wait3A_172] : memref<8x128xi32, #tpu.memory_space<vmem>> -> memref<1x128xi32, #tpu.memory_space<vmem>>
        %dma_wait3A_174 = tpu.memref_squeeze %dma_wait3A_173 : memref<1x128xi32, #tpu.memory_space<vmem>> -> memref<128xi32, #tpu.memory_space<vmem>>
        %dma_wait3A_175 = arith.constant 0 : i32
        %dma_wait3A_176 = arith.constant 0 : i32
        %dma_wait3A_177 = tpu.memref_slice %arg2[%dma_wait3A_175, %dma_wait3A_176] : memref<10000x128xf32, #tpu.memory_space<hbm>> -> memref<10000x128xf32, #tpu.memory_space<hbm>>
        tpu.wait_indirect_dma semaphore(%arg15 : memref<!tpu.dma_semaphore, #tpu.memory_space<semaphore_mem>>) src(%dma_wait3A_177 : memref<10000x128xf32, #tpu.memory_space<hbm>>) dst(%arg13 : memref<128x128xf32, #tpu.memory_space<vmem>>)
        "tpu.region"() ({
          %run_scoped3A_186 = tpu.sem_alloc : memref<!tpu.dma_semaphore, #tpu.memory_space<semaphore_mem>>
          %dma_start3A_187 = arith.constant 0 : i32
          %dma_start3A_188 = tpu.memref_slice %arg11[%add3A_171, %dma_start3A_187] : memref<8x128xi32, #tpu.memory_space<vmem>> -> memref<1x128xi32, #tpu.memory_space<vmem>>
          %dma_start3A_189 = tpu.memref_squeeze %dma_start3A_188 : memref<1x128xi32, #tpu.memory_space<vmem>> -> memref<128xi32, #tpu.memory_space<vmem>>
          %dma_start3A_190 = arith.constant 0 : i32
          %dma_start3A_191 = arith.constant 0 : i32
          %dma_start3A_192 = tpu.memref_slice %arg7[%dma_start3A_190, %dma_start3A_191] : memref<10240x128xf32, #tpu.memory_space<vmem_shared>> -> memref<10240x128xf32, #tpu.memory_space<vmem_shared>>
          tpu.enqueue_indirect_dma source(%arg13 : memref<128x128xf32, #tpu.memory_space<vmem>>) target(%dma_start3A_192 : memref<10240x128xf32, #tpu.memory_space<vmem_shared>>) offsets(%dma_start3A_189 : memref<128xi32, #tpu.memory_space<vmem>>) semaphore(%run_scoped3A_186 : memref<!tpu.dma_semaphore, #tpu.memory_space<semaphore_mem>>) {add = true}
          %dma_wait3A_193 = arith.constant 0 : i32
          %dma_wait3A_194 = tpu.memref_slice %arg11[%add3A_171, %dma_wait3A_193] : memref<8x128xi32, #tpu.memory_space<vmem>> -> memref<1x128xi32, #tpu.memory_space<vmem>>
          %dma_wait3A_195 = tpu.memref_squeeze %dma_wait3A_194 : memref<1x128xi32, #tpu.memory_space<vmem>> -> memref<128xi32, #tpu.memory_space<vmem>>
          %dma_wait3A_196 = arith.constant 0 : i32
          %dma_wait3A_197 = arith.constant 0 : i32
          %dma_wait3A_198 = tpu.memref_slice %arg7[%dma_wait3A_196, %dma_wait3A_197] : memref<10240x128xf32, #tpu.memory_space<vmem_shared>> -> memref<10240x128xf32, #tpu.memory_space<vmem_shared>>
          tpu.wait_indirect_dma semaphore(%run_scoped3A_186 : memref<!tpu.dma_semaphore, #tpu.memory_space<semaphore_mem>>) src(%arg13 : memref<128x128xf32, #tpu.memory_space<vmem>>) dst(%dma_wait3A_198 : memref<10240x128xf32, #tpu.memory_space<vmem_shared>>)
          tpu.yield
        }) : () -> ()
        %add3A_178 = arith.constant 2 : i32
        %add3A_179 = arith.addi %add3A_171, %add3A_178 : i32
        %dma_start3A_180 = arith.constant 0 : i32
        %dma_start3A_181 = tpu.memref_slice %arg10[%add3A_179, %dma_start3A_180] : memref<8x128xi32, #tpu.memory_space<vmem>> -> memref<1x128xi32, #tpu.memory_space<vmem>>
        %dma_start3A_182 = tpu.memref_squeeze %dma_start3A_181 : memref<1x128xi32, #tpu.memory_space<vmem>> -> memref<128xi32, #tpu.memory_space<vmem>>
        %dma_start3A_183 = arith.constant 0 : i32
        %dma_start3A_184 = arith.constant 0 : i32
        %dma_start3A_185 = tpu.memref_slice %arg2[%dma_start3A_183, %dma_start3A_184] : memref<10000x128xf32, #tpu.memory_space<hbm>> -> memref<10000x128xf32, #tpu.memory_space<hbm>>
        tpu.enqueue_indirect_dma source(%dma_start3A_185 : memref<10000x128xf32, #tpu.memory_space<hbm>>) target(%arg13 : memref<128x128xf32, #tpu.memory_space<vmem>>) offsets(%dma_start3A_182 : memref<128xi32, #tpu.memory_space<vmem>>) semaphore(%arg15 : memref<!tpu.dma_semaphore, #tpu.memory_space<semaphore_mem>>)
      }
      %scan3A_119 = arith.constant 3 : i32
      %dma_wait3A_120 = arith.constant 6 : i32
      %dma_wait3A_121 = arith.constant 0 : i32
      %dma_wait3A_122 = tpu.memref_slice %arg10[%dma_wait3A_120, %dma_wait3A_121] : memref<8x128xi32, #tpu.memory_space<vmem>> -> memref<1x128xi32, #tpu.memory_space<vmem>>
      %dma_wait3A_123 = tpu.memref_squeeze %dma_wait3A_122 : memref<1x128xi32, #tpu.memory_space<vmem>> -> memref<128xi32, #tpu.memory_space<vmem>>
      %dma_wait3A_124 = arith.constant 0 : i32
      %dma_wait3A_125 = arith.constant 0 : i32
      %dma_wait3A_126 = tpu.memref_slice %arg2[%dma_wait3A_124, %dma_wait3A_125] : memref<10000x128xf32, #tpu.memory_space<hbm>> -> memref<10000x128xf32, #tpu.memory_space<hbm>>
      tpu.wait_indirect_dma semaphore(%arg14 : memref<!tpu.dma_semaphore, #tpu.memory_space<semaphore_mem>>) src(%dma_wait3A_126 : memref<10000x128xf32, #tpu.memory_space<hbm>>) dst(%arg12 : memref<128x128xf32, #tpu.memory_space<vmem>>)
      %run_scoped3A_127 = arith.constant 6 : i32
      "tpu.region"() ({
        %run_scoped3A_149 = tpu.sem_alloc : memref<!tpu.dma_semaphore, #tpu.memory_space<semaphore_mem>>
        %dma_start3A_150 = arith.constant 0 : i32
        %dma_start3A_151 = tpu.memref_slice %arg11[%run_scoped3A_127, %dma_start3A_150] : memref<8x128xi32, #tpu.memory_space<vmem>> -> memref<1x128xi32, #tpu.memory_space<vmem>>
        %dma_start3A_152 = tpu.memref_squeeze %dma_start3A_151 : memref<1x128xi32, #tpu.memory_space<vmem>> -> memref<128xi32, #tpu.memory_space<vmem>>
        %dma_start3A_153 = arith.constant 0 : i32
        %dma_start3A_154 = arith.constant 0 : i32
        %dma_start3A_155 = tpu.memref_slice %arg7[%dma_start3A_153, %dma_start3A_154] : memref<10240x128xf32, #tpu.memory_space<vmem_shared>> -> memref<10240x128xf32, #tpu.memory_space<vmem_shared>>
        tpu.enqueue_indirect_dma source(%arg12 : memref<128x128xf32, #tpu.memory_space<vmem>>) target(%dma_start3A_155 : memref<10240x128xf32, #tpu.memory_space<vmem_shared>>) offsets(%dma_start3A_152 : memref<128xi32, #tpu.memory_space<vmem>>) semaphore(%run_scoped3A_149 : memref<!tpu.dma_semaphore, #tpu.memory_space<semaphore_mem>>) {add = true}
        %dma_wait3A_156 = arith.constant 0 : i32
        %dma_wait3A_157 = tpu.memref_slice %arg11[%run_scoped3A_127, %dma_wait3A_156] : memref<8x128xi32, #tpu.memory_space<vmem>> -> memref<1x128xi32, #tpu.memory_space<vmem>>
        %dma_wait3A_158 = tpu.memref_squeeze %dma_wait3A_157 : memref<1x128xi32, #tpu.memory_space<vmem>> -> memref<128xi32, #tpu.memory_space<vmem>>
        %dma_wait3A_159 = arith.constant 0 : i32
        %dma_wait3A_160 = arith.constant 0 : i32
        %dma_wait3A_161 = tpu.memref_slice %arg7[%dma_wait3A_159, %dma_wait3A_160] : memref<10240x128xf32, #tpu.memory_space<vmem_shared>> -> memref<10240x128xf32, #tpu.memory_space<vmem_shared>>
        tpu.wait_indirect_dma semaphore(%run_scoped3A_149 : memref<!tpu.dma_semaphore, #tpu.memory_space<semaphore_mem>>) src(%arg12 : memref<128x128xf32, #tpu.memory_space<vmem>>) dst(%dma_wait3A_161 : memref<10240x128xf32, #tpu.memory_space<vmem_shared>>)
        tpu.yield
      }) : () -> ()
      %convert_element_type3A_128 = arith.extui %lt3A_112 : i1 to i32
      %cond3A_129 = arith.constant 0 : i32
      %cond3A_130 = arith.cmpi ne, %convert_element_type3A_128, %cond3A_129 : i32
      scf.if %cond3A_130 {
        %dma_start3A_149 = arith.constant 0 : i32
        %dma_start3A_150 = arith.constant 0 : i32
        %dma_start3A_151 = tpu.memref_slice %arg8[%dma_start3A_149, %dma_start3A_150] : memref<8x128xi32, #tpu.memory_space<vmem>> -> memref<1x128xi32, #tpu.memory_space<vmem>>
        %dma_start3A_152 = tpu.memref_squeeze %dma_start3A_151 : memref<1x128xi32, #tpu.memory_space<vmem>> -> memref<128xi32, #tpu.memory_space<vmem>>
        %dma_start3A_153 = arith.constant 0 : i32
        %dma_start3A_154 = arith.constant 0 : i32
        %dma_start3A_155 = tpu.memref_slice %arg2[%dma_start3A_153, %dma_start3A_154] : memref<10000x128xf32, #tpu.memory_space<hbm>> -> memref<10000x128xf32, #tpu.memory_space<hbm>>
        tpu.enqueue_indirect_dma source(%dma_start3A_155 : memref<10000x128xf32, #tpu.memory_space<hbm>>) target(%arg12 : memref<128x128xf32, #tpu.memory_space<vmem>>) offsets(%dma_start3A_152 : memref<128xi32, #tpu.memory_space<vmem>>) semaphore(%arg14 : memref<!tpu.dma_semaphore, #tpu.memory_space<semaphore_mem>>)
      } else {
      }
      %dma_wait3A_131 = arith.constant 7 : i32
      %dma_wait3A_132 = arith.constant 0 : i32
      %dma_wait3A_133 = tpu.memref_slice %arg10[%dma_wait3A_131, %dma_wait3A_132] : memref<8x128xi32, #tpu.memory_space<vmem>> -> memref<1x128xi32, #tpu.memory_space<vmem>>
      %dma_wait3A_134 = tpu.memref_squeeze %dma_wait3A_133 : memref<1x128xi32, #tpu.memory_space<vmem>> -> memref<128xi32, #tpu.memory_space<vmem>>
      %dma_wait3A_135 = arith.constant 0 : i32
      %dma_wait3A_136 = arith.constant 0 : i32
      %dma_wait3A_137 = tpu.memref_slice %arg2[%dma_wait3A_135, %dma_wait3A_136] : memref<10000x128xf32, #tpu.memory_space<hbm>> -> memref<10000x128xf32, #tpu.memory_space<hbm>>
      tpu.wait_indirect_dma semaphore(%arg15 : memref<!tpu.dma_semaphore, #tpu.memory_space<semaphore_mem>>) src(%dma_wait3A_137 : memref<10000x128xf32, #tpu.memory_space<hbm>>) dst(%arg13 : memref<128x128xf32, #tpu.memory_space<vmem>>)
      %run_scoped3A_138 = arith.constant 7 : i32
      "tpu.region"() ({
        %run_scoped3A_149 = tpu.sem_alloc : memref<!tpu.dma_semaphore, #tpu.memory_space<semaphore_mem>>
        %dma_start3A_150 = arith.constant 0 : i32
        %dma_start3A_151 = tpu.memref_slice %arg11[%run_scoped3A_138, %dma_start3A_150] : memref<8x128xi32, #tpu.memory_space<vmem>> -> memref<1x128xi32, #tpu.memory_space<vmem>>
        %dma_start3A_152 = tpu.memref_squeeze %dma_start3A_151 : memref<1x128xi32, #tpu.memory_space<vmem>> -> memref<128xi32, #tpu.memory_space<vmem>>
        %dma_start3A_153 = arith.constant 0 : i32
        %dma_start3A_154 = arith.constant 0 : i32
        %dma_start3A_155 = tpu.memref_slice %arg7[%dma_start3A_153, %dma_start3A_154] : memref<10240x128xf32, #tpu.memory_space<vmem_shared>> -> memref<10240x128xf32, #tpu.memory_space<vmem_shared>>
        tpu.enqueue_indirect_dma source(%arg13 : memref<128x128xf32, #tpu.memory_space<vmem>>) target(%dma_start3A_155 : memref<10240x128xf32, #tpu.memory_space<vmem_shared>>) offsets(%dma_start3A_152 : memref<128xi32, #tpu.memory_space<vmem>>) semaphore(%run_scoped3A_149 : memref<!tpu.dma_semaphore, #tpu.memory_space<semaphore_mem>>) {add = true}
        %dma_wait3A_156 = arith.constant 0 : i32
        %dma_wait3A_157 = tpu.memref_slice %arg11[%run_scoped3A_138, %dma_wait3A_156] : memref<8x128xi32, #tpu.memory_space<vmem>> -> memref<1x128xi32, #tpu.memory_space<vmem>>
        %dma_wait3A_158 = tpu.memref_squeeze %dma_wait3A_157 : memref<1x128xi32, #tpu.memory_space<vmem>> -> memref<128xi32, #tpu.memory_space<vmem>>
        %dma_wait3A_159 = arith.constant 0 : i32
        %dma_wait3A_160 = arith.constant 0 : i32
        %dma_wait3A_161 = tpu.memref_slice %arg7[%dma_wait3A_159, %dma_wait3A_160] : memref<10240x128xf32, #tpu.memory_space<vmem_shared>> -> memref<10240x128xf32, #tpu.memory_space<vmem_shared>>
        tpu.wait_indirect_dma semaphore(%run_scoped3A_149 : memref<!tpu.dma_semaphore, #tpu.memory_space<semaphore_mem>>) src(%arg13 : memref<128x128xf32, #tpu.memory_space<vmem>>) dst(%dma_wait3A_161 : memref<10240x128xf32, #tpu.memory_space<vmem_shared>>)
        tpu.yield
      }) : () -> ()
      %convert_element_type3A_139 = arith.extui %lt3A_112 : i1 to i32
      %cond3A_140 = arith.constant 0 : i32
      %cond3A_141 = arith.cmpi ne, %convert_element_type3A_139, %cond3A_140 : i32
      scf.if %cond3A_141 {
        %dma_start3A_149 = arith.constant 1 : i32
        %dma_start3A_150 = arith.constant 0 : i32
        %dma_start3A_151 = tpu.memref_slice %arg8[%dma_start3A_149, %dma_start3A_150] : memref<8x128xi32, #tpu.memory_space<vmem>> -> memref<1x128xi32, #tpu.memory_space<vmem>>
        %dma_start3A_152 = tpu.memref_squeeze %dma_start3A_151 : memref<1x128xi32, #tpu.memory_space<vmem>> -> memref<128xi32, #tpu.memory_space<vmem>>
        %dma_start3A_153 = arith.constant 0 : i32
        %dma_start3A_154 = arith.constant 0 : i32
        %dma_start3A_155 = tpu.memref_slice %arg2[%dma_start3A_153, %dma_start3A_154] : memref<10000x128xf32, #tpu.memory_space<hbm>> -> memref<10000x128xf32, #tpu.memory_space<hbm>>
        tpu.enqueue_indirect_dma source(%dma_start3A_155 : memref<10000x128xf32, #tpu.memory_space<hbm>>) target(%arg13 : memref<128x128xf32, #tpu.memory_space<vmem>>) offsets(%dma_start3A_152 : memref<128xi32, #tpu.memory_space<vmem>>) semaphore(%arg15 : memref<!tpu.dma_semaphore, #tpu.memory_space<semaphore_mem>>)
      } else {
      }
      %add3A_142 = arith.constant 3 : i32
      %add3A_143 = arith.addi %mul3A_61, %add3A_142 : i32
      %lt3A_144 = arith.constant 10 : i32
      %lt3A_145 = arith.cmpi slt, %add3A_143, %lt3A_144 : i32
      %convert_element_type3A_146 = arith.extui %lt3A_145 : i1 to i32
      %cond3A_147 = arith.constant 0 : i32
      %cond3A_148 = arith.cmpi ne, %convert_element_type3A_146, %cond3A_147 : i32
      scf.if %cond3A_148 {
        %add3A_149 = arith.constant 3 : i32
        %add3A_150 = arith.addi %mul3A_61, %add3A_149 : i32
        %mul3A_151 = arith.constant 8 : i32
        %mul3A_152 = arith.muli %add3A_150, %mul3A_151 : i32
        %add3A_153 = arith.addi %mul3A_2, %mul3A_152 : i32
        %dma_start3A_154 = arith.constant 0 : i32
        %dma_start3A_155 = tpu.memref_slice %arg3[%add3A_153, %dma_start3A_154] : memref<2560x128xi32, #tpu.memory_space<hbm>> -> memref<8x128xi32, #tpu.memory_space<hbm>>
        %dma_start3A_156 = arith.constant 0 : i32
        %dma_start3A_157 = tpu.memref_slice %arg3[%add3A_153, %dma_start3A_156] : memref<2560x128xi32, #tpu.memory_space<hbm>> -> memref<8x128xi32, #tpu.memory_space<hbm>>
        tpu.enqueue_dma source(%dma_start3A_157 : memref<8x128xi32, #tpu.memory_space<hbm>>) target(%arg10 : memref<8x128xi32, #tpu.memory_space<vmem>>) target_semaphore(%arg17 : memref<!tpu.dma_semaphore, #tpu.memory_space<semaphore_mem>>)
        %dma_start3A_158 = arith.constant 0 : i32
        %dma_start3A_159 = tpu.memref_slice %arg4[%add3A_153, %dma_start3A_158] : memref<2560x128xi32, #tpu.memory_space<hbm>> -> memref<8x128xi32, #tpu.memory_space<hbm>>
        %dma_start3A_160 = arith.constant 0 : i32
        %dma_start3A_161 = tpu.memref_slice %arg4[%add3A_153, %dma_start3A_160] : memref<2560x128xi32, #tpu.memory_space<hbm>> -> memref<8x128xi32, #tpu.memory_space<hbm>>
        tpu.enqueue_dma source(%dma_start3A_161 : memref<8x128xi32, #tpu.memory_space<hbm>>) target(%arg11 : memref<8x128xi32, #tpu.memory_space<vmem>>) target_semaphore(%arg17 : memref<!tpu.dma_semaphore, #tpu.memory_space<semaphore_mem>>)
      } else {
      }
    }
    %scan3A_53 = arith.constant 5 : i32
    %barrier3A_54 = arith.constant 0 : index
    tpu.barrier barrier_id(%barrier3A_54)
    %mul3A_55 = arith.constant 640 : i32
    %mul3A_56 = arith.muli %arg1, %mul3A_55 : i32
    %mul3A_57 = arith.constant 640 : i32
    %mul3A_58 = arith.muli %arg1, %mul3A_57 : i32
    "tpu.region"() ({
      %run_scoped3A = tpu.sem_alloc : memref<!tpu.dma_semaphore, #tpu.memory_space<semaphore_mem>>
      %dma_start3A_59 = arith.constant 0 : i32
      %dma_start3A_60 = tpu.memref_slice %arg6[%arg0, %mul3A_58, %dma_start3A_59] : memref<2x10240x128xf32, #tpu.memory_space<hbm>> -> memref<1x640x128xf32, #tpu.memory_space<hbm>>
      %dma_start3A_61 = tpu.memref_squeeze %dma_start3A_60 : memref<1x640x128xf32, #tpu.memory_space<hbm>> -> memref<640x128xf32, #tpu.memory_space<hbm>>
      %dma_start3A_62 = arith.constant 0 : i32
      %dma_start3A_63 = tpu.memref_slice %arg7[%mul3A_56, %dma_start3A_62] : memref<10240x128xf32, #tpu.memory_space<vmem_shared>> -> memref<640x128xf32, #tpu.memory_space<vmem_shared>>
      tpu.enqueue_dma source(%dma_start3A_63 : memref<640x128xf32, #tpu.memory_space<vmem_shared>>) target(%dma_start3A_61 : memref<640x128xf32, #tpu.memory_space<hbm>>) target_semaphore(%run_scoped3A : memref<!tpu.dma_semaphore, #tpu.memory_space<semaphore_mem>>)
      %dma_wait3A_64 = arith.constant 0 : i32
      %dma_wait3A_65 = tpu.memref_slice %arg6[%arg0, %mul3A_58, %dma_wait3A_64] : memref<2x10240x128xf32, #tpu.memory_space<hbm>> -> memref<1x640x128xf32, #tpu.memory_space<hbm>>
      %dma_wait3A_66 = tpu.memref_squeeze %dma_wait3A_65 : memref<1x640x128xf32, #tpu.memory_space<hbm>> -> memref<640x128xf32, #tpu.memory_space<hbm>>
      %dma_wait3A_67 = arith.constant 0 : i32
      %dma_wait3A_68 = tpu.memref_slice %arg7[%mul3A_56, %dma_wait3A_67] : memref<10240x128xf32, #tpu.memory_space<vmem_shared>> -> memref<640x128xf32, #tpu.memory_space<vmem_shared>>
      tpu.wait_dma2 semaphore(%run_scoped3A : memref<!tpu.dma_semaphore, #tpu.memory_space<semaphore_mem>>) src(%dma_wait3A_68 : memref<640x128xf32, #tpu.memory_space<vmem_shared>>) dst(%dma_wait3A_66 : memref<640x128xf32, #tpu.memory_space<hbm>>)
      tpu.yield
    }) : () -> ()
    return
  }
}

module attributes {stable_mosaic.version = 14 : i64} {
  func.func @_tc_edges(%arg0: i32, %arg1: memref<2x2500x128xi32, #tpu.memory_space<vmem>>, %arg2: memref<2560x128xi32, #tpu.memory_space<vmem>>, %arg3: memref<2560x128xi32, #tpu.memory_space<vmem>>) attributes {dimension_semantics = [#tpu.dimension_semantics<arbitrary>], iteration_bounds = array<i64: 1>, scalar_prefetch = 0 : i64, scratch_operands = 0 : i64, tpu.core_type = #tpu.core_type<tc>, window_params = [{pipeline_mode = #tpu.pipeline_mode<synchronous>, transform_indices = @transform_0, window_bounds = array<i64: 2, 2500, 128>}, {pipeline_mode = #tpu.pipeline_mode<synchronous>, transform_indices = @transform_1, window_bounds = array<i64: 2560, 128>}, {pipeline_mode = #tpu.pipeline_mode<synchronous>, transform_indices = @transform_2, window_bounds = array<i64: 2560, 128>}]} {
    %iota3A = tpu.iota {dimensions = array<i32: 0>} : vector<60x128xi32>
    %iota3A_0 = tpu.iota {dimensions = array<i32: 1>} : vector<60x128xi32>
    %mul3A = arith.constant 128 : i32
    %mul3A_1 = vector.broadcast %mul3A : i32 to vector<60x128xi32>
    %mul3A_2 = arith.muli %iota3A, %mul3A_1 : vector<60x128xi32>
    %add3A = arith.addi %mul3A_2, %iota3A_0 : vector<60x128xi32>
    %jit3A = arith.constant 10000 : i32
    %eq3A = arith.constant 0 : i32
    %eq3A_3 = arith.cmpi eq, %jit3A, %eq3A : i32
    %jit3A_4 = arith.constant 1 : i32
    %select_n3A = arith.select %eq3A_3, %jit3A_4, %jit3A : i32
    %rem3A = vector.broadcast %select_n3A : i32 to vector<60x128xi32>
    %rem3A_5 = arith.remsi %add3A, %rem3A : vector<60x128xi32>
    %ne3A = arith.constant 0 : i32
    %ne3A_6 = vector.broadcast %ne3A : i32 to vector<60x128xi32>
    %ne3A_7 = arith.cmpi ne, %rem3A_5, %ne3A_6 : vector<60x128xi32>
    %lt3A = arith.constant 0 : i32
    %lt3A_8 = vector.broadcast %lt3A : i32 to vector<60x128xi32>
    %lt3A_9 = arith.cmpi slt, %rem3A_5, %lt3A_8 : vector<60x128xi32>
    %lt3A_10 = arith.constant 0 : i32
    %lt3A_11 = arith.cmpi slt, %select_n3A, %lt3A_10 : i32
    %ne3A_12 = vector.broadcast %lt3A_11 : i1 to vector<60x128xi1>
    %ne3A_13 = vector.broadcast %ne3A_12 : vector<60x128xi1> to vector<60x128xi1>
    %ne3A_14 = arith.xori %lt3A_9, %ne3A_13 : vector<60x128xi1>
    %and3A = arith.andi %ne3A_14, %ne3A_7 : vector<60x128xi1>
    %add3A_15 = vector.broadcast %select_n3A : i32 to vector<60x128xi32>
    %add3A_16 = arith.addi %rem3A_5, %add3A_15 : vector<60x128xi32>
    %select_n3A_17 = arith.select %and3A, %add3A_16, %rem3A_5 : vector<60x128xi1>, vector<60x128xi32>
    %jit3A_18 = arith.constant 240 : i32
    %eq3A_19 = arith.constant 0 : i32
    %eq3A_20 = arith.cmpi eq, %jit3A_18, %eq3A_19 : i32
    %jit3A_21 = arith.constant 1 : i32
    %select_n3A_22 = arith.select %eq3A_20, %jit3A_21, %jit3A_18 : i32
    %rem3A_23 = vector.broadcast %select_n3A_22 : i32 to vector<60x128xi32>
    %rem3A_24 = arith.remsi %add3A, %rem3A_23 : vector<60x128xi32>
    %ne3A_25 = arith.constant 0 : i32
    %ne3A_26 = vector.broadcast %ne3A_25 : i32 to vector<60x128xi32>
    %ne3A_27 = arith.cmpi ne, %rem3A_24, %ne3A_26 : vector<60x128xi32>
    %lt3A_28 = arith.constant 0 : i32
    %lt3A_29 = vector.broadcast %lt3A_28 : i32 to vector<60x128xi32>
    %lt3A_30 = arith.cmpi slt, %rem3A_24, %lt3A_29 : vector<60x128xi32>
    %lt3A_31 = arith.constant 0 : i32
    %lt3A_32 = arith.cmpi slt, %select_n3A_22, %lt3A_31 : i32
    %ne3A_33 = vector.broadcast %lt3A_32 : i1 to vector<60x128xi1>
    %ne3A_34 = vector.broadcast %ne3A_33 : vector<60x128xi1> to vector<60x128xi1>
    %ne3A_35 = arith.xori %lt3A_30, %ne3A_34 : vector<60x128xi1>
    %and3A_36 = arith.andi %ne3A_35, %ne3A_27 : vector<60x128xi1>
    %add3A_37 = vector.broadcast %select_n3A_22 : i32 to vector<60x128xi32>
    %add3A_38 = arith.addi %rem3A_24, %add3A_37 : vector<60x128xi32>
    %select_n3A_39 = arith.select %and3A_36, %add3A_38, %rem3A_24 : vector<60x128xi1>, vector<60x128xi32>
    %add3A_40 = arith.constant 10000 : i32
    %add3A_41 = vector.broadcast %add3A_40 : i32 to vector<60x128xi32>
    %add3A_42 = arith.addi %add3A_41, %select_n3A_39 : vector<60x128xi32>
    %get3A = arith.constant 0 : index
    %get3A_43 = arith.constant 0 : index
    %get3A_44 = arith.constant 0 : index
    %get3A_45 = vector.load %arg1[%get3A, %get3A_43, %get3A_44] : memref<2x2500x128xi32, #tpu.memory_space<vmem>>, vector<1x2500x128xi32>
    %get3A_46 = vector.shape_cast %get3A_45 : vector<1x2500x128xi32> to vector<2500x128xi32>
    %concatenate3A = tpu.concatenate %get3A_46, %select_n3A_17 in 0 : vector<2500x128xi32>, vector<60x128xi32> -> vector<2560x128xi32>
    %swap3A = arith.constant 0 : index
    %swap3A_47 = arith.constant 0 : index
    %swap3A_48 = vector.load %arg2[%swap3A, %swap3A_47] : memref<2560x128xi32, #tpu.memory_space<vmem>>, vector<2560x128xi32>
    tpu.vector_store %arg2[%swap3A, %swap3A_47], %concatenate3A {strides = array<i32>} : memref<2560x128xi32, #tpu.memory_space<vmem>>, vector<2560x128xi32>,
    %get3A_49 = arith.constant 1 : index
    %get3A_50 = arith.constant 0 : index
    %get3A_51 = arith.constant 0 : index
    %get3A_52 = vector.load %arg1[%get3A_49, %get3A_50, %get3A_51] : memref<2x2500x128xi32, #tpu.memory_space<vmem>>, vector<1x2500x128xi32>
    %get3A_53 = vector.shape_cast %get3A_52 : vector<1x2500x128xi32> to vector<2500x128xi32>
    %concatenate3A_54 = tpu.concatenate %get3A_53, %add3A_42 in 0 : vector<2500x128xi32>, vector<60x128xi32> -> vector<2560x128xi32>
    %swap3A_55 = arith.constant 0 : index
    %swap3A_56 = arith.constant 0 : index
    %swap3A_57 = vector.load %arg3[%swap3A_55, %swap3A_56] : memref<2560x128xi32, #tpu.memory_space<vmem>>, vector<2560x128xi32>
    tpu.vector_store %arg3[%swap3A_55, %swap3A_56], %concatenate3A_54 {strides = array<i32>} : memref<2560x128xi32, #tpu.memory_space<vmem>>, vector<2560x128xi32>,
    return
  }
  func.func @transform_0(%arg0: i32) -> (i32, i32, i32) {
    %c0_i32 = arith.constant 0 : i32
    %c0_i32_0 = arith.constant 0 : i32
    %c0_i32_1 = arith.constant 0 : i32
    %c0_i32_2 = arith.constant 0 : i32
    return %c0_i32, %c0_i32_0, %c0_i32_1 : i32, i32, i32
  }
  func.func @transform_1(%arg0: i32) -> (i32, i32) {
    %c0_i32 = arith.constant 0 : i32
    %c0_i32_0 = arith.constant 0 : i32
    %c0_i32_1 = arith.constant 0 : i32
    return %c0_i32, %c0_i32_0 : i32, i32
  }
  func.func @transform_2(%arg0: i32) -> (i32, i32) {
    %c0_i32 = arith.constant 0 : i32
    %c0_i32_0 = arith.constant 0 : i32
    %c0_i32_1 = arith.constant 0 : i32
    return %c0_i32, %c0_i32_0 : i32, i32
  }
}

module attributes {stable_mosaic.version = 14 : i64} {
  func.func @_tc_in(%arg0: i32, %arg1: memref<1000x128xf32, #tpu.memory_space<vmem>>, %arg2: memref<1x128xf32, #tpu.memory_space<vmem>>, %arg3: memref<1x128xf32, #tpu.memory_space<vmem>>, %arg4: memref<128x128xf32, #tpu.memory_space<vmem>>, %arg5: memref<1x128xf32, #tpu.memory_space<vmem>>, %arg6: memref<128x128xf32, #tpu.memory_space<vmem>>, %arg7: memref<1x128xf32, #tpu.memory_space<vmem>>, %arg8: memref<1000x128xf32, #tpu.memory_space<vmem>>, %arg9: memref<1000x128xf32, #tpu.memory_space<vmem>>) attributes {dimension_semantics = [#tpu.dimension_semantics<arbitrary>], iteration_bounds = array<i64: 10>, scalar_prefetch = 0 : i64, scratch_operands = 0 : i64, tpu.core_type = #tpu.core_type<tc>, window_params = [{transform_indices = @transform_0, window_bounds = array<i64: 1000, 128>}, {pipeline_mode = #tpu.pipeline_mode<synchronous>, transform_indices = @transform_1, window_bounds = array<i64: 1, 128>}, {pipeline_mode = #tpu.pipeline_mode<synchronous>, transform_indices = @transform_2, window_bounds = array<i64: 1, 128>}, {pipeline_mode = #tpu.pipeline_mode<synchronous>, transform_indices = @transform_3, window_bounds = array<i64: 128, 128>}, {pipeline_mode = #tpu.pipeline_mode<synchronous>, transform_indices = @transform_4, window_bounds = array<i64: 1, 128>}, {pipeline_mode = #tpu.pipeline_mode<synchronous>, transform_indices = @transform_5, window_bounds = array<i64: 128, 128>}, {pipeline_mode = #tpu.pipeline_mode<synchronous>, transform_indices = @transform_6, window_bounds = array<i64: 1, 128>}, {transform_indices = @transform_7, window_bounds = array<i64: 1000, 128>}, {transform_indices = @transform_8, window_bounds = array<i64: 1000, 128>}]} {
    %get3A = arith.constant 0 : index
    %get3A_0 = arith.constant 0 : index
    %get3A_1 = vector.load %arg1[%get3A, %get3A_0] : memref<1000x128xf32, #tpu.memory_space<vmem>>, vector<1000x128xf32>
    %reduce_sum3A = arith.constant dense<0.000000e+00> : vector<1000xf32>
    %reduce_sum3A_2 = vector.multi_reduction <add>, %get3A_1, %reduce_sum3A [1] : vector<1000x128xf32> to vector<1000xf32>
    %broadcast_in_dim3A = vector.shape_cast %reduce_sum3A_2 : vector<1000xf32> to vector<1000x1xf32>
    %div3A = arith.constant 1.280000e+02 : f32
    %div3A_3 = vector.broadcast %div3A : f32 to vector<1000x1xf32>
    %div3A_4 = arith.divf %broadcast_in_dim3A, %div3A_3 : vector<1000x1xf32>
    %sub3A = vector.broadcast %div3A_4 : vector<1000x1xf32> to vector<1000x128xf32>
    %sub3A_5 = arith.subf %get3A_1, %sub3A : vector<1000x128xf32>
    %mul3A = arith.mulf %sub3A_5, %sub3A_5 : vector<1000x128xf32>
    %reduce_sum3A_6 = arith.constant dense<0.000000e+00> : vector<1000xf32>
    %reduce_sum3A_7 = vector.multi_reduction <add>, %mul3A, %reduce_sum3A_6 [1] : vector<1000x128xf32> to vector<1000xf32>
    %broadcast_in_dim3A_8 = vector.shape_cast %reduce_sum3A_7 : vector<1000xf32> to vector<1000x1xf32>
    %div3A_9 = arith.constant 1.280000e+02 : f32
    %div3A_10 = vector.broadcast %div3A_9 : f32 to vector<1000x1xf32>
    %div3A_11 = arith.divf %broadcast_in_dim3A_8, %div3A_10 : vector<1000x1xf32>
    %add3A = arith.constant 9.99999974E-6 : f32
    %add3A_12 = vector.broadcast %add3A : f32 to vector<1000x1xf32>
    %add3A_13 = arith.addf %div3A_11, %add3A_12 : vector<1000x1xf32>
    %rsqrt3A = math.rsqrt %add3A_13 : vector<1000x1xf32>
    %mul3A_14 = vector.broadcast %rsqrt3A : vector<1000x1xf32> to vector<1000x128xf32>
    %mul3A_15 = arith.mulf %sub3A_5, %mul3A_14 : vector<1000x128xf32>
    %get3A_16 = arith.constant 0 : index
    %get3A_17 = arith.constant 0 : index
    %get3A_18 = vector.load %arg2[%get3A_16, %get3A_17] : memref<1x128xf32, #tpu.memory_space<vmem>>, vector<1x128xf32>
    %mul3A_19 = vector.broadcast %get3A_18 : vector<1x128xf32> to vector<1000x128xf32>
    %mul3A_20 = arith.mulf %mul3A_15, %mul3A_19 : vector<1000x128xf32>
    %get3A_21 = arith.constant 0 : index
    %get3A_22 = arith.constant 0 : index
    %get3A_23 = vector.load %arg3[%get3A_21, %get3A_22] : memref<1x128xf32, #tpu.memory_space<vmem>>, vector<1x128xf32>
    %add3A_24 = vector.broadcast %get3A_23 : vector<1x128xf32> to vector<1000x128xf32>
    %add3A_25 = arith.addf %mul3A_20, %add3A_24 : vector<1000x128xf32>
    %get3A_26 = arith.constant 0 : index
    %get3A_27 = arith.constant 0 : index
    %get3A_28 = vector.load %arg4[%get3A_26, %get3A_27] : memref<128x128xf32, #tpu.memory_space<vmem>>, vector<128x128xf32>
    %dot_general3A = arith.constant dense<0.000000e+00> : vector<1000x128xf32>
    %dot_general3A_29 = tpu.matmul %add3A_25, %get3A_28, %dot_general3A {dimension_numbers = #tpu.dot_dimension_numbers<[1], [0], [0], [1], [0, 0, 1, 1], [], []>, transpose_lhs_hint = false} : vector<1000x128xf32>, vector<128x128xf32>, vector<1000x128xf32> -> vector<1000x128xf32>
    %get3A_30 = arith.constant 0 : index
    %get3A_31 = arith.constant 0 : index
    %get3A_32 = vector.load %arg5[%get3A_30, %get3A_31] : memref<1x128xf32, #tpu.memory_space<vmem>>, vector<1x128xf32>
    %add3A_33 = vector.broadcast %get3A_32 : vector<1x128xf32> to vector<1000x128xf32>
    %add3A_34 = arith.addf %dot_general3A_29, %add3A_33 : vector<1000x128xf32>
    %max3A = arith.constant 0.000000e+00 : f32
    %max3A_35 = vector.broadcast %max3A : f32 to vector<1000x128xf32>
    %max3A_36 = arith.maximumf %add3A_34, %max3A_35 : vector<1000x128xf32>
    %swap3A = arith.constant 0 : index
    %swap3A_37 = arith.constant 0 : index
    %swap3A_38 = vector.load %arg8[%swap3A, %swap3A_37] : memref<1000x128xf32, #tpu.memory_space<vmem>>, vector<1000x128xf32>
    tpu.vector_store %arg8[%swap3A, %swap3A_37], %max3A_36 {strides = array<i32>} : memref<1000x128xf32, #tpu.memory_space<vmem>>, vector<1000x128xf32>,
    %get3A_39 = arith.constant 0 : index
    %get3A_40 = arith.constant 0 : index
    %get3A_41 = vector.load %arg6[%get3A_39, %get3A_40] : memref<128x128xf32, #tpu.memory_space<vmem>>, vector<128x128xf32>
    %dot_general3A_42 = arith.constant dense<0.000000e+00> : vector<1000x128xf32>
    %dot_general3A_43 = tpu.matmul %max3A_36, %get3A_41, %dot_general3A_42 {dimension_numbers = #tpu.dot_dimension_numbers<[1], [0], [0], [1], [0, 0, 1, 1], [], []>, transpose_lhs_hint = false} : vector<1000x128xf32>, vector<128x128xf32>, vector<1000x128xf32> -> vector<1000x128xf32>
    %get3A_44 = arith.constant 0 : index
    %get3A_45 = arith.constant 0 : index
    %get3A_46 = vector.load %arg7[%get3A_44, %get3A_45] : memref<1x128xf32, #tpu.memory_space<vmem>>, vector<1x128xf32>
    %add3A_47 = vector.broadcast %get3A_46 : vector<1x128xf32> to vector<1000x128xf32>
    %add3A_48 = arith.addf %dot_general3A_43, %add3A_47 : vector<1000x128xf32>
    %swap3A_49 = arith.constant 0 : index
    %swap3A_50 = arith.constant 0 : index
    %swap3A_51 = vector.load %arg9[%swap3A_49, %swap3A_50] : memref<1000x128xf32, #tpu.memory_space<vmem>>, vector<1000x128xf32>
    tpu.vector_store %arg9[%swap3A_49, %swap3A_50], %add3A_48 {strides = array<i32>} : memref<1000x128xf32, #tpu.memory_space<vmem>>, vector<1000x128xf32>,
    return
  }
  func.func @transform_0(%arg0: i32) -> (i32, i32) {
    %c0_i32 = arith.constant 0 : i32
    %c0_i32_0 = arith.constant 0 : i32
    return %arg0, %c0_i32 : i32, i32
  }
  func.func @transform_1(%arg0: i32) -> (i32, i32) {
    %c0_i32 = arith.constant 0 : i32
    %c0_i32_0 = arith.constant 0 : i32
    %c0_i32_1 = arith.constant 0 : i32
    return %c0_i32, %c0_i32_0 : i32, i32
  }
  func.func @transform_2(%arg0: i32) -> (i32, i32) {
    %c0_i32 = arith.constant 0 : i32
    %c0_i32_0 = arith.constant 0 : i32
    %c0_i32_1 = arith.constant 0 : i32
    return %c0_i32, %c0_i32_0 : i32, i32
  }
  func.func @transform_3(%arg0: i32) -> (i32, i32) {
    %c0_i32 = arith.constant 0 : i32
    %c0_i32_0 = arith.constant 0 : i32
    %c0_i32_1 = arith.constant 0 : i32
    return %c0_i32, %c0_i32_0 : i32, i32
  }
  func.func @transform_4(%arg0: i32) -> (i32, i32) {
    %c0_i32 = arith.constant 0 : i32
    %c0_i32_0 = arith.constant 0 : i32
    %c0_i32_1 = arith.constant 0 : i32
    return %c0_i32, %c0_i32_0 : i32, i32
  }
  func.func @transform_5(%arg0: i32) -> (i32, i32) {
    %c0_i32 = arith.constant 0 : i32
    %c0_i32_0 = arith.constant 0 : i32
    %c0_i32_1 = arith.constant 0 : i32
    return %c0_i32, %c0_i32_0 : i32, i32
  }
  func.func @transform_6(%arg0: i32) -> (i32, i32) {
    %c0_i32 = arith.constant 0 : i32
    %c0_i32_0 = arith.constant 0 : i32
    %c0_i32_1 = arith.constant 0 : i32
    return %c0_i32, %c0_i32_0 : i32, i32
  }
  func.func @transform_7(%arg0: i32) -> (i32, i32) {
    %c0_i32 = arith.constant 0 : i32
    %c0_i32_0 = arith.constant 0 : i32
    return %arg0, %c0_i32 : i32, i32
  }
  func.func @transform_8(%arg0: i32) -> (i32, i32) {
    %c0_i32 = arith.constant 0 : i32
    %c0_i32_0 = arith.constant 0 : i32
    return %arg0, %c0_i32 : i32, i32
  }
}

module attributes {stable_mosaic.version = 14 : i64} {
  func.func @_tc_deg(%arg0: i32, %arg1: memref<2x1024xf32, #tpu.memory_space<vmem>>, %arg2: memref<1024x1xf32, #tpu.memory_space<vmem>>) attributes {dimension_semantics = [#tpu.dimension_semantics<arbitrary>], iteration_bounds = array<i64: 10>, scalar_prefetch = 0 : i64, scratch_operands = 0 : i64, tpu.core_type = #tpu.core_type<tc>, window_params = [{transform_indices = @transform_0, window_bounds = array<i64: 2, 1024>}, {transform_indices = @transform_1, window_bounds = array<i64: 1024, 1>}]} {
    %get3A = arith.constant 0 : index
    %get3A_0 = arith.constant 0 : index
    %get3A_1 = vector.load %arg1[%get3A, %get3A_0] : memref<2x1024xf32, #tpu.memory_space<vmem>>, vector<1x1024xf32>
    %get3A_2 = vector.shape_cast %get3A_1 : vector<1x1024xf32> to vector<1024xf32>
    %get3A_3 = arith.constant 1 : index
    %get3A_4 = arith.constant 0 : index
    %get3A_5 = vector.load %arg1[%get3A_3, %get3A_4] : memref<2x1024xf32, #tpu.memory_space<vmem>>, vector<1x1024xf32>
    %get3A_6 = vector.shape_cast %get3A_5 : vector<1x1024xf32> to vector<1024xf32>
    %add3A = arith.addf %get3A_2, %get3A_6 : vector<1024xf32>
    %add3A_7 = arith.constant 1.000000e+00 : f32
    %add3A_8 = vector.broadcast %add3A_7 : f32 to vector<1024xf32>
    %add3A_9 = arith.addf %add3A, %add3A_8 : vector<1024xf32>
    %div3A = arith.constant 1.000000e+00 : f32
    %div3A_10 = vector.broadcast %div3A : f32 to vector<1024xf32>
    %div3A_11 = arith.divf %div3A_10, %add3A_9 : vector<1024xf32>
    %reshape3A = vector.shape_cast %div3A_11 : vector<1024xf32> to vector<1024x1xf32>
    %swap3A = arith.constant 0 : index
    %swap3A_12 = arith.constant 0 : index
    %swap3A_13 = vector.load %arg2[%swap3A, %swap3A_12] : memref<1024x1xf32, #tpu.memory_space<vmem>>, vector<1024x1xf32>
    tpu.vector_store %arg2[%swap3A, %swap3A_12], %reshape3A {strides = array<i32>} : memref<1024x1xf32, #tpu.memory_space<vmem>>, vector<1024x1xf32>,
    return
  }
  func.func @transform_0(%arg0: i32) -> (i32, i32) {
    %c0_i32 = arith.constant 0 : i32
    %c0_i32_0 = arith.constant 0 : i32
    return %c0_i32, %arg0 : i32, i32
  }
  func.func @transform_1(%arg0: i32) -> (i32, i32) {
    %c0_i32 = arith.constant 0 : i32
    %c0_i32_0 = arith.constant 0 : i32
    return %arg0, %c0_i32 : i32, i32
  }
}

module attributes {stable_mosaic.version = 14 : i64} {
  func.func @_tc_mid(%arg0: i32, %arg1: memref<1000x128xf32, #tpu.memory_space<vmem>>, %arg2: memref<1000x128xf32, #tpu.memory_space<vmem>>, %arg3: memref<2x1000x128xf32, #tpu.memory_space<vmem>>, %arg4: memref<1000x1xf32, #tpu.memory_space<vmem>>, %arg5: memref<128x128xf32, #tpu.memory_space<vmem>>, %arg6: memref<1x128xf32, #tpu.memory_space<vmem>>, %arg7: memref<1000x128xf32, #tpu.memory_space<vmem>>, %arg8: memref<1000x128xf32, #tpu.memory_space<vmem>>) attributes {dimension_semantics = [#tpu.dimension_semantics<arbitrary>], iteration_bounds = array<i64: 10>, scalar_prefetch = 0 : i64, scratch_operands = 0 : i64, tpu.core_type = #tpu.core_type<tc>, window_params = [{transform_indices = @transform_0, window_bounds = array<i64: 1000, 128>}, {transform_indices = @transform_1, window_bounds = array<i64: 1000, 128>}, {transform_indices = @transform_2, window_bounds = array<i64: 2, 1000, 128>}, {transform_indices = @transform_3, window_bounds = array<i64: 1000, 1>}, {pipeline_mode = #tpu.pipeline_mode<synchronous>, transform_indices = @transform_4, window_bounds = array<i64: 128, 128>}, {pipeline_mode = #tpu.pipeline_mode<synchronous>, transform_indices = @transform_5, window_bounds = array<i64: 1, 128>}, {transform_indices = @transform_6, window_bounds = array<i64: 1000, 128>}, {transform_indices = @transform_7, window_bounds = array<i64: 1000, 128>}]} {
    %get3A = arith.constant 0 : index
    %get3A_0 = arith.constant 0 : index
    %get3A_1 = arith.constant 0 : index
    %get3A_2 = vector.load %arg3[%get3A, %get3A_0, %get3A_1] : memref<2x1000x128xf32, #tpu.memory_space<vmem>>, vector<1x1000x128xf32>
    %get3A_3 = vector.shape_cast %get3A_2 : vector<1x1000x128xf32> to vector<1000x128xf32>
    %get3A_4 = arith.constant 1 : index
    %get3A_5 = arith.constant 0 : index
    %get3A_6 = arith.constant 0 : index
    %get3A_7 = vector.load %arg3[%get3A_4, %get3A_5, %get3A_6] : memref<2x1000x128xf32, #tpu.memory_space<vmem>>, vector<1x1000x128xf32>
    %get3A_8 = vector.shape_cast %get3A_7 : vector<1x1000x128xf32> to vector<1000x128xf32>
    %add3A = arith.addf %get3A_3, %get3A_8 : vector<1000x128xf32>
    %get3A_9 = arith.constant 0 : index
    %get3A_10 = arith.constant 0 : index
    %get3A_11 = vector.load %arg2[%get3A_9, %get3A_10] : memref<1000x128xf32, #tpu.memory_space<vmem>>, vector<1000x128xf32>
    %get3A_12 = arith.constant 0 : index
    %get3A_13 = arith.constant 0 : index
    %get3A_14 = vector.load %arg4[%get3A_12, %get3A_13] : memref<1000x1xf32, #tpu.memory_space<vmem>>, vector<1000x1xf32>
    %add3A_15 = arith.addf %add3A, %get3A_11 : vector<1000x128xf32>
    %mul3A = vector.broadcast %get3A_14 : vector<1000x1xf32> to vector<1000x128xf32>
    %mul3A_16 = arith.mulf %add3A_15, %mul3A : vector<1000x128xf32>
    %max3A = arith.constant 0.000000e+00 : f32
    %max3A_17 = vector.broadcast %max3A : f32 to vector<1000x128xf32>
    %max3A_18 = arith.maximumf %mul3A_16, %max3A_17 : vector<1000x128xf32>
    %get3A_19 = arith.constant 0 : index
    %get3A_20 = arith.constant 0 : index
    %get3A_21 = vector.load %arg1[%get3A_19, %get3A_20] : memref<1000x128xf32, #tpu.memory_space<vmem>>, vector<1000x128xf32>
    %mul3A_22 = arith.constant 5.000000e-01 : f32
    %mul3A_23 = vector.broadcast %mul3A_22 : f32 to vector<1000x128xf32>
    %mul3A_24 = arith.mulf %mul3A_23, %get3A_21 : vector<1000x128xf32>
    %mul3A_25 = arith.constant 5.000000e-01 : f32
    %mul3A_26 = vector.broadcast %mul3A_25 : f32 to vector<1000x128xf32>
    %mul3A_27 = arith.mulf %mul3A_26, %max3A_18 : vector<1000x128xf32>
    %add3A_28 = arith.addf %mul3A_24, %mul3A_27 : vector<1000x128xf32>
    %swap3A = arith.constant 0 : index
    %swap3A_29 = arith.constant 0 : index
    %swap3A_30 = vector.load %arg7[%swap3A, %swap3A_29] : memref<1000x128xf32, #tpu.memory_space<vmem>>, vector<1000x128xf32>
    tpu.vector_store %arg7[%swap3A, %swap3A_29], %add3A_28 {strides = array<i32>} : memref<1000x128xf32, #tpu.memory_space<vmem>>, vector<1000x128xf32>,
    %get3A_31 = arith.constant 0 : index
    %get3A_32 = arith.constant 0 : index
    %get3A_33 = vector.load %arg5[%get3A_31, %get3A_32] : memref<128x128xf32, #tpu.memory_space<vmem>>, vector<128x128xf32>
    %dot_general3A = arith.constant dense<0.000000e+00> : vector<1000x128xf32>
    %dot_general3A_34 = tpu.matmul %add3A_28, %get3A_33, %dot_general3A {dimension_numbers = #tpu.dot_dimension_numbers<[1], [0], [0], [1], [0, 0, 1, 1], [], []>, transpose_lhs_hint = false} : vector<1000x128xf32>, vector<128x128xf32>, vector<1000x128xf32> -> vector<1000x128xf32>
    %get3A_35 = arith.constant 0 : index
    %get3A_36 = arith.constant 0 : index
    %get3A_37 = vector.load %arg6[%get3A_35, %get3A_36] : memref<1x128xf32, #tpu.memory_space<vmem>>, vector<1x128xf32>
    %add3A_38 = vector.broadcast %get3A_37 : vector<1x128xf32> to vector<1000x128xf32>
    %add3A_39 = arith.addf %dot_general3A_34, %add3A_38 : vector<1000x128xf32>
    %swap3A_40 = arith.constant 0 : index
    %swap3A_41 = arith.constant 0 : index
    %swap3A_42 = vector.load %arg8[%swap3A_40, %swap3A_41] : memref<1000x128xf32, #tpu.memory_space<vmem>>, vector<1000x128xf32>
    tpu.vector_store %arg8[%swap3A_40, %swap3A_41], %add3A_39 {strides = array<i32>} : memref<1000x128xf32, #tpu.memory_space<vmem>>, vector<1000x128xf32>,
    return
  }
  func.func @transform_0(%arg0: i32) -> (i32, i32) {
    %c0_i32 = arith.constant 0 : i32
    %c0_i32_0 = arith.constant 0 : i32
    return %arg0, %c0_i32 : i32, i32
  }
  func.func @transform_1(%arg0: i32) -> (i32, i32) {
    %c0_i32 = arith.constant 0 : i32
    %c0_i32_0 = arith.constant 0 : i32
    return %arg0, %c0_i32 : i32, i32
  }
  func.func @transform_2(%arg0: i32) -> (i32, i32, i32) {
    %c0_i32 = arith.constant 0 : i32
    %c0_i32_0 = arith.constant 0 : i32
    %c0_i32_1 = arith.constant 0 : i32
    return %c0_i32, %arg0, %c0_i32_0 : i32, i32, i32
  }
  func.func @transform_3(%arg0: i32) -> (i32, i32) {
    %c0_i32 = arith.constant 0 : i32
    %c0_i32_0 = arith.constant 0 : i32
    return %arg0, %c0_i32 : i32, i32
  }
  func.func @transform_4(%arg0: i32) -> (i32, i32) {
    %c0_i32 = arith.constant 0 : i32
    %c0_i32_0 = arith.constant 0 : i32
    %c0_i32_1 = arith.constant 0 : i32
    return %c0_i32, %c0_i32_0 : i32, i32
  }
  func.func @transform_5(%arg0: i32) -> (i32, i32) {
    %c0_i32 = arith.constant 0 : i32
    %c0_i32_0 = arith.constant 0 : i32
    %c0_i32_1 = arith.constant 0 : i32
    return %c0_i32, %c0_i32_0 : i32, i32
  }
  func.func @transform_6(%arg0: i32) -> (i32, i32) {
    %c0_i32 = arith.constant 0 : i32
    %c0_i32_0 = arith.constant 0 : i32
    return %arg0, %c0_i32 : i32, i32
  }
  func.func @transform_7(%arg0: i32) -> (i32, i32) {
    %c0_i32 = arith.constant 0 : i32
    %c0_i32_0 = arith.constant 0 : i32
    return %arg0, %c0_i32 : i32, i32
  }
}

module attributes {stable_mosaic.version = 14 : i64} {
  func.func @_tc_out(%arg0: i32, %arg1: memref<1000x128xf32, #tpu.memory_space<vmem>>, %arg2: memref<1000x128xf32, #tpu.memory_space<vmem>>, %arg3: memref<2x1000x128xf32, #tpu.memory_space<vmem>>, %arg4: memref<1000x1xf32, #tpu.memory_space<vmem>>, %arg5: memref<1000x129xf32, #tpu.memory_space<vmem>>) attributes {dimension_semantics = [#tpu.dimension_semantics<arbitrary>], iteration_bounds = array<i64: 10>, scalar_prefetch = 0 : i64, scratch_operands = 0 : i64, tpu.core_type = #tpu.core_type<tc>, window_params = [{transform_indices = @transform_0, window_bounds = array<i64: 1000, 128>}, {transform_indices = @transform_1, window_bounds = array<i64: 1000, 128>}, {transform_indices = @transform_2, window_bounds = array<i64: 2, 1000, 128>}, {transform_indices = @transform_3, window_bounds = array<i64: 1000, 1>}, {transform_indices = @transform_4, window_bounds = array<i64: 1000, 129>}]} {
    %get3A = arith.constant 0 : index
    %get3A_0 = arith.constant 0 : index
    %get3A_1 = arith.constant 0 : index
    %get3A_2 = vector.load %arg3[%get3A, %get3A_0, %get3A_1] : memref<2x1000x128xf32, #tpu.memory_space<vmem>>, vector<1x1000x128xf32>
    %get3A_3 = vector.shape_cast %get3A_2 : vector<1x1000x128xf32> to vector<1000x128xf32>
    %get3A_4 = arith.constant 1 : index
    %get3A_5 = arith.constant 0 : index
    %get3A_6 = arith.constant 0 : index
    %get3A_7 = vector.load %arg3[%get3A_4, %get3A_5, %get3A_6] : memref<2x1000x128xf32, #tpu.memory_space<vmem>>, vector<1x1000x128xf32>
    %get3A_8 = vector.shape_cast %get3A_7 : vector<1x1000x128xf32> to vector<1000x128xf32>
    %add3A = arith.addf %get3A_3, %get3A_8 : vector<1000x128xf32>
    %get3A_9 = arith.constant 0 : index
    %get3A_10 = arith.constant 0 : index
    %get3A_11 = vector.load %arg2[%get3A_9, %get3A_10] : memref<1000x128xf32, #tpu.memory_space<vmem>>, vector<1000x128xf32>
    %add3A_12 = arith.addf %add3A, %get3A_11 : vector<1000x128xf32>
    %get3A_13 = arith.constant 0 : index
    %get3A_14 = arith.constant 0 : index
    %get3A_15 = vector.load %arg4[%get3A_13, %get3A_14] : memref<1000x1xf32, #tpu.memory_space<vmem>>, vector<1000x1xf32>
    %mul3A = vector.broadcast %get3A_15 : vector<1000x1xf32> to vector<1000x128xf32>
    %mul3A_16 = arith.mulf %add3A_12, %mul3A : vector<1000x128xf32>
    %max3A = arith.constant 0.000000e+00 : f32
    %max3A_17 = vector.broadcast %max3A : f32 to vector<1000x128xf32>
    %max3A_18 = arith.maximumf %mul3A_16, %max3A_17 : vector<1000x128xf32>
    %get3A_19 = arith.constant 0 : index
    %get3A_20 = arith.constant 0 : index
    %get3A_21 = vector.load %arg1[%get3A_19, %get3A_20] : memref<1000x128xf32, #tpu.memory_space<vmem>>, vector<1000x128xf32>
    %mul3A_22 = arith.constant 5.000000e-01 : f32
    %mul3A_23 = vector.broadcast %mul3A_22 : f32 to vector<1000x128xf32>
    %mul3A_24 = arith.mulf %mul3A_23, %get3A_21 : vector<1000x128xf32>
    %mul3A_25 = arith.constant 5.000000e-01 : f32
    %mul3A_26 = vector.broadcast %mul3A_25 : f32 to vector<1000x128xf32>
    %mul3A_27 = arith.mulf %mul3A_26, %max3A_18 : vector<1000x128xf32>
    %add3A_28 = arith.addf %mul3A_24, %mul3A_27 : vector<1000x128xf32>
    %mul3A_29 = arith.mulf %add3A_28, %add3A_28 : vector<1000x128xf32>
    %reduce_sum3A = arith.constant dense<0.000000e+00> : vector<1000xf32>
    %reduce_sum3A_30 = vector.multi_reduction <add>, %mul3A_29, %reduce_sum3A [1] : vector<1000x128xf32> to vector<1000xf32>
    %broadcast_in_dim3A = vector.shape_cast %reduce_sum3A_30 : vector<1000xf32> to vector<1000x1xf32>
    %sqrt3A = math.sqrt %broadcast_in_dim3A : vector<1000x1xf32>
    %max3A_31 = arith.constant 1.000000e-07 : f32
    %max3A_32 = vector.broadcast %max3A_31 : f32 to vector<1000x1xf32>
    %max3A_33 = arith.maximumf %sqrt3A, %max3A_32 : vector<1000x1xf32>
    %exp3A = math.exp %max3A_33 : vector<1000x1xf32>
    %div3A = arith.constant 1.000000e+00 : f32
    %div3A_34 = vector.broadcast %div3A : f32 to vector<1000x1xf32>
    %div3A_35 = arith.divf %div3A_34, %exp3A : vector<1000x1xf32>
    %add3A_36 = arith.addf %exp3A, %div3A_35 : vector<1000x1xf32>
    %mul3A_37 = arith.constant 5.000000e-01 : f32
    %mul3A_38 = vector.broadcast %mul3A_37 : f32 to vector<1000x1xf32>
    %mul3A_39 = arith.mulf %mul3A_38, %add3A_36 : vector<1000x1xf32>
    %sub3A = arith.subf %exp3A, %div3A_35 : vector<1000x1xf32>
    %mul3A_40 = arith.constant 5.000000e-01 : f32
    %mul3A_41 = vector.broadcast %mul3A_40 : f32 to vector<1000x1xf32>
    %mul3A_42 = arith.mulf %mul3A_41, %sub3A : vector<1000x1xf32>
    %div3A_43 = arith.divf %mul3A_42, %max3A_33 : vector<1000x1xf32>
    %mul3A_44 = vector.broadcast %div3A_43 : vector<1000x1xf32> to vector<1000x128xf32>
    %mul3A_45 = arith.mulf %mul3A_44, %add3A_28 : vector<1000x128xf32>
    %concatenate3A = tpu.concatenate %mul3A_39, %mul3A_45 in 1 : vector<1000x1xf32>, vector<1000x128xf32> -> vector<1000x129xf32>
    %swap3A = arith.constant 0 : index
    %swap3A_46 = arith.constant 0 : index
    %swap3A_47 = vector.load %arg5[%swap3A, %swap3A_46] : memref<1000x129xf32, #tpu.memory_space<vmem>>, vector<1000x129xf32>
    tpu.vector_store %arg5[%swap3A, %swap3A_46], %concatenate3A {strides = array<i32>} : memref<1000x129xf32, #tpu.memory_space<vmem>>, vector<1000x129xf32>,
    return
  }
  func.func @transform_0(%arg0: i32) -> (i32, i32) {
    %c0_i32 = arith.constant 0 : i32
    %c0_i32_0 = arith.constant 0 : i32
    return %arg0, %c0_i32 : i32, i32
  }
  func.func @transform_1(%arg0: i32) -> (i32, i32) {
    %c0_i32 = arith.constant 0 : i32
    %c0_i32_0 = arith.constant 0 : i32
    return %arg0, %c0_i32 : i32, i32
  }
  func.func @transform_2(%arg0: i32) -> (i32, i32, i32) {
    %c0_i32 = arith.constant 0 : i32
    %c0_i32_0 = arith.constant 0 : i32
    %c0_i32_1 = arith.constant 0 : i32
    return %c0_i32, %arg0, %c0_i32_0 : i32, i32, i32
  }
  func.func @transform_3(%arg0: i32) -> (i32, i32) {
    %c0_i32 = arith.constant 0 : i32
    %c0_i32_0 = arith.constant 0 : i32
    return %arg0, %c0_i32 : i32, i32
  }
  func.func @transform_4(%arg0: i32) -> (i32, i32) {
    %c0_i32 = arith.constant 0 : i32
    %c0_i32_0 = arith.constant 0 : i32
    return %arg0, %c0_i32 : i32, i32
  }
}

</mosaic_0001>

<sc_bundles>
// kernel: kernel.12.cloned.1.call-start
scs
__scs_entry_jumppad:
0x0: {  	(pc) =	sbr.rel $0x88, $3  }
0x1: {  	(tag) =	ssettag $0x0;
	lr =	simm.s32 $0x1  }
0x2: {  	[smem:$0x3F97] =	sst lr;
	_ =	strace $0xD0000000  }
0x3: {  	_ = 	snop  }
0x4: {  	_ = 	snop  }
0x5: {  	_ = 	snop  }
0x6: {  	_ = 	snop  }
0x7: {  	_ = 	snop  }
__scs_overlays_trampoline_lowered:
0x8: {  	[smem:$0x3FA6] =	sst s0  }
0x9: {  	[smem:$0x3FA7] =	sst s1  }
0xa: {  	[smem:$0x3FA8] =	sst s2  }
0xb: {  	[smem:$0x3FA9] =	sst s3  }
0xc: {  	[smem:$0x3FAA] =	sst s4  }
0xd: {  	[smem:$0x3FAB] =	sst s5  }
0xe: {  	[smem:$0x3FAC] =	sst s6  }
0xf: {  	[smem:$0x3FAD] =	sst s7  }
0x10: {  	[smem:$0x3FAE] =	sst s8  }
0x11: {  	[smem:$0x3FAF] =	sst s9;
	s0 =	simm.s32 @!p0 $0x0  }
0x12: {  	s1 =	sld [smem:$0x3F95];
	s0 =	simm.s32 @p0 $0x1  }
0x13: {  	[smem:$0x3FB0] =	sst s0;
	s0 =	simm.s32 @!p1 $0x0  }
0x14: {  	s2 =	sld [smem:$0x3F94];
	s0 =	simm.s32 @p1 $0x1  }
0x15: {  	[smem:$0x3FB1] =	sst s0;
	s0 =	simm.s32 @!p2 $0x0  }
0x16: {  	s3 =	sld [smem:$0x3FDB];
	s0 =	simm.s32 @p2 $0x1  }
0x17: {  	s4 =	simm.s32 $0x1BF5;
	[smem:$0x3FB3] =	sst s0  }
0x18: {  	s0 =	sld [smem:$0x3F96];
	_ =	swait.ge [sflag:s4], $0x0  }
0x19: {  	s7 =	sld [smem:$0x3F97]  }
0x1a: {  	s8 =	sadd.s32 $0xFFFFE003, lr  }
0x1b: {  	s9 =	sadd.s32 $0xFFFFFEF7, lr;
	s5 =	simm.s32 $0xFFFFFFFF;
	p2 =	slt.u32 s8, $0xFFFFF086  }
0x1c: {  	p1 =	slt.u32 s9, $0xF7A;
	s5 =	simm.s32 @!p2 $0x0  }
0x1d: {  	s5 =	simm.s32 @p1 $0x1;
	p0 =	seq.s32 s7, s2  }
0x1e: {  	s7 =	smul.u32 @!p0 $0xF7A, s2;
	p2 =	seq.s32 @!p0 s5, $0x0  }
0x1f: {  	s9 =	smul.u32 $0xF7A, s1;
	s8 =	simm.s32 @!p0 $0x1BF5;
	p2 =	por !p2, p0  }
0x20: {  	[sflag:s8] =	ssyncset.s32 @!p0 $0xFFFFF086;
	s6 =	sadd.s32 @!p0 s3, s7;
	s7 =	simm.s32 @!p0 $0x108  }
0x21: {  	s3 =	sadd.s32 s3, s9;
	s6 =	sadd.s32 @!p0 $0x88, s6;
	s7 =	simm.s32 @p2 $0x1082  }
0x22: {  	[simem:s7], [sflag:s8] =	dma.local @!p0 [hbm:s6], $0xF7A  }
0x23: {  	s9 =	sor.u32 $0xD0000000, s2;
	s6 =	simm.s32 $0x108;
	_ =	swait.ge @!p0 [sflag:s8], $0x0  }
0x24: {  	s3 =	sadd.s32 $0x88, s3;
	s6 =	simm.s32 @!p1 $0x1082;
	[sflag:s4] =	ssyncset.s32 $0xFFFFF086  }
0x25: {  	[simem:s6], [sflag:s4] =	dma.local [hbm:s3], $0xF7A  }
0x26: {  	[smem:$0x3F97] =	sst s1;
	(tag) =	ssettag s2;
	_ =	strace s9  }
0x27: {  	s1 =	sld [smem:$0x3FA7]  }
0x28: {  	s2 =	sld [smem:$0x3FA8]  }
0x29: {  	s4 =	sld [smem:$0x3FAA]  }
0x2a: {  	p0 =	seq.s32 s5, $0x0;
	s5 =	sld [smem:$0x3FAB]  }
0x2b: {  	s6 =	sld [smem:$0x3FAC]  }
0x2c: {  	s7 =	sld [smem:$0x3FAD]  }
0x2d: {  	s3 =	simm.s32 $0x108;
	s8 =	sld [smem:$0x3FAE]  }
0x2e: {  	s3 =	simm.s32 @!p0 $0x1082;
	s9 =	sld [smem:$0x3FAF]  }
0x2f: {  	lr =	sadd.s32 s0, s3;
	s0 =	sld [smem:$0x3FA6]  }
0x30: {  	s3 =	sld [smem:$0x3FA9]  }
0x31: {  	[smem:$0x3FB2] =	sst s10  }
0x32: {  	s10 =	sld [smem:$0x3FB0];
	_ =	sdelay $0x3  }
0x33: {  	p0 =	seq.s32 s10, $0x1;
	s10 =	sld [smem:$0x3FB2];
	_ =	sdelay $0x3  }
0x34: {  	[smem:$0x3FB2] =	sst s10  }
0x35: {  	s10 =	sld [smem:$0x3FB1];
	_ =	sdelay $0x3  }
0x36: {  	p1 =	seq.s32 s10, $0x1;
	s10 =	sld [smem:$0x3FB2];
	_ =	sdelay $0x3  }
0x37: {  	[smem:$0x3FB2] =	sst s10  }
0x38: {  	s10 =	sld [smem:$0x3FB3]  }
0x39: {  	_ = 	snop;
	(pc) =	sbr.ind lr, $3  }
0x3a: {  	_ = 	snop  }
0x3b: {  	_ = 	snop  }
0x3c: {  	p2 =	seq.s32 s10, $0x1;
	s10 =	sld [smem:$0x3FB2]  }
0x3d: {  	_ =	shalt  }
0x3e: {  	_ =	shalt  }
0x3f: {  	_ =	shalt  }
0x40: {  	_ =	shalt  }
0x41: {  	_ =	shalt  }
0x42: {  	_ =	shalt  }
0x43: {  	_ =	shalt  }
0x44: {  	_ =	shalt  }
0x45: {  	_ =	shalt  }
0x46: {  	_ =	shalt  }
0x47: {  	_ =	shalt  }
0x48: {  	_ =	shalt  }
0x49: {  	_ =	shalt  }
0x4a: {  	_ =	shalt  }
0x4b: {  	_ =	shalt  }
0x4c: {  	_ =	shalt  }
0x4d: {  	_ =	shalt  }
0x4e: {  	_ =	shalt  }
0x4f: {  	_ =	shalt  }
0x50: {  	_ =	shalt  }
0x51: {  	_ =	shalt  }
0x52: {  	_ =	shalt  }
0x53: {  	_ =	shalt  }
0x54: {  	_ =	shalt  }
0x55: {  	_ =	shalt  }
0x56: {  	_ =	shalt  }
0x57: {  	_ =	shalt  }
0x58: {  	_ =	shalt  }
0x59: {  	_ =	shalt  }
0x5a: {  	_ =	shalt  }
0x5b: {  	_ =	shalt  }
0x5c: {  	_ =	shalt  }
0x5d: {  	_ =	shalt  }
0x5e: {  	_ =	shalt  }
0x5f: {  	_ =	shalt  }
0x60: {  	_ =	shalt  }
0x61: {  	_ =	shalt  }
0x62: {  	_ =	shalt  }
0x63: {  	_ =	shalt  }
0x64: {  	_ =	shalt  }
0x65: {  	_ =	shalt  }
0x66: {  	_ =	shalt  }
0x67: {  	_ =	shalt  }
0x68: {  	_ =	shalt  }
0x69: {  	_ =	shalt  }
0x6a: {  	_ =	shalt  }
0x6b: {  	_ =	shalt  }
0x6c: {  	_ =	shalt  }
0x6d: {  	_ =	shalt  }
0x6e: {  	_ =	shalt  }
0x6f: {  	_ =	shalt  }
0x70: {  	_ =	shalt  }
0x71: {  	_ =	shalt  }
0x72: {  	_ =	shalt  }
0x73: {  	_ =	shalt  }
0x74: {  	_ =	shalt  }
0x75: {  	_ =	shalt  }
0x76: {  	_ =	shalt  }
0x77: {  	_ =	shalt  }
0x78: {  	_ =	shalt  }
0x79: {  	_ =	shalt  }
0x7a: {  	_ =	shalt  }
0x7b: {  	_ =	shalt  }
0x7c: {  	_ =	shalt  }
0x7d: {  	_ =	shalt  }
0x7e: {  	_ =	shalt  }
0x7f: {  	_ =	shalt  }
0x80: {  	_ =	shalt  }
0x81: {  	_ =	shalt  }
0x82: {  	_ =	shalt  }
0x83: {  	_ =	shalt  }
0x84: {  	_ =	shalt  }
0x85: {  	_ =	shalt  }
0x86: {  	_ =	shalt  }
0x87: {  	_ =	shalt  }
.Lfunc_end0:
.L_simem_size_0:
called_computation.1_lowered:
.L_overlay_start_0:
0x88: {  	s2 =	sld [smem:$0x3FD9]  }
0x89: {  	s3 =	sld [smem:$0x3FFE];
	_ =	sdelay $0x1  }
0x8a: {  	s1 =	srdreg.scid  }
0x8b: {  	s0 =	sand.u32 $0x1, s1  }
0x8c: {  	s17 =	sshll.u32 s0, $0xA;
	s2 =	sadd.s32 s3, s2  }
0x8d: {  	s2 =	sadd.s32 s2, s17  }
0x8e: {  	[smem:$0x3FBE] =	sst s2  }
0x8f: {  	_ = 	snop  }
0x90: {  	s2 =	sld [smem:$0x3FD0];
	(tm) =	ssettm $0x1  }
0x91: {  	s18 =	sld [smem:$0x3FFB];
	_ =	sdelay $0x3  }
0x92: {  	_ =	strace s18  }
0x93: {  	s3 =	sld [smem:$0x3FFC];
	_ =	sdelay $0x3  }
0x94: {  	_ =	strace s3  }
0x95: {  	s3 =	sld [smem:$0x3FFD];
	_ =	sdelay $0x3  }
0x96: {  	_ =	strace s3  }
0x97: {  	_ =	strace $0x8FFFFFFF  }
0x98: {  	s19 =	sld [smem:$0x3FDB];
	_ =	sdelay $0x1  }
0x99: {  	s4 =	simm.s32 $_scs_section_size  }
0x9a: {  	s5 =	simm.s32 $_size__tile_overlayer_lowered;
	s6 =	simm.s32 $_tile_overlayer_lowered  }
0x9b: {  	s22 =	simm.s32 $0x1BFF;
	s21 =	sshll.u32 s6, $0x1;
	s3 =	sadd.s32 s4, s19  }
0x9c: {  	s7 =	simm.s32 $0x0;
	s20 =	sshll.u32 s5, $0x1;
	s5 =	sadd.s32 s21, s3  }
0x9d: {  	[timem:s7], [sflag:s22] =	dma.local [hbm:s5], s20  }
0x9e: {  	_ =	swait.ge [sflag:s22], s20  }
0x9f: {  	s4 =	ssub.s32 $0x0, s20;
	[sflag:s22] =	ssyncset.done $0x0  }
0xa0: {  	[sflag:s22] =	ssyncadd.s32 s4;
	_ =	sdelay $0x1  }
0xa1: {  	s23 =	simm.s32 $0x1B8B  }
0xa2: {  	_ =	swait.ge [sflag:s23], $0x1  }
0xa3: {  	[sflag:s23] =	ssyncset.done $0x0  }
0xa4: {  	s25 =	simm.s32 $0x1B8E;
	s24 =	sld [smem:$0x3FFE];
	[sflag:s23] =	ssyncadd.s32 $0xFFFFFFFF  }
0xa5: {  	s26 =	simm.s32 $execute0_lowered;
	[smem:$0x3FD2] =	sst s25  }
0xa6: {  	s5 =	sshll.u32 s26, $0x1;
	_ =	strace $0x80000049;
	[dreg:$0x1] =	wrdreg $0xFFFFFFFF  }
0xa7: {  	s28 =	simm.s32 $_size_execute0_lowered;
	s3 =	sadd.s32 s3, s5;
	[dreg:$0x0] =	wrdreg $0x0  }
0xa8: {  	s5 =	sshll.u32 s28, $0x1;
	[dreg:$0x2] =	wrdreg s3  }
0xa9: {  	[dreg:$0x3] =	wrdreg s5  }
0xaa: {  	[dreg:$0x4] =	wrdreg $0xC0  }
0xab: {  	_ =	task [dreg:s7], $0x5FFFF  }
0xac: {  	[dreg:$0x1] =	wrdreg $0xFFFFFFFF  }
0xad: {  	[dreg:$0x0] =	wrdreg $0x60  }
0xae: {  	[dreg:$0x2] =	wrdreg s24  }
0xaf: {  	[dreg:$0x3] =	wrdreg s2  }
0xb0: {  	[dreg:$0x4] =	wrdreg $0x0  }
0xb1: {  	[dreg:$0x5] =	wrdreg $0x9  }
0xb2: {  	_ =	task.clear_ibuf [dreg:s7], $0x6FFFF;
	_ =	strace $0x90000049  }
0xb3: {  	s29 =	simm.s32 $0x9;
	_ =	strace $0x8000004B  }
0xb4: {  	_ =	swait.ge [sflag:s29], $0x1  }
0xb5: {  	[sflag:s29] =	ssyncadd.s32 $0xFFFFFFFF  }
0xb6: {  	_ =	strace $0x9000004B  }
0xb7: {  	_ =	sfence  }
0xb8: {  	s30 =	sld [smem:$0x0];
	_ =	sdelay $0x2  }
0xb9: {  	s31 =	sshll.u32 s1, $0xD;
	s1 =	sshrl.u32 s1, $0x2  }
0xba: {  	s3 =	sand.u32 $0x4000, s31;
	s1 =	sadd.s32 s1, s30  }
0xbb: {  	s0 =	sor.u32 s3, s0;
	s1 =	sshll.u32 s1, $0x11  }
0xbc: {  	s0 =	sor.u32 s1, s0  }
0xbd: {  	s0 =	sadd.s32 $0x8F2B, s0  }
0xbe: {  	[sflag:s0] =	ssyncadd.remote.s32 $0x1  }
0xbf: {  	_ =	sfence.sel $0xFFFF  }
0xc0: {  	[dreg:$0x0] =	wrdreg $0xFFFFFFFF;
	(pc) =	sbr.abs _section_cstart, $3  }
0xc1: {  	[dreg:$0x1] =	wrdreg $0xFFFFFFFF  }
0xc2: {  	_ =	task.clear_ibuf [dreg:s7], $0x2FFFF;
	_ =	strace $0x9FFFFFFF  }
0xc3: {  	(tm) =	ssettm $0x7FFFFFFF  }
tec
execute0_lowered:
.L_overlay_start_1:
0x0: {  	(tag) =	ssettag $0x1  }
0x1: {  	s0 =	rddreg [dreg:$0x0]  }
0x2: {  	s1 =	rddreg [dreg:$0x1];
	s3 =	srdreg.scid  }
0x3: {  	s13 =	stileid.u32;
	s2 =	rddreg [dreg:$0x2]  }
0x4: {  	s28 =	simm.s32 $0x19000;
	s29 =	simm.s32 $0x4;
	s6 =	smul.u32 $0x14000, s13  }
0x5: {  	s30 =	simm.s32 $0x1;
	s5 =	sand.u32 $0x1, s3;
	s9 =	smul.u32 $0x50000, s13  }
0x6: {  	s3 =	simm.s32 $0x0;
	s4 =	sadd.s32 $0x17A00, s0;
	s23 =	smul.u32 $0xA, s13  }
0x7: {  	s8 =	sadd.s32 $0x3A00, s0;
	s10 =	sadd.s32 $0xDA00, s0;
	s24 =	smul.u32 $0x500, s13  }
0x8: {  	s17 =	sshll.u32 s13, $0x6;
	s7 =	smul.u32 $0x140000, s5;
	[smem:$0x7FF] =	sst s3  }
0x9: {  	s15 =	ssub.s32 $0x2, s5;
	s12 =	sshll.u32 s5, $0x4;
	s18 =	smul.u32 $0x5000, s5  }
0xa: {  	s20 =	sor.u32 $0x1C05, s17;
	s5 =	smul.u32 $0xA0, s5;
	s17 =	simm.s32 $0x14F00  }
0xb: {  	_ =	strace $0x8000004A;
	s11 =	sshrl.u32 s15, $0x1;
	s9 =	sshrl.u32 s9, $0x2  }
0xc: {  	s16 =	sor.u32 s13, s12;
	s12 =	simm.s32 $0x14E80;
	[dreg:$0x5] =	wrdreg s20  }
0xd: {  	s7 =	sadd.s32 s6, s7;
	s9 =	sadd.s32 s9, s2;
	s6 =	sshrl.u32 s6, $0x3  }
0xe: {  	s26 =	sadd.s32 s18, s10;
	s5 =	sadd.s32 s23, s5;
	s23 =	simm.s32 $0x14F80  }
0xf: {  	s7 =	sshrl.u32 s7, $0x3;
	s1 =	sadd.s32 s1, s6;
	s5 =	sshll.u32 s5, $0x7  }
0x10: {  	s0 =	sadd.s32 s7, s0;
	s7 =	ssub.s32 s15, s11;
	s11 =	smul.u32 $0x500, s16  }
0x11: {  	[dreg:$0x4] =	wrdreg s1;
	s1 =	sadd.s32 s18, s8;
	s31 =	sadd.s32 $0x100, s5  }
0x12: {  	s18 =	simm.s32 $0x5;
	s5 =	simm.s32 $0x14D00;
	s0 =	sadd.s32 $0x3EC00, s0  }
0x13: {  	s25 =	smax.u32 s7, $0x1;
	s15 =	sadd.s32 s31, s8;
	s16 =	sadd.s32 s31, s10  }
0x14: {  	s7 =	simm.s32 $0x14A00;
	s19 =	sadd.s32 s8, s11;
	[dreg:$0xa] =	wrdreg s0  }
0x15: {  	s21 =	sor.u32 $0x80, s11;
	s11 =	sadd.s32 s10, s11;
	[dreg:$0xb] =	wrdreg s25  }
0x16: {  	s0 =	sadd.s32 s24, s1;
	s25 =	simm.s32 $0x15000;
	[dreg:$0x6] =	wrdreg s19  }
0x17: {  	s1 =	simm.s32 $0x2;
	[dreg:$0x7] =	wrdreg s11;
	s22 =	sadd.s32 s8, s21  }
0x18: {  	s6 =	sadd.s32 s10, s21;
	s14 =	sadd.s32 $0x180, s0;
	s21 =	simm.s32 $0x14800  }
.Ltmp0:
0x19: {  	s8 =	simm.s32 $0x14D80;
	s10 =	simm.s32 $0x14E00;
	(pc) =	sbr.rel .LBB2_1-.Ltmp0, $4  }
0x1a: {  	s11 =	simm.s32 $0x14B00;
	s0 =	simm.s32 $0x0;
	[dreg:$0x8] =	wrdreg s22  }
0x1b: {  	[dreg:$0x9] =	wrdreg s6;
	s6 =	sadd.s32 s24, s26;
	s26 =	sshrl.u32 s9, $0x3  }
0x1c: {  	s22 =	simm.s32 $0x14C00;
	s24 =	simm.s32 $0x80;
	s9 =	simm.s32 $0x14A80  }
0x1d: {  	s13 =	sadd.s32 $0x180, s6;
	s6 =	simm.s32 $0x14B80;
	[dreg:$0xc] =	wrdreg s26  }
.LBB2_4:
0x1e: {  	_ =	swait.ge [sflag:s1], $0x4000  }
0x1f: {  	[sflag:s1] =	ssyncset.done $0x0  }
0x20: {  	[sflag:s1] =	ssyncadd.s32 $0xFFFFC000  }
0x21: {  	[spmem:s2] =	stream.indirect.scatter.add.f32 [tilespmem:s28], [sflag:$0x5], $0x80, s23, s24, $0xb8;
	[tilespmem:$0x1D000] =	vst v63  }
0x22: {  	_ =	swait.ge [sflag:s18], $0x4000  }
0x23: {  	[sflag:s18] =	ssyncset.done $0x0  }
0x24: {  	[sflag:s18] =	ssyncadd.s32 $0xFFFFC000  }
0x25: {  	[bflag:$0x0] =	sbarrier.arrive $0xFFFF  }
0x26: {  	s20 =	rddreg [dreg:$0x5]  }
0x27: {  	s19 =	rddreg [dreg:$0xa]  }
0x28: {  	s26 =	rddreg [dreg:$0xc]  }
0x29: {  	[hbm:s19], [sflag:s20] =	dma.local [spmem:s26], $0x2800  }
0x2a: {  	_ =	swait.ge [sflag:s18], $0x2800  }
0x2b: {  	s0 =	rddreg [dreg:$0xd]  }
0x2c: {  	s31 =	rddreg [dreg:$0xb];
	s0 =	sadd.s32 $0x1, s0  }
0x2d: {  	p0 =	sne.s32 s0, s31  }
.Ltmp1:
0x2e: {  	_ = 	snop;
	(pc) =	sbr.rel @!p0 .LBB2_5-.Ltmp1, $3  }
0x2f: {  	_ =	sdelay $0x1  }
0x30: {  	[sflag:s18] =	ssyncset.done $0x0  }
0x31: {  	[sflag:s18] =	ssyncadd.s32 $0xFFFFD800  }
.LBB2_1:
0x32: {  	[dreg:$0xd] =	wrdreg s0  }
0x33: {  	s19 =	rddreg [dreg:$0x4]  }
0x34: {  	[spmem:s26], [sflag:s20] =	dma.local [hbm:s19], $0x2800  }
0x35: {  	_ =	swait.ge [sflag:s18], $0x2800  }
0x36: {  	[sflag:s18] =	ssyncset.done $0x0  }
0x37: {  	[sflag:s18] =	ssyncadd.s32 $0xFFFFD800  }
0x38: {  	[bflag:$0x0] =	sbarrier.arrive $0xFFFF  }
0x39: {  	s20 =	simm.s32 $0x14000;
	s31 =	rddreg [dreg:$0x6]  }
0x3a: {  	[tilespmem:s20], [sflag:$0x3] =	stream.linear.gather [hbm4b:s31+s3], $0x400, $0x38;
	[tilespmem:$0x1D000] =	vst v63  }
0x3b: {  	s26 =	simm.s32 $0x14400;
	s0 =	rddreg [dreg:$0x7]  }
0x3c: {  	[tilespmem:s26], [sflag:$0x3] =	stream.linear.gather [hbm4b:s0+s3], $0x400, $0x38;
	[tilespmem:$0x1D000] =	vst v63  }
0x3d: {  	s31 =	rddreg [dreg:$0x8]  }
0x3e: {  	[tilespmem:s21], [sflag:$0x4] =	stream.linear.gather [hbm4b:s31+s3], $0x400, $0x38;
	[tilespmem:$0x1D000] =	vst v63  }
0x3f: {  	s0 =	rddreg [dreg:$0x9];
	s26 =	simm.s32 $0x3  }
0x40: {  	[tilespmem:s22], [sflag:$0x4] =	stream.linear.gather [hbm4b:s0+s3], $0x400, $0x38;
	[tilespmem:$0x1D000] =	vst v63  }
0x41: {  	_ =	swait.ge [sflag:s26], $0x400  }
0x42: {  	[sflag:s26] =	ssyncset.done $0x0  }
0x43: {  	[sflag:s26] =	ssyncadd.s32 $0xFFFFFC00  }
0x44: {  	_ =	swait.ge [sflag:s26], $0x400  }
0x45: {  	[sflag:s26] =	ssyncset.done $0x0  }
0x46: {  	[sflag:s26] =	ssyncadd.s32 $0xFFFFFC00  }
0x47: {  	[tilespmem:s25], [sflag:$0x1] =	stream.indirect.gather [hbm4b:s4+s24], $0x80, s20, s24, $0xb8;
	[tilespmem:$0x1D000] =	vst v63  }
0x48: {  	s31 =	simm.s32 $0x14080;
	s0 =	simm.s32 $0x14000;
	s26 =	simm.s32 $0x0  }
0x49: {  	[tilespmem:s28], [sflag:$0x2] =	stream.indirect.gather [hbm4b:s4+s24], $0x80, s31, s24, $0xb8;
	[tilespmem:$0x1D000] =	vst v63  }
.LBB2_2:
0x4a: {  	_ =	swait.ge [sflag:s29], $0x400  }
0x4b: {  	[sflag:s29] =	ssyncset.done $0x0  }
0x4c: {  	[sflag:s29] =	ssyncadd.s32 $0xFFFFFC00  }
0x4d: {  	_ =	swait.ge [sflag:s29], $0x400  }
0x4e: {  	[sflag:s29] =	ssyncset.done $0x0  }
0x4f: {  	[sflag:s29] =	ssyncadd.s32 $0xFFFFFC00  }
0x50: {  	_ =	swait.ge [sflag:s30], $0x4000  }
0x51: {  	[sflag:s30] =	ssyncset.done $0x0  }
0x52: {  	s19 =	simm.s32 $0x14400;
	[sflag:s30] =	ssyncadd.s32 $0xFFFFC000  }
0x53: {  	[spmem:s2] =	stream.indirect.scatter.add.f32 [tilespmem:s25], [sflag:$0x5], $0x80, s19, s24, $0xb8;
	[tilespmem:$0x1D000] =	vst v63  }
0x54: {  	_ =	swait.ge [sflag:s18], $0x4000  }
0x55: {  	[sflag:s18] =	ssyncset.done $0x0  }
0x56: {  	s31 =	simm.s32 $0x14100;
	[sflag:s18] =	ssyncadd.s32 $0xFFFFC000  }
0x57: {  	[tilespmem:s25], [sflag:$0x1] =	stream.indirect.gather [hbm4b:s4+s24], $0x80, s31, s24, $0xb8;
	[tilespmem:$0x1D000] =	vst v63  }
0x58: {  	_ =	swait.ge [sflag:s1], $0x4000  }
0x59: {  	[sflag:s1] =	ssyncset.done $0x0  }
0x5a: {  	s20 =	simm.s32 $0x14480;
	[sflag:s1] =	ssyncadd.s32 $0xFFFFC000  }
0x5b: {  	[spmem:s2] =	stream.indirect.scatter.add.f32 [tilespmem:s28], [sflag:$0x5], $0x80, s20, s24, $0xb8;
	[tilespmem:$0x1D000] =	vst v63  }
0x5c: {  	_ =	swait.ge [sflag:s18], $0x4000  }
0x5d: {  	[sflag:s18] =	ssyncset.done $0x0  }
0x5e: {  	s31 =	simm.s32 $0x14180;
	[sflag:s18] =	ssyncadd.s32 $0xFFFFC000  }
0x5f: {  	[tilespmem:s28], [sflag:$0x2] =	stream.indirect.gather [hbm4b:s4+s24], $0x80, s31, s24, $0xb8;
	[tilespmem:$0x1D000] =	vst v63  }
0x60: {  	_ =	swait.ge [sflag:s30], $0x4000  }
0x61: {  	[sflag:s30] =	ssyncset.done $0x0  }
0x62: {  	s20 =	simm.s32 $0x14500;
	[sflag:s30] =	ssyncadd.s32 $0xFFFFC000  }
0x63: {  	[spmem:s2] =	stream.indirect.scatter.add.f32 [tilespmem:s25], [sflag:$0x5], $0x80, s20, s24, $0xb8;
	[tilespmem:$0x1D000] =	vst v63  }
0x64: {  	_ =	swait.ge [sflag:s18], $0x4000  }
0x65: {  	[sflag:s18] =	ssyncset.done $0x0  }
0x66: {  	s31 =	simm.s32 $0x14200;
	[sflag:s18] =	ssyncadd.s32 $0xFFFFC000  }
0x67: {  	[tilespmem:s25], [sflag:$0x1] =	stream.indirect.gather [hbm4b:s4+s24], $0x80, s31, s24, $0xb8;
	[tilespmem:$0x1D000] =	vst v63  }
0x68: {  	_ =	swait.ge [sflag:s1], $0x4000  }
0x69: {  	[sflag:s1] =	ssyncset.done $0x0  }
0x6a: {  	s20 =	simm.s32 $0x14580;
	[sflag:s1] =	ssyncadd.s32 $0xFFFFC000  }
0x6b: {  	[spmem:s2] =	stream.indirect.scatter.add.f32 [tilespmem:s28], [sflag:$0x5], $0x80, s20, s24, $0xb8;
	[tilespmem:$0x1D000] =	vst v63  }
0x6c: {  	_ =	swait.ge [sflag:s18], $0x4000  }
0x6d: {  	[sflag:s18] =	ssyncset.done $0x0  }
0x6e: {  	s31 =	simm.s32 $0x14280;
	[sflag:s18] =	ssyncadd.s32 $0xFFFFC000  }
0x6f: {  	[tilespmem:s28], [sflag:$0x2] =	stream.indirect.gather [hbm4b:s4+s24], $0x80, s31, s24, $0xb8;
	[tilespmem:$0x1D000] =	vst v63  }
0x70: {  	_ =	swait.ge [sflag:s30], $0x4000  }
0x71: {  	[sflag:s30] =	ssyncset.done $0x0  }
0x72: {  	s20 =	simm.s32 $0x14600;
	[sflag:s30] =	ssyncadd.s32 $0xFFFFC000  }
0x73: {  	[spmem:s2] =	stream.indirect.scatter.add.f32 [tilespmem:s25], [sflag:$0x5], $0x80, s20, s24, $0xb8;
	[tilespmem:$0x1D000] =	vst v63  }
0x74: {  	_ =	swait.ge [sflag:s18], $0x4000  }
0x75: {  	[sflag:s18] =	ssyncset.done $0x0  }
0x76: {  	s31 =	simm.s32 $0x14300;
	[sflag:s18] =	ssyncadd.s32 $0xFFFFC000  }
0x77: {  	[tilespmem:s25], [sflag:$0x1] =	stream.indirect.gather [hbm4b:s4+s24], $0x80, s31, s24, $0xb8;
	[tilespmem:$0x1D000] =	vst v63  }
0x78: {  	_ =	swait.ge [sflag:s1], $0x4000  }
0x79: {  	[sflag:s1] =	ssyncset.done $0x0  }
0x7a: {  	s20 =	simm.s32 $0x14680;
	[sflag:s1] =	ssyncadd.s32 $0xFFFFC000  }
0x7b: {  	[spmem:s2] =	stream.indirect.scatter.add.f32 [tilespmem:s28], [sflag:$0x5], $0x80, s20, s24, $0xb8;
	[tilespmem:$0x1D000] =	vst v63  }
0x7c: {  	_ =	swait.ge [sflag:s18], $0x4000  }
0x7d: {  	[sflag:s18] =	ssyncset.done $0x0  }
0x7e: {  	s31 =	simm.s32 $0x14380;
	[sflag:s18] =	ssyncadd.s32 $0xFFFFC000  }
0x7f: {  	[tilespmem:s28], [sflag:$0x2] =	stream.indirect.gather [hbm4b:s4+s24], $0x80, s31, s24, $0xb8;
	[tilespmem:$0x1D000] =	vst v63  }
0x80: {  	_ =	swait.ge [sflag:s30], $0x4000  }
0x81: {  	[sflag:s30] =	ssyncset.done $0x0  }
0x82: {  	s20 =	simm.s32 $0x14700;
	[sflag:s30] =	ssyncadd.s32 $0xFFFFC000  }
0x83: {  	[spmem:s2] =	stream.indirect.scatter.add.f32 [tilespmem:s25], [sflag:$0x5], $0x80, s20, s24, $0xb8;
	[tilespmem:$0x1D000] =	vst v63  }
0x84: {  	_ =	swait.ge [sflag:s18], $0x4000  }
0x85: {  	[sflag:s18] =	ssyncset.done $0x0  }
0x86: {  	[sflag:s18] =	ssyncadd.s32 $0xFFFFC000  }
0x87: {  	[tilespmem:s25], [sflag:$0x1] =	stream.indirect.gather [hbm4b:s4+s24], $0x80, s21, s24, $0xb8;
	[tilespmem:$0x1D000] =	vst v63  }
0x88: {  	_ =	swait.ge [sflag:s1], $0x4000  }
0x89: {  	[sflag:s1] =	ssyncset.done $0x0  }
0x8a: {  	s31 =	simm.s32 $0x14780;
	[sflag:s1] =	ssyncadd.s32 $0xFFFFC000  }
0x8b: {  	[spmem:s2] =	stream.indirect.scatter.add.f32 [tilespmem:s28], [sflag:$0x5], $0x80, s31, s24, $0xb8;
	[tilespmem:$0x1D000] =	vst v63  }
0x8c: {  	_ =	swait.ge [sflag:s18], $0x4000  }
0x8d: {  	[sflag:s18] =	ssyncset.done $0x0  }
0x8e: {  	p0 =	seq.s32 s26, $0x400;
	s20 =	simm.s32 $0x14880;
	[sflag:s18] =	ssyncadd.s32 $0xFFFFC000  }
0x8f: {  	[tilespmem:s28], [sflag:$0x2] =	stream.indirect.gather [hbm4b:s4+s24], $0x80, s20, s24, $0xb8;
	[tilespmem:$0x1D000] =	vst v63  }
0x90: {  	s19 =	sadd.s32 @!p0 s26, s15;
	s31 =	simm.s32 @!p0 $0x14000;
	s20 =	simm.s32 @!p0 $0x0  }
0x91: {  	[tilespmem:s31], [sflag:$0x3] =	stream.linear.gather @!p0 [hbm4b:s19+s20], $0x400, $0x38;
	[tilespmem:$0x1D000] =	vst v63  }
0x92: {  	s19 =	sadd.s32 @!p0 s26, s16;
	s31 =	simm.s32 @!p0 $0x14400  }
0x93: {  	[tilespmem:s31], [sflag:$0x3] =	stream.linear.gather @!p0 [hbm4b:s19+s20], $0x400, $0x38;
	[tilespmem:$0x1D000] =	vst v63  }
0x94: {  	s19 =	simm.s32 @!p0 $0x3  }
0x95: {  	_ =	swait.ge @!p0 [sflag:s19], $0x400  }
0x96: {  	[sflag:s19] =	ssyncset.done @!p0 $0x0  }
0x97: {  	[sflag:s19] =	ssyncadd.s32 @!p0 $0xFFFFFC00  }
0x98: {  	_ =	swait.ge @!p0 [sflag:s19], $0x400  }
0x99: {  	[sflag:s19] =	ssyncset.done @!p0 $0x0  }
0x9a: {  	[sflag:s19] =	ssyncadd.s32 @!p0 $0xFFFFFC00  }
0x9b: {  	_ =	swait.ge [sflag:s30], $0x4000  }
0x9c: {  	[sflag:s30] =	ssyncset.done $0x0  }
0x9d: {  	[sflag:s30] =	ssyncadd.s32 $0xFFFFC000  }
0x9e: {  	[spmem:s2] =	stream.indirect.scatter.add.f32 [tilespmem:s25], [sflag:$0x5], $0x80, s22, s24, $0xb8;
	[tilespmem:$0x1D000] =	vst v63  }
0x9f: {  	_ =	swait.ge [sflag:s18], $0x4000  }
0xa0: {  	[sflag:s18] =	ssyncset.done $0x0  }
0xa1: {  	s31 =	simm.s32 $0x14900;
	[sflag:s18] =	ssyncadd.s32 $0xFFFFC000  }
0xa2: {  	[tilespmem:s25], [sflag:$0x1] =	stream.indirect.gather [hbm4b:s4+s24], $0x80, s31, s24, $0xb8;
	[tilespmem:$0x1D000] =	vst v63  }
0xa3: {  	_ =	swait.ge [sflag:s1], $0x4000  }
0xa4: {  	[sflag:s1] =	ssyncset.done $0x0  }
0xa5: {  	s20 =	simm.s32 $0x14C80;
	[sflag:s1] =	ssyncadd.s32 $0xFFFFC000  }
0xa6: {  	[spmem:s2] =	stream.indirect.scatter.add.f32 [tilespmem:s28], [sflag:$0x5], $0x80, s20, s24, $0xb8;
	[tilespmem:$0x1D000] =	vst v63  }
0xa7: {  	_ =	swait.ge [sflag:s18], $0x4000  }
0xa8: {  	[sflag:s18] =	ssyncset.done $0x0  }
0xa9: {  	s31 =	simm.s32 $0x14980;
	[sflag:s18] =	ssyncadd.s32 $0xFFFFC000  }
0xaa: {  	[tilespmem:s28], [sflag:$0x2] =	stream.indirect.gather [hbm4b:s4+s24], $0x80, s31, s24, $0xb8;
	[tilespmem:$0x1D000] =	vst v63  }
0xab: {  	_ =	swait.ge [sflag:s30], $0x4000  }
0xac: {  	[sflag:s30] =	ssyncset.done $0x0  }
0xad: {  	[sflag:s30] =	ssyncadd.s32 $0xFFFFC000  }
0xae: {  	[spmem:s2] =	stream.indirect.scatter.add.f32 [tilespmem:s25], [sflag:$0x5], $0x80, s5, s24, $0xb8;
	[tilespmem:$0x1D000] =	vst v63  }
0xaf: {  	_ =	swait.ge [sflag:s18], $0x4000  }
0xb0: {  	[sflag:s18] =	ssyncset.done $0x0  }
0xb1: {  	[sflag:s18] =	ssyncadd.s32 $0xFFFFC000  }
0xb2: {  	[tilespmem:s25], [sflag:$0x1] =	stream.indirect.gather [hbm4b:s4+s24], $0x80, s7, s24, $0xb8;
	[tilespmem:$0x1D000] =	vst v63  }
0xb3: {  	_ =	swait.ge [sflag:s1], $0x4000  }
0xb4: {  	[sflag:s1] =	ssyncset.done $0x0  }
0xb5: {  	[sflag:s1] =	ssyncadd.s32 $0xFFFFC000  }
0xb6: {  	[spmem:s2] =	stream.indirect.scatter.add.f32 [tilespmem:s28], [sflag:$0x5], $0x80, s8, s24, $0xb8;
	[tilespmem:$0x1D000] =	vst v63  }
0xb7: {  	_ =	swait.ge [sflag:s18], $0x4000  }
0xb8: {  	[sflag:s18] =	ssyncset.done $0x0  }
0xb9: {  	[sflag:s18] =	ssyncadd.s32 $0xFFFFC000  }
0xba: {  	[tilespmem:s28], [sflag:$0x2] =	stream.indirect.gather [hbm4b:s4+s24], $0x80, s9, s24, $0xb8;
	[tilespmem:$0x1D000] =	vst v63  }
0xbb: {  	_ =	swait.ge [sflag:s30], $0x4000  }
0xbc: {  	[sflag:s30] =	ssyncset.done $0x0  }
0xbd: {  	[sflag:s30] =	ssyncadd.s32 $0xFFFFC000  }
0xbe: {  	[spmem:s2] =	stream.indirect.scatter.add.f32 [tilespmem:s25], [sflag:$0x5], $0x80, s10, s24, $0xb8;
	[tilespmem:$0x1D000] =	vst v63  }
0xbf: {  	_ =	swait.ge [sflag:s18], $0x4000  }
0xc0: {  	[sflag:s18] =	ssyncset.done $0x0  }
0xc1: {  	[sflag:s18] =	ssyncadd.s32 $0xFFFFC000  }
0xc2: {  	[tilespmem:s25], [sflag:$0x1] =	stream.indirect.gather [hbm4b:s4+s24], $0x80, s11, s24, $0xb8;
	[tilespmem:$0x1D000] =	vst v63  }
0xc3: {  	_ =	swait.ge [sflag:s1], $0x4000  }
0xc4: {  	[sflag:s1] =	ssyncset.done $0x0  }
0xc5: {  	[sflag:s1] =	ssyncadd.s32 $0xFFFFC000  }
0xc6: {  	[spmem:s2] =	stream.indirect.scatter.add.f32 [tilespmem:s28], [sflag:$0x5], $0x80, s12, s24, $0xb8;
	[tilespmem:$0x1D000] =	vst v63  }
0xc7: {  	_ =	swait.ge [sflag:s18], $0x4000  }
0xc8: {  	[sflag:s18] =	ssyncset.done $0x0  }
0xc9: {  	[sflag:s18] =	ssyncadd.s32 $0xFFFFC000  }
0xca: {  	[tilespmem:s28], [sflag:$0x2] =	stream.indirect.gather [hbm4b:s4+s24], $0x80, s6, s24, $0xb8;
	[tilespmem:$0x1D000] =	vst v63  }
0xcb: {  	_ =	swait.ge [sflag:s30], $0x4000  }
0xcc: {  	[sflag:s30] =	ssyncset.done $0x0  }
.Ltmp2:
0xcd: {  	[sflag:s30] =	ssyncadd.s32 $0xFFFFC000;
	(pc) =	sbr.rel @p0 .LBB2_4-.Ltmp2, $4  }
0xce: {  	[spmem:s2] =	stream.indirect.scatter.add.f32 [tilespmem:s25], [sflag:$0x5], $0x80, s17, s24, $0xb8;
	[tilespmem:$0x1D000] =	vst v63  }
0xcf: {  	_ =	swait.ge [sflag:s18], $0x4000  }
0xd0: {  	[sflag:s18] =	ssyncset.done $0x0  }
0xd1: {  	[sflag:s18] =	ssyncadd.s32 $0xFFFFC000  }
0xd2: {  	[tilespmem:s25], [sflag:$0x1] =	stream.indirect.gather [hbm4b:s4+s24], $0x80, s0, s24, $0xb8;
	[tilespmem:$0x1D000] =	vst v63  }
0xd3: {  	_ =	swait.ge [sflag:s1], $0x4000  }
0xd4: {  	[sflag:s1] =	ssyncset.done $0x0  }
0xd5: {  	[sflag:s1] =	ssyncadd.s32 $0xFFFFC000  }
0xd6: {  	[spmem:s2] =	stream.indirect.scatter.add.f32 [tilespmem:s28], [sflag:$0x5], $0x80, s23, s24, $0xb8;
	[tilespmem:$0x1D000] =	vst v63  }
0xd7: {  	_ =	swait.ge [sflag:s18], $0x4000  }
0xd8: {  	[sflag:s18] =	ssyncset.done $0x0  }
0xd9: {  	s19 =	simm.s32 $0x14080;
	[sflag:s18] =	ssyncadd.s32 $0xFFFFC000  }
0xda: {  	[tilespmem:s28], [sflag:$0x2] =	stream.indirect.gather [hbm4b:s4+s24], $0x80, s19, s24, $0xb8;
	[tilespmem:$0x1D000] =	vst v63  }
.Ltmp3:
0xdb: {  	_ = 	snop;
	(pc) =	sbr.rel .LBB2_2-.Ltmp3, $4  }
0xdc: {  	s20 =	sadd.s32 s26, s14  }
0xdd: {  	[tilespmem:s21], [sflag:$0x4] =	stream.linear.gather [hbm4b:s20+s3], $0x400, $0x38;
	[tilespmem:$0x1D000] =	vst v63  }
0xde: {  	s31 =	sadd.s32 s26, s13;
	s26 =	sadd.s32 $0x100, s26  }
0xdf: {  	[tilespmem:s22], [sflag:$0x4] =	stream.linear.gather [hbm4b:s31+s3], $0x400, $0x38;
	[tilespmem:$0x1D000] =	vst v63  }
.LBB2_5:
0xe0: {  	_ =	sfence.sel $0x180000  }
0xe1: {  	[bflag:$0x0] =	sbarrier.arrive $0xFFFF  }
0xe2: {  	_ =	strace $0x9000004A  }
0xe3: {  	s0 =	stileid.u32;
	[bflag:$0x2] =	sbarrier.arrive $0xFFFF  }
0xe4: {  	p0 =	sne.s32 s0, $0x0;
	s0 =	rddreg [dreg:$0x3]  }
0xe5: {  	s0 =	sadd.s32 @!p0 $0x100000, s0  }
0xe6: {  	[sflag:s0] =	ssyncadd.tile.s32 @!p0 $0x1;
	_ =	shalt  }
.Lfunc_end2:
_tile_overlayer_lowered:
.L_overlay_start_2:
0xe7: {  	(tag) =	ssettag $0x2  }
0xe8: {  	s0 =	rddreg [dreg:$0x0];
	s2 =	stileid.u32  }
0xe9: {  	s1 =	rddreg [dreg:$0x1];
	p0 =	sne.s32 s2, $0x0  }
0xea: {  	s3 =	rddreg [dreg:$0x2];
	[bflag:$0x3] =	sbarrier.arrive $0xFFFF;
	s2 =	simm.s32 @!p0 $0x1C05  }
0xeb: {  	[timem:s3], [sflag:s2] =	dma.local @!p0 [hbm:s0], s1  }
0xec: {  	s0 =	simm.s32 @!p0 $0x5  }
0xed: {  	_ =	swait.ge @!p0 [sflag:s0], s1  }
0xee: {  	s1 =	ssub.s32 @!p0 $0x0, s1;
	[sflag:s0] =	ssyncset.done @!p0 $0x0  }
0xef: {  	[sflag:s0] =	ssyncadd.s32 @!p0 s1  }
0xf0: {  	[bflag:$0x3] =	sbarrier.arrive $0xFFFF  }
0xf1: {  	_ =	shalt  }

// kernel: kernel.9.cloned.1.call-start
scs
__scs_entry_jumppad:
0x0: {  	(pc) =	sbr.rel $0x88, $3  }
0x1: {  	(tag) =	ssettag $0x0;
	lr =	simm.s32 $0x1  }
0x2: {  	[smem:$0x3F97] =	sst lr;
	_ =	strace $0xD0000000  }
0x3: {  	_ = 	snop  }
0x4: {  	_ = 	snop  }
0x5: {  	_ = 	snop  }
0x6: {  	_ = 	snop  }
0x7: {  	_ = 	snop  }
__scs_overlays_trampoline_lowered:
0x8: {  	[smem:$0x3FA6] =	sst s0  }
0x9: {  	[smem:$0x3FA7] =	sst s1  }
0xa: {  	[smem:$0x3FA8] =	sst s2  }
0xb: {  	[smem:$0x3FA9] =	sst s3  }
0xc: {  	[smem:$0x3FAA] =	sst s4  }
0xd: {  	[smem:$0x3FAB] =	sst s5  }
0xe: {  	[smem:$0x3FAC] =	sst s6  }
0xf: {  	[smem:$0x3FAD] =	sst s7  }
0x10: {  	[smem:$0x3FAE] =	sst s8  }
0x11: {  	[smem:$0x3FAF] =	sst s9;
	s0 =	simm.s32 @!p0 $0x0  }
0x12: {  	s1 =	sld [smem:$0x3F95];
	s0 =	simm.s32 @p0 $0x1  }
0x13: {  	[smem:$0x3FB0] =	sst s0;
	s0 =	simm.s32 @!p1 $0x0  }
0x14: {  	s2 =	sld [smem:$0x3F94];
	s0 =	simm.s32 @p1 $0x1  }
0x15: {  	[smem:$0x3FB1] =	sst s0;
	s0 =	simm.s32 @!p2 $0x0  }
0x16: {  	s3 =	sld [smem:$0x3FDB];
	s0 =	simm.s32 @p2 $0x1  }
0x17: {  	s4 =	simm.s32 $0x1BF5;
	[smem:$0x3FB3] =	sst s0  }
0x18: {  	s0 =	sld [smem:$0x3F96];
	_ =	swait.ge [sflag:s4], $0x0  }
0x19: {  	s7 =	sld [smem:$0x3F97]  }
0x1a: {  	s8 =	sadd.s32 $0xFFFFE003, lr  }
0x1b: {  	s9 =	sadd.s32 $0xFFFFFEF7, lr;
	s5 =	simm.s32 $0xFFFFFFFF;
	p2 =	slt.u32 s8, $0xFFFFF086  }
0x1c: {  	p1 =	slt.u32 s9, $0xF7A;
	s5 =	simm.s32 @!p2 $0x0  }
0x1d: {  	s5 =	simm.s32 @p1 $0x1;
	p0 =	seq.s32 s7, s2  }
0x1e: {  	s7 =	smul.u32 @!p0 $0xF7A, s2;
	p2 =	seq.s32 @!p0 s5, $0x0  }
0x1f: {  	s9 =	smul.u32 $0xF7A, s1;
	s8 =	simm.s32 @!p0 $0x1BF5;
	p2 =	por !p2, p0  }
0x20: {  	[sflag:s8] =	ssyncset.s32 @!p0 $0xFFFFF086;
	s6 =	sadd.s32 @!p0 s3, s7;
	s7 =	simm.s32 @!p0 $0x108  }
0x21: {  	s3 =	sadd.s32 s3, s9;
	s6 =	sadd.s32 @!p0 $0x88, s6;
	s7 =	simm.s32 @p2 $0x1082  }
0x22: {  	[simem:s7], [sflag:s8] =	dma.local @!p0 [hbm:s6], $0xF7A  }
0x23: {  	s9 =	sor.u32 $0xD0000000, s2;
	s6 =	simm.s32 $0x108;
	_ =	swait.ge @!p0 [sflag:s8], $0x0  }
0x24: {  	s3 =	sadd.s32 $0x88, s3;
	s6 =	simm.s32 @!p1 $0x1082;
	[sflag:s4] =	ssyncset.s32 $0xFFFFF086  }
0x25: {  	[simem:s6], [sflag:s4] =	dma.local [hbm:s3], $0xF7A  }
0x26: {  	[smem:$0x3F97] =	sst s1;
	(tag) =	ssettag s2;
	_ =	strace s9  }
0x27: {  	s1 =	sld [smem:$0x3FA7]  }
0x28: {  	s2 =	sld [smem:$0x3FA8]  }
0x29: {  	s4 =	sld [smem:$0x3FAA]  }
0x2a: {  	p0 =	seq.s32 s5, $0x0;
	s5 =	sld [smem:$0x3FAB]  }
0x2b: {  	s6 =	sld [smem:$0x3FAC]  }
0x2c: {  	s7 =	sld [smem:$0x3FAD]  }
0x2d: {  	s3 =	simm.s32 $0x108;
	s8 =	sld [smem:$0x3FAE]  }
0x2e: {  	s3 =	simm.s32 @!p0 $0x1082;
	s9 =	sld [smem:$0x3FAF]  }
0x2f: {  	lr =	sadd.s32 s0, s3;
	s0 =	sld [smem:$0x3FA6]  }
0x30: {  	s3 =	sld [smem:$0x3FA9]  }
0x31: {  	[smem:$0x3FB2] =	sst s10  }
0x32: {  	s10 =	sld [smem:$0x3FB0];
	_ =	sdelay $0x3  }
0x33: {  	p0 =	seq.s32 s10, $0x1;
	s10 =	sld [smem:$0x3FB2];
	_ =	sdelay $0x3  }
0x34: {  	[smem:$0x3FB2] =	sst s10  }
0x35: {  	s10 =	sld [smem:$0x3FB1];
	_ =	sdelay $0x3  }
0x36: {  	p1 =	seq.s32 s10, $0x1;
	s10 =	sld [smem:$0x3FB2];
	_ =	sdelay $0x3  }
0x37: {  	[smem:$0x3FB2] =	sst s10  }
0x38: {  	s10 =	sld [smem:$0x3FB3]  }
0x39: {  	_ = 	snop;
	(pc) =	sbr.ind lr, $3  }
0x3a: {  	_ = 	snop  }
0x3b: {  	_ = 	snop  }
0x3c: {  	p2 =	seq.s32 s10, $0x1;
	s10 =	sld [smem:$0x3FB2]  }
0x3d: {  	_ =	shalt  }
0x3e: {  	_ =	shalt  }
0x3f: {  	_ =	shalt  }
0x40: {  	_ =	shalt  }
0x41: {  	_ =	shalt  }
0x42: {  	_ =	shalt  }
0x43: {  	_ =	shalt  }
0x44: {  	_ =	shalt  }
0x45: {  	_ =	shalt  }
0x46: {  	_ =	shalt  }
0x47: {  	_ =	shalt  }
0x48: {  	_ =	shalt  }
0x49: {  	_ =	shalt  }
0x4a: {  	_ =	shalt  }
0x4b: {  	_ =	shalt  }
0x4c: {  	_ =	shalt  }
0x4d: {  	_ =	shalt  }
0x4e: {  	_ =	shalt  }
0x4f: {  	_ =	shalt  }
0x50: {  	_ =	shalt  }
0x51: {  	_ =	shalt  }
0x52: {  	_ =	shalt  }
0x53: {  	_ =	shalt  }
0x54: {  	_ =	shalt  }
0x55: {  	_ =	shalt  }
0x56: {  	_ =	shalt  }
0x57: {  	_ =	shalt  }
0x58: {  	_ =	shalt  }
0x59: {  	_ =	shalt  }
0x5a: {  	_ =	shalt  }
0x5b: {  	_ =	shalt  }
0x5c: {  	_ =	shalt  }
0x5d: {  	_ =	shalt  }
0x5e: {  	_ =	shalt  }
0x5f: {  	_ =	shalt  }
0x60: {  	_ =	shalt  }
0x61: {  	_ =	shalt  }
0x62: {  	_ =	shalt  }
0x63: {  	_ =	shalt  }
0x64: {  	_ =	shalt  }
0x65: {  	_ =	shalt  }
0x66: {  	_ =	shalt  }
0x67: {  	_ =	shalt  }
0x68: {  	_ =	shalt  }
0x69: {  	_ =	shalt  }
0x6a: {  	_ =	shalt  }
0x6b: {  	_ =	shalt  }
0x6c: {  	_ =	shalt  }
0x6d: {  	_ =	shalt  }
0x6e: {  	_ =	shalt  }
0x6f: {  	_ =	shalt  }
0x70: {  	_ =	shalt  }
0x71: {  	_ =	shalt  }
0x72: {  	_ =	shalt  }
0x73: {  	_ =	shalt  }
0x74: {  	_ =	shalt  }
0x75: {  	_ =	shalt  }
0x76: {  	_ =	shalt  }
0x77: {  	_ =	shalt  }
0x78: {  	_ =	shalt  }
0x79: {  	_ =	shalt  }
0x7a: {  	_ =	shalt  }
0x7b: {  	_ =	shalt  }
0x7c: {  	_ =	shalt  }
0x7d: {  	_ =	shalt  }
0x7e: {  	_ =	shalt  }
0x7f: {  	_ =	shalt  }
0x80: {  	_ =	shalt  }
0x81: {  	_ =	shalt  }
0x82: {  	_ =	shalt  }
0x83: {  	_ =	shalt  }
0x84: {  	_ =	shalt  }
0x85: {  	_ =	shalt  }
0x86: {  	_ =	shalt  }
0x87: {  	_ =	shalt  }
.Lfunc_end0:
.L_simem_size_0:
called_computation_lowered:
.L_overlay_start_0:
0x88: {  	s2 =	sld [smem:$0x3FD9]  }
0x89: {  	s3 =	sld [smem:$0x3FFE];
	_ =	sdelay $0x1  }
0x8a: {  	s1 =	srdreg.scid  }
0x8b: {  	s0 =	sand.u32 $0x1, s1  }
0x8c: {  	s17 =	sshll.u32 s0, $0xA;
	s2 =	sadd.s32 s3, s2  }
0x8d: {  	s2 =	sadd.s32 s2, s17  }
0x8e: {  	[smem:$0x3FBE] =	sst s2  }
0x8f: {  	_ = 	snop  }
0x90: {  	s2 =	sld [smem:$0x3FD0];
	(tm) =	ssettm $0x1  }
0x91: {  	s18 =	sld [smem:$0x3FFB];
	_ =	sdelay $0x3  }
0x92: {  	_ =	strace s18  }
0x93: {  	s3 =	sld [smem:$0x3FFC];
	_ =	sdelay $0x3  }
0x94: {  	_ =	strace s3  }
0x95: {  	s3 =	sld [smem:$0x3FFD];
	_ =	sdelay $0x3  }
0x96: {  	_ =	strace s3  }
0x97: {  	_ =	strace $0x8FFFFFFF  }
0x98: {  	s19 =	sld [smem:$0x3FDB];
	_ =	sdelay $0x1  }
0x99: {  	s4 =	simm.s32 $_scs_section_size  }
0x9a: {  	s5 =	simm.s32 $_size__tile_overlayer_lowered;
	s6 =	simm.s32 $_tile_overlayer_lowered  }
0x9b: {  	s22 =	simm.s32 $0x1BFF;
	s21 =	sshll.u32 s6, $0x1;
	s3 =	sadd.s32 s4, s19  }
0x9c: {  	s7 =	simm.s32 $0x0;
	s20 =	sshll.u32 s5, $0x1;
	s5 =	sadd.s32 s21, s3  }
0x9d: {  	[timem:s7], [sflag:s22] =	dma.local [hbm:s5], s20  }
0x9e: {  	_ =	swait.ge [sflag:s22], s20  }
0x9f: {  	s4 =	ssub.s32 $0x0, s20;
	[sflag:s22] =	ssyncset.done $0x0  }
0xa0: {  	[sflag:s22] =	ssyncadd.s32 s4;
	_ =	sdelay $0x1  }
0xa1: {  	s23 =	simm.s32 $0x1B8B  }
0xa2: {  	_ =	swait.ge [sflag:s23], $0x1  }
0xa3: {  	[sflag:s23] =	ssyncset.done $0x0  }
0xa4: {  	s25 =	simm.s32 $0x1B8E;
	s24 =	sld [smem:$0x3FFE];
	[sflag:s23] =	ssyncadd.s32 $0xFFFFFFFF  }
0xa5: {  	s26 =	simm.s32 $execute0_lowered;
	[smem:$0x3FD2] =	sst s25  }
0xa6: {  	s5 =	sshll.u32 s26, $0x1;
	_ =	strace $0x80000046;
	[dreg:$0x1] =	wrdreg $0xFFFFFFFF  }
0xa7: {  	s28 =	simm.s32 $_size_execute0_lowered;
	s3 =	sadd.s32 s3, s5;
	[dreg:$0x0] =	wrdreg $0x0  }
0xa8: {  	s5 =	sshll.u32 s28, $0x1;
	[dreg:$0x2] =	wrdreg s3  }
0xa9: {  	[dreg:$0x3] =	wrdreg s5  }
0xaa: {  	[dreg:$0x4] =	wrdreg $0xC0  }
0xab: {  	_ =	task [dreg:s7], $0x5FFFF  }
0xac: {  	[dreg:$0x1] =	wrdreg $0xFFFFFFFF  }
0xad: {  	[dreg:$0x0] =	wrdreg $0x60  }
0xae: {  	[dreg:$0x2] =	wrdreg s24  }
0xaf: {  	[dreg:$0x3] =	wrdreg s2  }
0xb0: {  	[dreg:$0x4] =	wrdreg $0x0  }
0xb1: {  	[dreg:$0x5] =	wrdreg $0x140000  }
0xb2: {  	[dreg:$0x6] =	wrdreg $0x9  }
0xb3: {  	_ =	task.clear_ibuf [dreg:s7], $0x7FFFF;
	_ =	strace $0x90000046  }
0xb4: {  	s29 =	simm.s32 $0x9;
	_ =	strace $0x80000048  }
0xb5: {  	_ =	swait.ge [sflag:s29], $0x1  }
0xb6: {  	[sflag:s29] =	ssyncadd.s32 $0xFFFFFFFF  }
0xb7: {  	_ =	strace $0x90000048  }
0xb8: {  	_ =	sfence  }
0xb9: {  	s30 =	sld [smem:$0x0];
	_ =	sdelay $0x2  }
0xba: {  	s31 =	sshll.u32 s1, $0xD;
	s1 =	sshrl.u32 s1, $0x2  }
0xbb: {  	s3 =	sand.u32 $0x4000, s31;
	s1 =	sadd.s32 s1, s30  }
0xbc: {  	s0 =	sor.u32 s3, s0;
	s1 =	sshll.u32 s1, $0x11  }
0xbd: {  	s0 =	sor.u32 s1, s0  }
0xbe: {  	s0 =	sadd.s32 $0x8F2B, s0  }
0xbf: {  	[sflag:s0] =	ssyncadd.remote.s32 $0x1  }
0xc0: {  	_ =	sfence.sel $0xFFFF  }
0xc1: {  	[dreg:$0x0] =	wrdreg $0xFFFFFFFF;
	(pc) =	sbr.abs _section_cstart, $3  }
0xc2: {  	[dreg:$0x1] =	wrdreg $0xFFFFFFFF  }
0xc3: {  	_ =	task.clear_ibuf [dreg:s7], $0x2FFFF;
	_ =	strace $0x9FFFFFFF  }
0xc4: {  	(tm) =	ssettm $0x7FFFFFFF  }
0xc5: {  	_ =	shalt  }
tec
execute0_lowered:
.L_overlay_start_1:
0x0: {  	(tag) =	ssettag $0x1  }
0x1: {  	s0 =	rddreg [dreg:$0x0]  }
0x2: {  	s1 =	rddreg [dreg:$0x1]  }
0x3: {  	s2 =	rddreg [dreg:$0x2]  }
0x4: {  	s3 =	rddreg [dreg:$0x3];
	s16 =	stileid.u32  }
0x5: {  	s5 =	srdreg.scid;
	s8 =	simm.s32 $0x0;
	s4 =	smul.u32 $0x280, s16  }
0x6: {  	s29 =	simm.s32 $0x80;
	s30 =	simm.s32 $0x15280;
	s7 =	smul.u32 $0x14000, s16  }
0x7: {  	s31 =	simm.s32 $0x1;
	s28 =	simm.s32 $0x15000;
	s13 =	smul.u32 $0x50000, s16  }
0x8: {  	s6 =	sand.u32 $0x1, s5;
	[smem:$0x7FF] =	sst s8;
	s17 =	smul.u32 $0xA, s16  }
0x9: {  	s5 =	sadd.s32 $0x17A00, s0;
	s10 =	sadd.s32 $0x3A00, s0;
	s19 =	smul.u32 $0x500, s16  }
0xa: {  	s11 =	sadd.s32 $0xDA00, s0;
	s25 =	sshll.u32 s16, $0x6;
	s22 =	smul.u32 $0x140000, s6  }
0xb: {  	_ =	strace $0x80000047;
	s9 =	smul.u32 $0x2800, s6;
	s23 =	ssub.s32 $0x2, s6  }
0xc: {  	s15 =	sshll.u32 s6, $0x4;
	s20 =	sor.u32 $0x1C06, s25;
	s12 =	sshrl.u32 s4, $0x3  }
0xd: {  	s14 =	sshrl.u32 s23, $0x1;
	s13 =	sshrl.u32 s13, $0x2;
	s24 =	sor.u32 s16, s15  }
0xe: {  	s26 =	sadd.s32 s4, s3;
	s16 =	simm.s32 $0x14880;
	[dreg:$0x7] =	wrdreg s20  }
0xf: {  	s12 =	sadd.s32 s12, s0;
	s8 =	sadd.s32 s7, s22;
	s9 =	sadd.s32 s4, s9  }
0x10: {  	s13 =	sadd.s32 s13, s2;
	s7 =	sshrl.u32 s7, $0x3;
	[dreg:$0x8] =	wrdreg s26  }
0x11: {  	s8 =	sshrl.u32 s8, $0x3;
	s9 =	sshrl.u32 s9, $0x3;
	[dreg:$0x5] =	wrdreg s13  }
0x12: {  	s1 =	sadd.s32 s1, s7;
	s4 =	sadd.s32 $0x3EC00, s12;
	s12 =	smul.u32 $0x5000, s6  }
0x13: {  	s6 =	smul.u32 $0xA0, s6;
	s8 =	sadd.s32 s8, s0;
	s0 =	sadd.s32 s9, s0  }
0x14: {  	s9 =	ssub.s32 s23, s14;
	s14 =	smul.u32 $0x500, s24;
	[dreg:$0x6] =	wrdreg s1  }
0x15: {  	[dreg:$0x9] =	wrdreg s4;
	s18 =	sadd.s32 $0x3FC00, s8;
	s0 =	sadd.s32 $0x3F200, s0  }
0x16: {  	s21 =	smax.u32 s9, $0x1;
	s22 =	sadd.s32 s12, s11;
	s1 =	sadd.s32 s12, s10  }
0x17: {  	s9 =	simm.s32 $0x2;
	s8 =	simm.s32 $0x14980;
	[dreg:$0xe] =	wrdreg s18  }
0x18: {  	s12 =	simm.s32 $0x0;
	s7 =	sadd.s32 s10, s14;
	[dreg:$0xf] =	wrdreg s0  }
0x19: {  	s13 =	sadd.s32 s11, s14;
	s14 =	sor.u32 $0x80, s14;
	[dreg:$0x10] =	wrdreg s21  }
0x1a: {  	s23 =	sadd.s32 s19, s22;
	s0 =	sadd.s32 s19, s1;
	s22 =	simm.s32 $0x6  }
0x1b: {  	s1 =	simm.s32 $0x4;
	s18 =	simm.s32 $0x15180;
	[dreg:$0xa] =	wrdreg s7  }
0x1c: {  	[dreg:$0xb] =	wrdreg s13;
	s15 =	sadd.s32 s10, s14;
	s4 =	sadd.s32 s11, s14  }
0x1d: {  	s0 =	sadd.s32 $0x180, s0;
	s14 =	simm.s32 $0x14800;
	[dreg:$0xc] =	wrdreg s15  }
0x1e: {  	s7 =	simm.s32 $0x14A00;
	s13 =	simm.s32 $0x5;
	[dreg:$0xd] =	wrdreg s4  }
0x1f: {  	s4 =	sadd.s32 s17, s6;
	s6 =	sadd.s32 $0x180, s23;
	[dreg:$0x12] =	wrdreg s0  }
0x20: {  	s0 =	simm.s32 $0x19280;
	s23 =	simm.s32 $0x14900;
	s17 =	simm.s32 $0x14F00  }
.Ltmp0:
0x21: {  	s15 =	simm.s32 $0x15080;
	s4 =	sshll.u32 s4, $0x7;
	(pc) =	sbr.rel .LBB2_1-.Ltmp0, $4  }
0x22: {  	[dreg:$0x11] =	wrdreg s6;
	s6 =	simm.s32 $0x1D280;
	s24 =	sadd.s32 $0x100, s4  }
0x23: {  	s4 =	simm.s32 $0x15100;
	s25 =	sadd.s32 s24, s10;
	s26 =	sadd.s32 s24, s11  }
0x24: {  	s10 =	simm.s32 $0x14680;
	s24 =	simm.s32 $0x14A80;
	[dreg:$0x13] =	wrdreg s25  }
0x25: {  	v0 =	vimm.f32 $1.000000000e+00;
	s11 =	simm.s32 $0x14F80;
	[dreg:$0x14] =	wrdreg s26;
	s26 =	simm.s32 $0x14E80  }
.LBB2_4:
0x26: {  	[bflag:$0x0] =	sbarrier.arrive $0xFFFF  }
0x27: {  	s20 =	rddreg [dreg:$0x7]  }
0x28: {  	s19 =	rddreg [dreg:$0xe]  }
0x29: {  	s12 =	rddreg [dreg:$0x16]  }
0x2a: {  	[hbm:s19], [sflag:s20] =	dma.local [spmem:s12], $0x2800  }
0x2b: {  	_ =	swait.ge [sflag:s22], $0x2800  }
0x2c: {  	[sflag:s22] =	ssyncset.done $0x0;
	s12 =	rddreg [dreg:$0xf]  }
0x2d: {  	s21 =	rddreg [dreg:$0x17];
	[sflag:s22] =	ssyncadd.s32 $0xFFFFD800  }
0x2e: {  	[hbm:s12], [sflag:s20] =	dma.local [spmem:s21], $0x50  }
0x2f: {  	_ =	swait.ge [sflag:s22], $0x50  }
0x30: {  	s24 =	rddreg [dreg:$0x15]  }
0x31: {  	s25 =	rddreg [dreg:$0x10];
	s12 =	sadd.s32 $0x1, s24  }
0x32: {  	p0 =	sne.s32 s12, s25  }
.Ltmp1:
0x33: {  	_ = 	snop;
	(pc) =	sbr.rel @!p0 .LBB2_5-.Ltmp1, $3  }
0x34: {  	_ =	sdelay $0x1  }
0x35: {  	[sflag:s22] =	ssyncset.done $0x0  }
0x36: {  	[sflag:s22] =	ssyncadd.s32 $0xFFFFFFB0;
	s24 =	simm.s32 $0x14A80  }
.LBB2_1:
0x37: {  	[dreg:$0x15] =	wrdreg s12  }
0x38: {  	s19 =	rddreg [dreg:$0x5]  }
0x39: {  	s25 =	rddreg [dreg:$0x6];
	s21 =	sshrl.u32 s19, $0x3  }
0x3a: {  	[dreg:$0x16] =	wrdreg s21  }
0x3b: {  	[spmem:s21], [sflag:s20] =	dma.local [hbm:s25], $0x2800  }
0x3c: {  	_ =	swait.ge [sflag:s22], $0x2800  }
0x3d: {  	s12 =	rddreg [dreg:$0x8]  }
0x3e: {  	[sflag:s22] =	ssyncset.done $0x0;
	s25 =	rddreg [dreg:$0x9];
	s21 =	sshrl.u32 s12, $0x3  }
0x3f: {  	[sflag:s22] =	ssyncadd.s32 $0xFFFFD800;
	[dreg:$0x17] =	wrdreg s21  }
0x40: {  	[spmem:s21], [sflag:s20] =	dma.local [hbm:s25], $0x50  }
0x41: {  	_ =	swait.ge [sflag:s22], $0x50  }
0x42: {  	[sflag:s22] =	ssyncset.done $0x0  }
0x43: {  	[sflag:s22] =	ssyncadd.s32 $0xFFFFFFB0  }
0x44: {  	[tilespmem:$0x1D280] =	vst v0  }
0x45: {  	[tilespmem:$0x1D290] =	vst v0  }
0x46: {  	[tilespmem:$0x1D2A0] =	vst v0  }
0x47: {  	[tilespmem:$0x1D2B0] =	vst v0  }
0x48: {  	[tilespmem:$0x1D2C0] =	vst v0  }
0x49: {  	[tilespmem:$0x1D2D0] =	vst v0  }
0x4a: {  	[tilespmem:$0x1D2E0] =	vst v0  }
0x4b: {  	[tilespmem:$0x1D2F0] =	vst v0  }
0x4c: {  	[bflag:$0x0] =	sbarrier.arrive $0xFFFF  }
0x4d: {  	s19 =	simm.s32 $0x0;
	s21 =	simm.s32 $0x14280;
	s12 =	rddreg [dreg:$0xa]  }
0x4e: {  	[tilespmem:s21], [sflag:$0x3] =	stream.linear.gather [hbm4b:s12+s19], $0x400, $0x38;
	[tilespmem:$0x1D300] =	vst v63  }
0x4f: {  	s25 =	rddreg [dreg:$0xb]  }
0x50: {  	[tilespmem:s10], [sflag:$0x3] =	stream.linear.gather [hbm4b:s25+s19], $0x400, $0x38;
	[tilespmem:$0x1D300] =	vst v63  }
0x51: {  	s10 =	rddreg [dreg:$0xc]  }
0x52: {  	[tilespmem:s24], [sflag:$0x4] =	stream.linear.gather [hbm4b:s10+s19], $0x400, $0x38;
	[tilespmem:$0x1D300] =	vst v63  }
0x53: {  	s20 =	simm.s32 $0x3;
	s12 =	rddreg [dreg:$0xd]  }
0x54: {  	[tilespmem:s26], [sflag:$0x4] =	stream.linear.gather [hbm4b:s12+s19], $0x400, $0x38;
	[tilespmem:$0x1D300] =	vst v63  }
0x55: {  	_ =	swait.ge [sflag:s20], $0x400  }
0x56: {  	[sflag:s20] =	ssyncset.done $0x0  }
0x57: {  	[sflag:s20] =	ssyncadd.s32 $0xFFFFFC00  }
0x58: {  	_ =	swait.ge [sflag:s20], $0x400  }
0x59: {  	[sflag:s20] =	ssyncset.done $0x0  }
0x5a: {  	[sflag:s20] =	ssyncadd.s32 $0xFFFFFC00  }
0x5b: {  	[tilespmem:s30], [sflag:$0x1] =	stream.indirect.gather [hbm4b:s5+s29], $0x80, s21, s29, $0xb8;
	[tilespmem:$0x1D300] =	vst v63  }
0x5c: {  	s25 =	simm.s32 $0x14300;
	s19 =	simm.s32 $0x0  }
0x5d: {  	[tilespmem:s0], [sflag:$0x2] =	stream.indirect.gather [hbm4b:s5+s29], $0x80, s25, s29, $0xb8;
	[tilespmem:$0x1D300] =	vst v63  }
.LBB2_2:
0x5e: {  	_ =	swait.ge [sflag:s1], $0x400  }
0x5f: {  	[sflag:s1] =	ssyncset.done $0x0  }
0x60: {  	[sflag:s1] =	ssyncadd.s32 $0xFFFFFC00  }
0x61: {  	_ =	swait.ge [sflag:s1], $0x400  }
0x62: {  	[sflag:s1] =	ssyncset.done $0x0  }
0x63: {  	[sflag:s1] =	ssyncadd.s32 $0xFFFFFC00  }
0x64: {  	_ =	swait.ge [sflag:s31], $0x4000  }
0x65: {  	[sflag:s31] =	ssyncset.done $0x0  }
0x66: {  	s20 =	simm.s32 $0x14680;
	[sflag:s31] =	ssyncadd.s32 $0xFFFFC000  }
0x67: {  	[spmem:s2] =	stream.indirect.scatter.add.f32 [tilespmem:s30], [sflag:$0x6], $0x80, s20, s29, $0xb8;
	[tilespmem:$0x1D300] =	vst v63  }
0x68: {  	_ =	swait.ge [sflag:s22], $0x4000  }
0x69: {  	[sflag:s22] =	ssyncset.done $0x0  }
0x6a: {  	[sflag:s22] =	ssyncadd.s32 $0xFFFFC000  }
0x6b: {  	[spmem:s3] =	stream.indirect.scatter.add.f32 [tilespmem:s6], [sflag:$0x5], $0x1, s20, s29, $0xb8;
	[tilespmem:$0x1D300] =	vst v63  }
0x6c: {  	s12 =	simm.s32 $0x14380  }
0x6d: {  	[tilespmem:s30], [sflag:$0x1] =	stream.indirect.gather [hbm4b:s5+s29], $0x80, s12, s29, $0xb8;
	[tilespmem:$0x1D300] =	vst v63  }
0x6e: {  	_ =	swait.ge [sflag:s9], $0x4000  }
0x6f: {  	[sflag:s9] =	ssyncset.done $0x0  }
0x70: {  	s20 =	simm.s32 $0x14700;
	[sflag:s9] =	ssyncadd.s32 $0xFFFFC000  }
0x71: {  	[spmem:s2] =	stream.indirect.scatter.add.f32 [tilespmem:s0], [sflag:$0x6], $0x80, s20, s29, $0xb8;
	[tilespmem:$0x1D300] =	vst v63  }
0x72: {  	_ =	swait.ge [sflag:s22], $0x4000  }
0x73: {  	[sflag:s22] =	ssyncset.done $0x0  }
0x74: {  	[sflag:s22] =	ssyncadd.s32 $0xFFFFC000  }
0x75: {  	[spmem:s3] =	stream.indirect.scatter.add.f32 [tilespmem:s6], [sflag:$0x5], $0x1, s20, s29, $0xb8;
	[tilespmem:$0x1D300] =	vst v63  }
0x76: {  	s21 =	simm.s32 $0x14400  }
0x77: {  	[tilespmem:s0], [sflag:$0x2] =	stream.indirect.gather [hbm4b:s5+s29], $0x80, s21, s29, $0xb8;
	[tilespmem:$0x1D300] =	vst v63  }
0x78: {  	_ =	swait.ge [sflag:s31], $0x4000  }
0x79: {  	[sflag:s31] =	ssyncset.done $0x0  }
0x7a: {  	s25 =	simm.s32 $0x14780;
	[sflag:s31] =	ssyncadd.s32 $0xFFFFC000  }
0x7b: {  	[spmem:s2] =	stream.indirect.scatter.add.f32 [tilespmem:s30], [sflag:$0x6], $0x80, s25, s29, $0xb8;
	[tilespmem:$0x1D300] =	vst v63  }
0x7c: {  	_ =	swait.ge [sflag:s22], $0x4000  }
0x7d: {  	[sflag:s22] =	ssyncset.done $0x0  }
0x7e: {  	[sflag:s22] =	ssyncadd.s32 $0xFFFFC000  }
0x7f: {  	[spmem:s3] =	stream.indirect.scatter.add.f32 [tilespmem:s6], [sflag:$0x5], $0x1, s25, s29, $0xb8;
	[tilespmem:$0x1D300] =	vst v63  }
0x80: {  	s20 =	simm.s32 $0x14480  }
0x81: {  	[tilespmem:s30], [sflag:$0x1] =	stream.indirect.gather [hbm4b:s5+s29], $0x80, s20, s29, $0xb8;
	[tilespmem:$0x1D300] =	vst v63  }
0x82: {  	_ =	swait.ge [sflag:s9], $0x4000  }
0x83: {  	[sflag:s9] =	ssyncset.done $0x0  }
0x84: {  	[sflag:s9] =	ssyncadd.s32 $0xFFFFC000  }
0x85: {  	[spmem:s2] =	stream.indirect.scatter.add.f32 [tilespmem:s0], [sflag:$0x6], $0x80, s14, s29, $0xb8;
	[tilespmem:$0x1D300] =	vst v63  }
0x86: {  	_ =	swait.ge [sflag:s22], $0x4000  }
0x87: {  	[sflag:s22] =	ssyncset.done $0x0  }
0x88: {  	[sflag:s22] =	ssyncadd.s32 $0xFFFFC000  }
0x89: {  	[spmem:s3] =	stream.indirect.scatter.add.f32 [tilespmem:s6], [sflag:$0x5], $0x1, s14, s29, $0xb8;
	[tilespmem:$0x1D300] =	vst v63  }
0x8a: {  	s21 =	simm.s32 $0x14500  }
0x8b: {  	[tilespmem:s0], [sflag:$0x2] =	stream.indirect.gather [hbm4b:s5+s29], $0x80, s21, s29, $0xb8;
	[tilespmem:$0x1D300] =	vst v63  }
0x8c: {  	_ =	swait.ge [sflag:s31], $0x4000  }
0x8d: {  	[sflag:s31] =	ssyncset.done $0x0  }
0x8e: {  	[sflag:s31] =	ssyncadd.s32 $0xFFFFC000  }
0x8f: {  	[spmem:s2] =	stream.indirect.scatter.add.f32 [tilespmem:s30], [sflag:$0x6], $0x80, s16, s29, $0xb8;
	[tilespmem:$0x1D300] =	vst v63  }
0x90: {  	_ =	swait.ge [sflag:s22], $0x4000  }
0x91: {  	[sflag:s22] =	ssyncset.done $0x0  }
0x92: {  	[sflag:s22] =	ssyncadd.s32 $0xFFFFC000  }
0x93: {  	[spmem:s3] =	stream.indirect.scatter.add.f32 [tilespmem:s6], [sflag:$0x5], $0x1, s16, s29, $0xb8;
	[tilespmem:$0x1D300] =	vst v63  }
0x94: {  	s25 =	simm.s32 $0x14580  }
0x95: {  	[tilespmem:s30], [sflag:$0x1] =	stream.indirect.gather [hbm4b:s5+s29], $0x80, s25, s29, $0xb8;
	[tilespmem:$0x1D300] =	vst v63  }
0x96: {  	_ =	swait.ge [sflag:s9], $0x4000  }
0x97: {  	[sflag:s9] =	ssyncset.done $0x0  }
0x98: {  	[sflag:s9] =	ssyncadd.s32 $0xFFFFC000  }
0x99: {  	[spmem:s2] =	stream.indirect.scatter.add.f32 [tilespmem:s0], [sflag:$0x6], $0x80, s23, s29, $0xb8;
	[tilespmem:$0x1D300] =	vst v63  }
0x9a: {  	_ =	swait.ge [sflag:s22], $0x4000  }
0x9b: {  	[sflag:s22] =	ssyncset.done $0x0  }
0x9c: {  	[sflag:s22] =	ssyncadd.s32 $0xFFFFC000  }
0x9d: {  	[spmem:s3] =	stream.indirect.scatter.add.f32 [tilespmem:s6], [sflag:$0x5], $0x1, s23, s29, $0xb8;
	[tilespmem:$0x1D300] =	vst v63  }
0x9e: {  	s20 =	simm.s32 $0x14600  }
0x9f: {  	[tilespmem:s0], [sflag:$0x2] =	stream.indirect.gather [hbm4b:s5+s29], $0x80, s20, s29, $0xb8;
	[tilespmem:$0x1D300] =	vst v63  }
0xa0: {  	_ =	swait.ge [sflag:s31], $0x4000  }
0xa1: {  	[sflag:s31] =	ssyncset.done $0x0  }
0xa2: {  	[sflag:s31] =	ssyncadd.s32 $0xFFFFC000  }
0xa3: {  	[spmem:s2] =	stream.indirect.scatter.add.f32 [tilespmem:s30], [sflag:$0x6], $0x80, s8, s29, $0xb8;
	[tilespmem:$0x1D300] =	vst v63  }
0xa4: {  	_ =	swait.ge [sflag:s22], $0x4000  }
0xa5: {  	[sflag:s22] =	ssyncset.done $0x0  }
0xa6: {  	[sflag:s22] =	ssyncadd.s32 $0xFFFFC000  }
0xa7: {  	[spmem:s3] =	stream.indirect.scatter.add.f32 [tilespmem:s6], [sflag:$0x5], $0x1, s8, s29, $0xb8;
	[tilespmem:$0x1D300] =	vst v63  }
0xa8: {  	_ = 	snop  }
0xa9: {  	[tilespmem:s30], [sflag:$0x1] =	stream.indirect.gather [hbm4b:s5+s29], $0x80, s24, s29, $0xb8;
	[tilespmem:$0x1D300] =	vst v63  }
0xaa: {  	_ =	swait.ge [sflag:s9], $0x4000  }
0xab: {  	[sflag:s9] =	ssyncset.done $0x0  }
0xac: {  	[sflag:s9] =	ssyncadd.s32 $0xFFFFC000  }
0xad: {  	[spmem:s2] =	stream.indirect.scatter.add.f32 [tilespmem:s0], [sflag:$0x6], $0x80, s7, s29, $0xb8;
	[tilespmem:$0x1D300] =	vst v63  }
0xae: {  	_ =	swait.ge [sflag:s22], $0x4000  }
0xaf: {  	[sflag:s22] =	ssyncset.done $0x0  }
0xb0: {  	[sflag:s22] =	ssyncadd.s32 $0xFFFFC000  }
0xb1: {  	[spmem:s3] =	stream.indirect.scatter.add.f32 [tilespmem:s6], [sflag:$0x5], $0x1, s7, s29, $0xb8;
	[tilespmem:$0x1D300] =	vst v63  }
0xb2: {  	s21 =	simm.s32 $0x14B00  }
0xb3: {  	[tilespmem:s0], [sflag:$0x2] =	stream.indirect.gather [hbm4b:s5+s29], $0x80, s21, s29, $0xb8;
	[tilespmem:$0x1D300] =	vst v63  }
0xb4: {  	_ =	swait.ge [sflag:s13], $0x80  }
0xb5: {  	[sflag:s13] =	ssyncset.done $0x0  }
0xb6: {  	[sflag:s13] =	ssyncadd.s32 $0xFFFFFF80  }
0xb7: {  	_ =	swait.ge [sflag:s13], $0x80  }
0xb8: {  	[sflag:s13] =	ssyncset.done $0x0  }
0xb9: {  	[sflag:s13] =	ssyncadd.s32 $0xFFFFFF80  }
0xba: {  	_ =	swait.ge [sflag:s13], $0x80  }
0xbb: {  	[sflag:s13] =	ssyncset.done $0x0  }
0xbc: {  	[sflag:s13] =	ssyncadd.s32 $0xFFFFFF80  }
0xbd: {  	_ =	swait.ge [sflag:s13], $0x80  }
0xbe: {  	[sflag:s13] =	ssyncset.done $0x0  }
0xbf: {  	[sflag:s13] =	ssyncadd.s32 $0xFFFFFF80  }
0xc0: {  	_ =	swait.ge [sflag:s13], $0x80  }
0xc1: {  	[sflag:s13] =	ssyncset.done $0x0  }
0xc2: {  	[sflag:s13] =	ssyncadd.s32 $0xFFFFFF80  }
0xc3: {  	_ =	swait.ge [sflag:s13], $0x80  }
0xc4: {  	[sflag:s13] =	ssyncset.done $0x0  }
0xc5: {  	[sflag:s13] =	ssyncadd.s32 $0xFFFFFF80  }
0xc6: {  	_ =	swait.ge [sflag:s13], $0x80  }
0xc7: {  	[sflag:s13] =	ssyncset.done $0x0  }
0xc8: {  	[sflag:s13] =	ssyncadd.s32 $0xFFFFFF80  }
0xc9: {  	p0 =	seq.s32 s19, $0x400;
	_ =	swait.ge [sflag:s13], $0x80  }
0xca: {  	s25 =	simm.s32 @!p0 $0x0;
	[sflag:s13] =	ssyncset.done $0x0;
	s20 =	rddreg [dreg:$0x13]  }
0xcb: {  	[sflag:s13] =	ssyncadd.s32 $0xFFFFFF80;
	s21 =	sadd.s32 @!p0 s19, s20;
	s20 =	simm.s32 @!p0 $0x14280  }
0xcc: {  	[tilespmem:s20], [sflag:$0x3] =	stream.linear.gather @!p0 [hbm4b:s21+s25], $0x400, $0x38;
	[tilespmem:$0x1D300] =	vst v63  }
0xcd: {  	s21 =	rddreg [dreg:$0x14]  }
0xce: {  	s24 =	simm.s32 @!p0 $0x14680;
	s21 =	sadd.s32 @!p0 s19, s21  }
0xcf: {  	[tilespmem:s24], [sflag:$0x3] =	stream.linear.gather @!p0 [hbm4b:s21+s25], $0x400, $0x38;
	[tilespmem:$0x1D300] =	vst v63  }
0xd0: {  	s21 =	simm.s32 @!p0 $0x3  }
0xd1: {  	_ =	swait.ge @!p0 [sflag:s21], $0x400  }
0xd2: {  	[sflag:s21] =	ssyncset.done @!p0 $0x0  }
0xd3: {  	[sflag:s21] =	ssyncadd.s32 @!p0 $0xFFFFFC00  }
0xd4: {  	_ =	swait.ge @!p0 [sflag:s21], $0x400  }
0xd5: {  	[sflag:s21] =	ssyncset.done @!p0 $0x0  }
0xd6: {  	[sflag:s21] =	ssyncadd.s32 @!p0 $0xFFFFFC00  }
0xd7: {  	_ =	swait.ge [sflag:s31], $0x4000  }
0xd8: {  	[sflag:s31] =	ssyncset.done $0x0  }
0xd9: {  	[sflag:s31] =	ssyncadd.s32 $0xFFFFC000  }
0xda: {  	[spmem:s2] =	stream.indirect.scatter.add.f32 [tilespmem:s30], [sflag:$0x6], $0x80, s26, s29, $0xb8;
	[tilespmem:$0x1D300] =	vst v63  }
0xdb: {  	_ =	swait.ge [sflag:s22], $0x4000  }
0xdc: {  	[sflag:s22] =	ssyncset.done $0x0  }
0xdd: {  	[sflag:s22] =	ssyncadd.s32 $0xFFFFC000  }
0xde: {  	[spmem:s3] =	stream.indirect.scatter.add.f32 [tilespmem:s6], [sflag:$0x5], $0x1, s26, s29, $0xb8;
	[tilespmem:$0x1D300] =	vst v63  }
0xdf: {  	s24 =	simm.s32 $0x14B80  }
0xe0: {  	[tilespmem:s30], [sflag:$0x1] =	stream.indirect.gather [hbm4b:s5+s29], $0x80, s24, s29, $0xb8;
	[tilespmem:$0x1D300] =	vst v63  }
0xe1: {  	_ =	swait.ge [sflag:s9], $0x4000  }
0xe2: {  	[sflag:s9] =	ssyncset.done $0x0  }
0xe3: {  	[sflag:s9] =	ssyncadd.s32 $0xFFFFC000  }
0xe4: {  	[spmem:s2] =	stream.indirect.scatter.add.f32 [tilespmem:s0], [sflag:$0x6], $0x80, s17, s29, $0xb8;
	[tilespmem:$0x1D300] =	vst v63  }
0xe5: {  	_ =	swait.ge [sflag:s22], $0x4000  }
0xe6: {  	[sflag:s22] =	ssyncset.done $0x0  }
0xe7: {  	[sflag:s22] =	ssyncadd.s32 $0xFFFFC000  }
0xe8: {  	[spmem:s3] =	stream.indirect.scatter.add.f32 [tilespmem:s6], [sflag:$0x5], $0x1, s17, s29, $0xb8;
	[tilespmem:$0x1D300] =	vst v63  }
0xe9: {  	s25 =	simm.s32 $0x14C00  }
0xea: {  	[tilespmem:s0], [sflag:$0x2] =	stream.indirect.gather [hbm4b:s5+s29], $0x80, s25, s29, $0xb8;
	[tilespmem:$0x1D300] =	vst v63  }
0xeb: {  	_ =	swait.ge [sflag:s31], $0x4000  }
0xec: {  	[sflag:s31] =	ssyncset.done $0x0  }
0xed: {  	[sflag:s31] =	ssyncadd.s32 $0xFFFFC000  }
0xee: {  	[spmem:s2] =	stream.indirect.scatter.add.f32 [tilespmem:s30], [sflag:$0x6], $0x80, s11, s29, $0xb8;
	[tilespmem:$0x1D300] =	vst v63  }
0xef: {  	_ =	swait.ge [sflag:s22], $0x4000  }
0xf0: {  	[sflag:s22] =	ssyncset.done $0x0  }
0xf1: {  	[sflag:s22] =	ssyncadd.s32 $0xFFFFC000  }
0xf2: {  	[spmem:s3] =	stream.indirect.scatter.add.f32 [tilespmem:s6], [sflag:$0x5], $0x1, s11, s29, $0xb8;
	[tilespmem:$0x1D300] =	vst v63  }
0xf3: {  	s24 =	simm.s32 $0x14C80  }
0xf4: {  	[tilespmem:s30], [sflag:$0x1] =	stream.indirect.gather [hbm4b:s5+s29], $0x80, s24, s29, $0xb8;
	[tilespmem:$0x1D300] =	vst v63  }
0xf5: {  	_ =	swait.ge [sflag:s9], $0x4000  }
0xf6: {  	[sflag:s9] =	ssyncset.done $0x0  }
0xf7: {  	[sflag:s9] =	ssyncadd.s32 $0xFFFFC000  }
0xf8: {  	[spmem:s2] =	stream.indirect.scatter.add.f32 [tilespmem:s0], [sflag:$0x6], $0x80, s28, s29, $0xb8;
	[tilespmem:$0x1D300] =	vst v63  }
0xf9: {  	_ =	swait.ge [sflag:s22], $0x4000  }
0xfa: {  	[sflag:s22] =	ssyncset.done $0x0  }
0xfb: {  	[sflag:s22] =	ssyncadd.s32 $0xFFFFC000  }
0xfc: {  	[spmem:s3] =	stream.indirect.scatter.add.f32 [tilespmem:s6], [sflag:$0x5], $0x1, s28, s29, $0xb8;
	[tilespmem:$0x1D300] =	vst v63  }
0xfd: {  	s25 =	simm.s32 $0x14D00  }
0xfe: {  	[tilespmem:s0], [sflag:$0x2] =	stream.indirect.gather [hbm4b:s5+s29], $0x80, s25, s29, $0xb8;
	[tilespmem:$0x1D300] =	vst v63  }
0xff: {  	_ =	swait.ge [sflag:s31], $0x4000  }
0x100: {  	[sflag:s31] =	ssyncset.done $0x0  }
0x101: {  	[sflag:s31] =	ssyncadd.s32 $0xFFFFC000  }
0x102: {  	[spmem:s2] =	stream.indirect.scatter.add.f32 [tilespmem:s30], [sflag:$0x6], $0x80, s15, s29, $0xb8;
	[tilespmem:$0x1D300] =	vst v63  }
0x103: {  	_ =	swait.ge [sflag:s22], $0x4000  }
0x104: {  	[sflag:s22] =	ssyncset.done $0x0  }
0x105: {  	[sflag:s22] =	ssyncadd.s32 $0xFFFFC000  }
0x106: {  	[spmem:s3] =	stream.indirect.scatter.add.f32 [tilespmem:s6], [sflag:$0x5], $0x1, s15, s29, $0xb8;
	[tilespmem:$0x1D300] =	vst v63  }
0x107: {  	s24 =	simm.s32 $0x14D80  }
0x108: {  	[tilespmem:s30], [sflag:$0x1] =	stream.indirect.gather [hbm4b:s5+s29], $0x80, s24, s29, $0xb8;
	[tilespmem:$0x1D300] =	vst v63  }
0x109: {  	_ =	swait.ge [sflag:s9], $0x4000  }
0x10a: {  	[sflag:s9] =	ssyncset.done $0x0  }
0x10b: {  	[sflag:s9] =	ssyncadd.s32 $0xFFFFC000  }
0x10c: {  	[spmem:s2] =	stream.indirect.scatter.add.f32 [tilespmem:s0], [sflag:$0x6], $0x80, s4, s29, $0xb8;
	[tilespmem:$0x1D300] =	vst v63  }
0x10d: {  	_ =	swait.ge [sflag:s22], $0x4000  }
0x10e: {  	[sflag:s22] =	ssyncset.done $0x0  }
0x10f: {  	[sflag:s22] =	ssyncadd.s32 $0xFFFFC000  }
0x110: {  	[spmem:s3] =	stream.indirect.scatter.add.f32 [tilespmem:s6], [sflag:$0x5], $0x1, s4, s29, $0xb8;
	[tilespmem:$0x1D300] =	vst v63  }
0x111: {  	s25 =	simm.s32 $0x14E00  }
0x112: {  	[tilespmem:s0], [sflag:$0x2] =	stream.indirect.gather [hbm4b:s5+s29], $0x80, s25, s29, $0xb8;
	[tilespmem:$0x1D300] =	vst v63  }
0x113: {  	_ =	swait.ge [sflag:s31], $0x4000  }
0x114: {  	[sflag:s31] =	ssyncset.done $0x0  }
0x115: {  	[sflag:s31] =	ssyncadd.s32 $0xFFFFC000  }
0x116: {  	[spmem:s2] =	stream.indirect.scatter.add.f32 [tilespmem:s30], [sflag:$0x6], $0x80, s18, s29, $0xb8;
	[tilespmem:$0x1D300] =	vst v63  }
0x117: {  	_ =	swait.ge [sflag:s22], $0x4000  }
0x118: {  	[sflag:s22] =	ssyncset.done $0x0  }
0x119: {  	s21 =	simm.s32 @p0 $0x2;
	[sflag:s22] =	ssyncadd.s32 $0xFFFFC000  }
0x11a: {  	[spmem:s3] =	stream.indirect.scatter.add.f32 [tilespmem:s6], [sflag:$0x5], $0x1, s18, s29, $0xb8;
	[tilespmem:$0x1D300] =	vst v63  }
0x11b: {  	_ =	swait.ge @p0 [sflag:s21], $0x4000  }
0x11c: {  	s24 =	simm.s32 @p0 $0x15200;
	[sflag:s21] =	ssyncset.done @p0 $0x0  }
0x11d: {  	s25 =	simm.s32 @p0 $0x19280;
	[sflag:s21] =	ssyncadd.s32 @p0 $0xFFFFC000;
	s21 =	simm.s32 @p0 $0x80  }
0x11e: {  	[spmem:s2] =	stream.indirect.scatter.add.f32 @p0 [tilespmem:s25], [sflag:$0x6], $0x80, s24, s21, $0xb8;
	[tilespmem:$0x1D300] =	vst v63  }
0x11f: {  	s25 =	simm.s32 @p0 $0x6  }
0x120: {  	_ =	swait.ge @p0 [sflag:s25], $0x4000  }
0x121: {  	[sflag:s25] =	ssyncset.done @p0 $0x0  }
0x122: {  	[sflag:s25] =	ssyncadd.s32 @p0 $0xFFFFC000;
	s25 =	simm.s32 @p0 $0x1D280  }
0x123: {  	[spmem:s3] =	stream.indirect.scatter.add.f32 @p0 [tilespmem:s25], [sflag:$0x5], $0x1, s24, s21, $0xb8;
	[tilespmem:$0x1D300] =	vst v63  }
0x124: {  	s21 =	simm.s32 @!p0 $0x80;
	s24 =	simm.s32 @!p0 $0x15280  }
0x125: {  	[tilespmem:s24], [sflag:$0x1] =	stream.indirect.gather @!p0 [hbm4b:s5+s21], $0x80, s20, s21, $0xb8;
	[tilespmem:$0x1D300] =	vst v63  }
0x126: {  	s20 =	simm.s32 @!p0 $0x2  }
0x127: {  	_ =	swait.ge @!p0 [sflag:s20], $0x4000  }
0x128: {  	s25 =	simm.s32 @!p0 $0x6;
	[sflag:s20] =	ssyncset.done @!p0 $0x0  }
0x129: {  	s24 =	simm.s32 @!p0 $0x19280;
	[sflag:s20] =	ssyncadd.s32 @!p0 $0xFFFFC000;
	s20 =	simm.s32 @!p0 $0x15200  }
0x12a: {  	[spmem:s2] =	stream.indirect.scatter.add.f32 @!p0 [tilespmem:s24], [sflag:$0x6], $0x80, s20, s21, $0xb8;
	[tilespmem:$0x1D300] =	vst v63  }
0x12b: {  	_ =	swait.ge @!p0 [sflag:s25], $0x4000  }
0x12c: {  	[sflag:s25] =	ssyncset.done @!p0 $0x0  }
0x12d: {  	[sflag:s25] =	ssyncadd.s32 @!p0 $0xFFFFC000;
	s25 =	simm.s32 @!p0 $0x1D280  }
0x12e: {  	[spmem:s3] =	stream.indirect.scatter.add.f32 @!p0 [tilespmem:s25], [sflag:$0x5], $0x1, s20, s21, $0xb8;
	[tilespmem:$0x1D300] =	vst v63  }
0x12f: {  	s20 =	simm.s32 @!p0 $0x14300  }
0x130: {  	[tilespmem:s24], [sflag:$0x2] =	stream.indirect.gather @!p0 [hbm4b:s5+s21], $0x80, s20, s21, $0xb8;
	[tilespmem:$0x1D300] =	vst v63  }
0x131: {  	_ =	swait.ge [sflag:s13], $0x80  }
0x132: {  	[sflag:s13] =	ssyncset.done $0x0  }
0x133: {  	[sflag:s13] =	ssyncadd.s32 $0xFFFFFF80  }
0x134: {  	_ =	swait.ge [sflag:s13], $0x80  }
0x135: {  	[sflag:s13] =	ssyncset.done $0x0  }
0x136: {  	[sflag:s13] =	ssyncadd.s32 $0xFFFFFF80  }
0x137: {  	_ =	swait.ge [sflag:s13], $0x80  }
0x138: {  	[sflag:s13] =	ssyncset.done $0x0  }
0x139: {  	[sflag:s13] =	ssyncadd.s32 $0xFFFFFF80  }
0x13a: {  	_ =	swait.ge [sflag:s13], $0x80  }
0x13b: {  	[sflag:s13] =	ssyncset.done $0x0  }
0x13c: {  	[sflag:s13] =	ssyncadd.s32 $0xFFFFFF80  }
0x13d: {  	_ =	swait.ge [sflag:s13], $0x80  }
0x13e: {  	[sflag:s13] =	ssyncset.done $0x0  }
0x13f: {  	[sflag:s13] =	ssyncadd.s32 $0xFFFFFF80  }
0x140: {  	_ =	swait.ge [sflag:s13], $0x80  }
0x141: {  	[sflag:s13] =	ssyncset.done $0x0  }
0x142: {  	[sflag:s13] =	ssyncadd.s32 $0xFFFFFF80  }
0x143: {  	_ =	swait.ge [sflag:s13], $0x80  }
.Ltmp2:
0x144: {  	[sflag:s13] =	ssyncset.done $0x0;
	(pc) =	sbr.rel @p0 .LBB2_4-.Ltmp2, $4  }
0x145: {  	[sflag:s13] =	ssyncadd.s32 $0xFFFFFF80  }
0x146: {  	_ =	swait.ge [sflag:s13], $0x80  }
0x147: {  	[sflag:s13] =	ssyncset.done $0x0  }
0x148: {  	s10 =	simm.s32 $0x14680;
	s12 =	simm.s32 $0x14A80;
	[sflag:s13] =	ssyncadd.s32 $0xFFFFFF80  }
.Ltmp3:
0x149: {  	s20 =	rddreg [dreg:$0x12];
	(pc) =	sbr.rel .LBB2_2-.Ltmp3, $4  }
0x14a: {  	s21 =	simm.s32 $0x0;
	s25 =	rddreg [dreg:$0x11];
	s20 =	sadd.s32 s19, s20  }
0x14b: {  	[tilespmem:s12], [sflag:$0x4] =	stream.linear.gather [hbm4b:s20+s21], $0x400, $0x38;
	[tilespmem:$0x1D300] =	vst v63  }
0x14c: {  	s24 =	simm.s32 $0x14A80;
	s20 =	sadd.s32 s19, s25;
	s19 =	sadd.s32 $0x100, s19  }
0x14d: {  	[tilespmem:s26], [sflag:$0x4] =	stream.linear.gather [hbm4b:s20+s21], $0x400, $0x38;
	[tilespmem:$0x1D300] =	vst v63  }
.LBB2_5:
0x14e: {  	_ =	sfence.sel $0x180000  }
0x14f: {  	[bflag:$0x0] =	sbarrier.arrive $0xFFFF  }
0x150: {  	_ =	strace $0x90000047  }
0x151: {  	s0 =	stileid.u32;
	[bflag:$0x2] =	sbarrier.arrive $0xFFFF  }
0x152: {  	p0 =	sne.s32 s0, $0x0;
	s0 =	rddreg [dreg:$0x4]  }
0x153: {  	s0 =	sadd.s32 @!p0 $0x100000, s0  }
0x154: {  	[sflag:s0] =	ssyncadd.tile.s32 @!p0 $0x1;
	_ =	shalt  }
.Lfunc_end2:
_tile_overlayer_lowered:
.L_overlay_start_2:
0x155: {  	(tag) =	ssettag $0x2  }
0x156: {  	s0 =	rddreg [dreg:$0x0];
	s2 =	stileid.u32  }
0x157: {  	s1 =	rddreg [dreg:$0x1];
	p0 =	sne.s32 s2, $0x0  }
0x158: {  	s3 =	rddreg [dreg:$0x2];
	[bflag:$0x3] =	sbarrier.arrive $0xFFFF;
	s2 =	simm.s32 @!p0 $0x1C06  }
0x159: {  	[timem:s3], [sflag:s2] =	dma.local @!p0 [hbm:s0], s1  }
0x15a: {  	s0 =	simm.s32 @!p0 $0x6  }
0x15b: {  	_ =	swait.ge @!p0 [sflag:s0], s1  }
0x15c: {  	s1 =	ssub.s32 @!p0 $0x0, s1;
	[sflag:s0] =	ssyncset.done @!p0 $0x0  }
0x15d: {  	[sflag:s0] =	ssyncadd.s32 @!p0 s1  }
0x15e: {  	[bflag:$0x3] =	sbarrier.arrive $0xFFFF  }
0x15f: {  	_ =	shalt  }

</sc_bundles>
